<compile_context>
chip_gen: v7x
topology: tpu7x:2x2x1
jax: 0.10.2.dev20260603
libtpu: 0.0.44.dev20260713+nightly
codegen_flags: <defaults>
</compile_context>

<pallas_src>
import functools
import math

import jax
import jax.numpy as jnp
import numpy as np
from jax import lax
from jax.experimental import pallas as pl
from jax.experimental.pallas import tpu as pltpu
from jax.experimental.pallas import tpu_sc as plsc

N_NODES = 10000
N_EDGES = 320000
D = 128
D_ATTR = 16
D_EF = 16
DW = D // 2

NC = 2
NS = 16
NW = NC * NS
E_PER_W = N_EDGES // NW
K = 80
NCHUNK = E_PER_W // K
N_PAD = 10240
ROWS_PER_TILE = N_PAD // NS
ZROWS = 32

_PERM = np.zeros(D, dtype=np.int32)
for _d4 in range(4):
    for _i in range(16):
        _PERM[16 * _d4 + _i] = 32 * _d4 + _i
        _PERM[64 + 16 * _d4 + _i] = 32 * _d4 + 16 + _i
_PMAT = np.zeros((D, D), dtype=np.float32)
for _j in range(D):
    _PMAT[_PERM[_j], _j] = 1.0


EBLK = 4000


def _coef_body(ef_ref, ea_ref, wr_ref, pm_ref, c_ref):
    s = 1.0 / math.sqrt(D_EF)
    cf = jnp.dot(ef_ref[...], wr_ref[...], preferred_element_type=jnp.float32)
    cf = jnp.dot(cf * (ea_ref[...] * s), pm_ref[...],
                 preferred_element_type=jnp.float32)
    u = lax.bitcast_convert_type(cf, jnp.uint32)
    r = (u + 0x7FFF + ((u >> 16) & 1)) >> 16
    c_ref[...] = r[:, :DW] | (r[:, DW:] << 16)


def _edge_coefs(edge_feats, edge_attrs, W_radial, pmat):
    return pl.pallas_call(
        _coef_body,
        grid=(N_EDGES // EBLK,),
        in_specs=[
            pl.BlockSpec((EBLK, D_EF), lambda i: (i, 0)),
            pl.BlockSpec((EBLK, 1), lambda i: (i, 0)),
            pl.BlockSpec((D_EF, D), lambda i: (0, 0)),
            pl.BlockSpec((D, D), lambda i: (0, 0)),
        ],
        out_specs=pl.BlockSpec((EBLK, DW), lambda i: (i, 0)),
        out_shape=jax.ShapeDtypeStruct((N_EDGES, DW), jnp.uint32),
    )(edge_feats, edge_attrs, W_radial, pmat)




def _sc_body(nf_hbm, c_hbm, snd_hbm, rcv_hbm, out_hbm,
             snd_v, rcv_v, rows_v, c_v, zbuf_v, msg_sh,
             isem0, isem1, gsem0, gsem1, csem0, csem1):
    cid = lax.axis_index("c")
    sid = lax.axis_index("s")
    wid = sid * NC + cid
    isems = (isem0, isem1)
    gsems = (gsem0, gsem1)
    csems = (csem0, csem1)
    ebase = wid * E_PER_W

    def _start_idx(j, q):
        b = ebase + j * K
        pltpu.async_copy(snd_hbm.at[pl.ds(b, K)], snd_v.at[q], isems[q])
        pltpu.async_copy(rcv_hbm.at[pl.ds(b, K)], rcv_v.at[q], isems[q])

    def _wait_idx(j, q):
        b = ebase + j * K
        pltpu.make_async_copy(snd_hbm.at[pl.ds(b, K)], snd_v.at[q], isems[q]).wait()
        pltpu.make_async_copy(rcv_hbm.at[pl.ds(b, K)], rcv_v.at[q], isems[q]).wait()

    def _start_data(j, q, p):
        pltpu.async_copy(nf_hbm.at[snd_v.at[q]], rows_v.at[p], gsems[p])
        pltpu.async_copy(c_hbm.at[pl.ds(ebase + j * K, K)], c_v.at[p], csems[p])

    def _wait_data(j, q, p):
        pltpu.make_async_copy(nf_hbm.at[snd_v.at[q]], rows_v.at[p], gsems[p]).wait()
        pltpu.make_async_copy(c_hbm.at[pl.ds(ebase + j * K, K)], c_v.at[p], csems[p]).wait()

    _start_idx(0, 0)
    _wait_idx(0, 0)
    _start_data(0, 0, 0)
    _start_idx(1, 1)

    def _zrow(i, carry):
        for d8 in range(D // 16):
            zbuf_v[i, pl.ds(d8 * 16, 16)] = jnp.zeros((16,), jnp.float32)
        return carry

    lax.fori_loop(0, ZROWS, _zrow, 0)
    for j in range(ROWS_PER_TILE // ZROWS):
        pltpu.sync_copy(zbuf_v, msg_sh.at[pl.ds(sid * ROWS_PER_TILE + j * ZROWS, ZROWS)])
    plsc.subcore_barrier()

    def _step(jj, p):
        @pl.when(jj < NCHUNK)
        def _():
            q1 = 1 - p

            @pl.when(jj + 1 < NCHUNK)
            def _():
                _wait_idx(jj + 1, q1)
                _start_data(jj + 1, q1, 1 - p)

            _wait_data(jj, p, p)

            def _mulrow(e, c2):
                hi_mask = jnp.uint32(0xFFFF0000)
                sh = jnp.uint32(16)
                for d4 in range(4):
                    cw = c_v[p, e, pl.ds(d4 * 16, 16)]
                    ca = lax.bitcast_convert_type(cw << sh, jnp.float32)
                    cb = lax.bitcast_convert_type(cw & hi_mask, jnp.float32)
                    sla = pl.ds(d4 * 32, 16)
                    slb = pl.ds(d4 * 32 + 16, 16)
                    rows_v[p, e, sla] = rows_v[p, e, sla] * ca
                    rows_v[p, e, slb] = rows_v[p, e, slb] * cb
                return c2

            lax.fori_loop(0, K, _mulrow, 0)
            pltpu.sync_copy(rows_v.at[p], msg_sh.at[rcv_v.at[p]], add=True)

            @pl.when(jj + 2 < NCHUNK)
            def _():
                _start_idx(jj + 2, p)

    def _pair(j2, carry):
        _step(2 * j2, 0)
        _step(2 * j2 + 1, 1)
        return carry

    lax.fori_loop(0, (NCHUNK + 1) // 2, _pair, 0)
    plsc.subcore_barrier()

    for j in range(ROWS_PER_TILE // ZROWS):
        r0 = sid * ROWS_PER_TILE + j * ZROWS
        pltpu.sync_copy(msg_sh.at[pl.ds(r0, ZROWS)], out_hbm.at[cid, pl.ds(r0, ZROWS)])


def _sc_message(node_feats, c_packed, snd, rcv):
    mesh = plsc.VectorSubcoreMesh(core_axis_name="c", subcore_axis_name="s")
    f = functools.partial(
        pl.kernel,
        out_type=jax.ShapeDtypeStruct((NC, N_PAD, D), jnp.float32),
        mesh=mesh,
        scratch_types=[
            pltpu.VMEM((2, K), jnp.int32),
            pltpu.VMEM((2, K), jnp.int32),
            pltpu.VMEM((2, K, D), jnp.float32),
            pltpu.VMEM((2, K, DW), jnp.uint32),
            pltpu.VMEM((ZROWS, D), jnp.float32),
            pltpu.MemorySpace.VMEM_SHARED((N_PAD, D), jnp.float32),
        ] + [pltpu.SemaphoreType.DMA] * 6,
    )(_sc_body)
    return f(node_feats, c_packed, snd, rcv)


NBLK = 2000


def _final_body(p_ref, attrs_ref, wl_ref, wst_ref, out_ref):
    msg = p_ref[0] + p_ref[1]
    m2 = jnp.dot(msg, wl_ref[...], preferred_element_type=jnp.float32) * (
        1.0 / math.sqrt(D))
    acc = jnp.zeros((NBLK, D), jnp.float32)
    for v in range(D_ATTR):
        acc = acc + attrs_ref[:, v:v + 1] * jnp.dot(
            m2, wst_ref[v], preferred_element_type=jnp.float32)
    out_ref[...] = acc * (1.0 / math.sqrt(D * D_ATTR))


def _final(partials, node_attrs, W_linear, W_skip_t):
    return pl.pallas_call(
        _final_body,
        grid=(N_NODES // NBLK,),
        in_specs=[
            pl.BlockSpec((NC, NBLK, D), lambda i: (0, i, 0)),
            pl.BlockSpec((NBLK, D_ATTR), lambda i: (i, 0)),
            pl.BlockSpec((D, D), lambda i: (0, 0)),
            pl.BlockSpec((D_ATTR, D, D), lambda i: (0, 0, 0)),
        ],
        out_specs=pl.BlockSpec((NBLK, D), lambda i: (i, 0)),
        out_shape=jax.ShapeDtypeStruct((N_NODES, D), jnp.float32),
    )(partials, node_attrs, W_linear, W_skip_t)


def kernel(node_attrs, node_feats, edge_attrs, edge_feats, edge_index, W_radial, W_linear, W_skip):
    snd = edge_index[0]
    rcv = edge_index[1]
    pmat = jnp.asarray(_PMAT)
    c_packed = _edge_coefs(edge_feats, edge_attrs, W_radial, pmat)
    partials = _sc_message(node_feats, c_packed, snd, rcv)
    return _final(partials, node_attrs, W_linear, W_skip.transpose(1, 0, 2))

# --- scband reference (transcript-rebuilt; emitter-appended) ---
"""Pipeline reference for scband-simple-interaction-block-65171833750294 (READ-ONLY COPY).

The authoritative reference and input builder live on the scoring server;
editing this copy changes nothing except your own understanding.
"""

import jax, jax.numpy as jnp
import numpy as np

N_NODES = 10000
N_EDGES = 320000
D_FEAT = 128
D_ATTR = 16
D_EDGE_FEAT = 16
D_EDGE_ATTR = 1


def setup_inputs(seed: int = 0) -> dict:
    key = jax.random.key(seed)
    ks = jax.random.split(key, 8)
    node_attrs = jax.random.normal(ks[0], (N_NODES, D_ATTR), dtype=jnp.float32)
    node_feats = jax.random.normal(ks[1], (N_NODES, D_FEAT), dtype=jnp.float32)
    edge_attrs = jax.random.normal(ks[2], (N_EDGES, D_EDGE_ATTR), dtype=jnp.float32)
    edge_feats = jax.random.normal(ks[3], (N_EDGES, D_EDGE_FEAT), dtype=jnp.float32)
    edge_index = jax.random.randint(ks[4], (2, N_EDGES), 0, N_NODES, dtype=jnp.int32)
    # Learned parameters.
    # conv_tp with node_feats=128x0e, edge_attrs=1x0e, target=128x0e in 'uvu' mode
    # has weight_numel = 128; conv_tp_weights is o3.Linear(16x0e -> 128x0e).
    W_radial = jax.random.normal(ks[5], (D_EDGE_FEAT, D_FEAT), dtype=jnp.float32)
    # self.linear: o3.Linear(128x0e -> 128x0e)
    W_linear = jax.random.normal(ks[6], (D_FEAT, D_FEAT), dtype=jnp.float32)
    # self.skip_tp: FullyConnectedTensorProduct(128x0e, 16x0e -> 128x0e)
    W_skip = jax.random.normal(ks[7], (D_FEAT, D_ATTR, D_FEAT), dtype=jnp.float32)
    return {
        "node_attrs": node_attrs,
        "node_feats": node_feats,
        "edge_attrs": edge_attrs,
        "edge_feats": edge_feats,
        "edge_index": edge_index,
        "W_radial": W_radial,
        "W_linear": W_linear,
        "W_skip": W_skip,
    }


def reference(node_attrs, node_feats, edge_attrs, edge_feats, edge_index, W_radial, W_linear, W_skip):
    sender = edge_index[0]
    receiver = edge_index[1]
    num_nodes = node_feats.shape[0]
    # tp_weights = self.conv_tp_weights(edge_feats): o3.Linear with 1/sqrt(fan_in) norm
    tp_weights = (edge_feats @ W_radial) / jnp.sqrt(jnp.float32(D_EDGE_FEAT))  # [E, 128]
    # mji = self.conv_tp(node_feats[sender], edge_attrs, tp_weights):
    # for 0e x 0e -> 0e uvu paths this is an elementwise weighted product per edge
    gathered = jnp.take(node_feats, sender, axis=0)  # [E, 128] gather (SparseCore)
    mji = gathered * edge_attrs * tp_weights  # [E, 128]
    # message = scatter_sum(mji, receiver, dim_size=num_nodes)
    message = jax.ops.segment_sum(mji, receiver, num_segments=num_nodes)  # [N, 128]
    # message = self.linear(message): o3.Linear with 1/sqrt(fan_in) norm
    message = (message @ W_linear) / jnp.sqrt(jnp.float32(D_FEAT))  # [N, 128]
    # self.skip_tp(message, node_attrs): FullyConnectedTensorProduct
    out = jnp.einsum("nu,nv,uvw->nw", message, node_attrs, W_skip) / jnp.sqrt(jnp.float32(D_FEAT * D_ATTR))
    return out

if __name__ == "__main__":
    import jax
    _d = setup_inputs()
    print(jax.jit(kernel)(*tuple(_d.values())))

</pallas_src>

<mosaic_0001>
#map = affine_map<(d0, d1) -> (0, 0)>
#map1 = affine_map<(d0, d1) -> (0)>
#map2 = affine_map<(d0, d1) -> (0, 0, 0)>
module attributes {stable_mosaic.version = 14 : i64} {
  func.func @_sc_body(%arg0: i32, %arg1: i32, %arg2: memref<10000x128xf32, #tpu.memory_space<hbm>>, %arg3: memref<320000x64xi32, #tpu.memory_space<hbm>>, %arg4: memref<320000xi32, #tpu.memory_space<hbm>>, %arg5: memref<320000xi32, #tpu.memory_space<hbm>>, %arg6: memref<2x10240x128xf32, #tpu.memory_space<hbm>>, %arg7: memref<2x80xi32, #tpu.memory_space<vmem>>, %arg8: memref<2x80xi32, #tpu.memory_space<vmem>>, %arg9: memref<2x80x128xf32, #tpu.memory_space<vmem>>, %arg10: memref<2x80x64xi32, #tpu.memory_space<vmem>>, %arg11: memref<32x128xf32, #tpu.memory_space<vmem>>, %arg12: memref<10240x128xf32, #tpu.memory_space<vmem_shared>>, %arg13: memref<!tpu.dma_semaphore, #tpu.memory_space<semaphore_mem>>, %arg14: memref<!tpu.dma_semaphore, #tpu.memory_space<semaphore_mem>>, %arg15: memref<!tpu.dma_semaphore, #tpu.memory_space<semaphore_mem>>, %arg16: memref<!tpu.dma_semaphore, #tpu.memory_space<semaphore_mem>>, %arg17: memref<!tpu.dma_semaphore, #tpu.memory_space<semaphore_mem>>, %arg18: memref<!tpu.dma_semaphore, #tpu.memory_space<semaphore_mem>>) attributes {dimension_semantics = [#tpu.dimension_semantics<core_parallel>, #tpu.dimension_semantics<subcore_parallel>], iteration_bounds = array<i64: 2, 16>, scalar_prefetch = 0 : i64, scratch_operands = 12 : i64, tpu.core_type = #tpu.core_type<sc_vector_subcore>, window_params = [{transform_indices = #map}, {transform_indices = #map}, {transform_indices = #map1}, {transform_indices = #map1}, {transform_indices = #map2}]} {
    %mul3A = arith.constant 2 : i32
    %mul3A_0 = arith.muli %arg1, %mul3A : i32
    %add3A = arith.addi %mul3A_0, %arg0 : i32
    %mul3A_1 = arith.constant 10000 : i32
    %mul3A_2 = arith.muli %add3A, %mul3A_1 : i32
    %add3A_3 = arith.constant 0 : i32
    %add3A_4 = arith.addi %mul3A_2, %add3A_3 : i32
    %dma_start3A = arith.constant 0 : i32
    %dma_start3A_5 = arith.constant 0 : i32
    %dma_start3A_6 = tpu.memref_slice %arg7[%dma_start3A, %dma_start3A_5] : memref<2x80xi32, #tpu.memory_space<vmem>> -> memref<1x80xi32, #tpu.memory_space<vmem>>
    %dma_start3A_7 = tpu.memref_squeeze %dma_start3A_6 : memref<1x80xi32, #tpu.memory_space<vmem>> -> memref<80xi32, #tpu.memory_space<vmem>>
    %dma_start3A_8 = tpu.memref_slice %arg4[%add3A_4] : memref<320000xi32, #tpu.memory_space<hbm>> -> memref<80xi32, #tpu.memory_space<hbm>>
    %dma_start3A_9 = arith.constant 0 : i32
    %dma_start3A_10 = tpu.memref_slice %arg7[%dma_start3A, %dma_start3A_9] : memref<2x80xi32, #tpu.memory_space<vmem>> -> memref<1x80xi32, #tpu.memory_space<vmem>>
    %dma_start3A_11 = tpu.memref_squeeze %dma_start3A_10 : memref<1x80xi32, #tpu.memory_space<vmem>> -> memref<80xi32, #tpu.memory_space<vmem>>
    %dma_start3A_12 = tpu.memref_slice %arg4[%add3A_4] : memref<320000xi32, #tpu.memory_space<hbm>> -> memref<80xi32, #tpu.memory_space<hbm>>
    tpu.enqueue_dma source(%dma_start3A_12 : memref<80xi32, #tpu.memory_space<hbm>>) target(%dma_start3A_11 : memref<80xi32, #tpu.memory_space<vmem>>) target_semaphore(%arg13 : memref<!tpu.dma_semaphore, #tpu.memory_space<semaphore_mem>>)
    %dma_start3A_13 = arith.constant 0 : i32
    %dma_start3A_14 = arith.constant 0 : i32
    %dma_start3A_15 = tpu.memref_slice %arg8[%dma_start3A_13, %dma_start3A_14] : memref<2x80xi32, #tpu.memory_space<vmem>> -> memref<1x80xi32, #tpu.memory_space<vmem>>
    %dma_start3A_16 = tpu.memref_squeeze %dma_start3A_15 : memref<1x80xi32, #tpu.memory_space<vmem>> -> memref<80xi32, #tpu.memory_space<vmem>>
    %dma_start3A_17 = tpu.memref_slice %arg5[%add3A_4] : memref<320000xi32, #tpu.memory_space<hbm>> -> memref<80xi32, #tpu.memory_space<hbm>>
    %dma_start3A_18 = arith.constant 0 : i32
    %dma_start3A_19 = tpu.memref_slice %arg8[%dma_start3A_13, %dma_start3A_18] : memref<2x80xi32, #tpu.memory_space<vmem>> -> memref<1x80xi32, #tpu.memory_space<vmem>>
    %dma_start3A_20 = tpu.memref_squeeze %dma_start3A_19 : memref<1x80xi32, #tpu.memory_space<vmem>> -> memref<80xi32, #tpu.memory_space<vmem>>
    %dma_start3A_21 = tpu.memref_slice %arg5[%add3A_4] : memref<320000xi32, #tpu.memory_space<hbm>> -> memref<80xi32, #tpu.memory_space<hbm>>
    tpu.enqueue_dma source(%dma_start3A_21 : memref<80xi32, #tpu.memory_space<hbm>>) target(%dma_start3A_20 : memref<80xi32, #tpu.memory_space<vmem>>) target_semaphore(%arg13 : memref<!tpu.dma_semaphore, #tpu.memory_space<semaphore_mem>>)
    %add3A_22 = arith.constant 0 : i32
    %add3A_23 = arith.addi %mul3A_2, %add3A_22 : i32
    %dma_wait3A = arith.constant 0 : i32
    %dma_wait3A_24 = arith.constant 0 : i32
    %dma_wait3A_25 = tpu.memref_slice %arg7[%dma_wait3A, %dma_wait3A_24] : memref<2x80xi32, #tpu.memory_space<vmem>> -> memref<1x80xi32, #tpu.memory_space<vmem>>
    %dma_wait3A_26 = tpu.memref_squeeze %dma_wait3A_25 : memref<1x80xi32, #tpu.memory_space<vmem>> -> memref<80xi32, #tpu.memory_space<vmem>>
    %dma_wait3A_27 = tpu.memref_slice %arg4[%add3A_23] : memref<320000xi32, #tpu.memory_space<hbm>> -> memref<80xi32, #tpu.memory_space<hbm>>
    %dma_wait3A_28 = arith.constant 0 : i32
    %dma_wait3A_29 = tpu.memref_slice %arg7[%dma_wait3A, %dma_wait3A_28] : memref<2x80xi32, #tpu.memory_space<vmem>> -> memref<1x80xi32, #tpu.memory_space<vmem>>
    %dma_wait3A_30 = tpu.memref_squeeze %dma_wait3A_29 : memref<1x80xi32, #tpu.memory_space<vmem>> -> memref<80xi32, #tpu.memory_space<vmem>>
    %dma_wait3A_31 = tpu.memref_slice %arg4[%add3A_23] : memref<320000xi32, #tpu.memory_space<hbm>> -> memref<80xi32, #tpu.memory_space<hbm>>
    tpu.wait_dma2 semaphore(%arg13 : memref<!tpu.dma_semaphore, #tpu.memory_space<semaphore_mem>>) src(%dma_wait3A_31 : memref<80xi32, #tpu.memory_space<hbm>>) dst(%dma_wait3A_30 : memref<80xi32, #tpu.memory_space<vmem>>)
    %dma_wait3A_32 = arith.constant 0 : i32
    %dma_wait3A_33 = arith.constant 0 : i32
    %dma_wait3A_34 = tpu.memref_slice %arg8[%dma_wait3A_32, %dma_wait3A_33] : memref<2x80xi32, #tpu.memory_space<vmem>> -> memref<1x80xi32, #tpu.memory_space<vmem>>
    %dma_wait3A_35 = tpu.memref_squeeze %dma_wait3A_34 : memref<1x80xi32, #tpu.memory_space<vmem>> -> memref<80xi32, #tpu.memory_space<vmem>>
    %dma_wait3A_36 = tpu.memref_slice %arg5[%add3A_23] : memref<320000xi32, #tpu.memory_space<hbm>> -> memref<80xi32, #tpu.memory_space<hbm>>
    %dma_wait3A_37 = arith.constant 0 : i32
    %dma_wait3A_38 = tpu.memref_slice %arg8[%dma_wait3A_32, %dma_wait3A_37] : memref<2x80xi32, #tpu.memory_space<vmem>> -> memref<1x80xi32, #tpu.memory_space<vmem>>
    %dma_wait3A_39 = tpu.memref_squeeze %dma_wait3A_38 : memref<1x80xi32, #tpu.memory_space<vmem>> -> memref<80xi32, #tpu.memory_space<vmem>>
    %dma_wait3A_40 = tpu.memref_slice %arg5[%add3A_23] : memref<320000xi32, #tpu.memory_space<hbm>> -> memref<80xi32, #tpu.memory_space<hbm>>
    tpu.wait_dma2 semaphore(%arg13 : memref<!tpu.dma_semaphore, #tpu.memory_space<semaphore_mem>>) src(%dma_wait3A_40 : memref<80xi32, #tpu.memory_space<hbm>>) dst(%dma_wait3A_39 : memref<80xi32, #tpu.memory_space<vmem>>)
    %dma_start3A_41 = arith.constant 0 : i32
    %dma_start3A_42 = arith.constant 0 : i32
    %dma_start3A_43 = arith.constant 0 : i32
    %dma_start3A_44 = arith.constant 0 : i32
    %dma_start3A_45 = tpu.memref_slice %arg9[%dma_start3A_42, %dma_start3A_43, %dma_start3A_44] : memref<2x80x128xf32, #tpu.memory_space<vmem>> -> memref<1x80x128xf32, #tpu.memory_space<vmem>>
    %dma_start3A_46 = tpu.memref_squeeze %dma_start3A_45 : memref<1x80x128xf32, #tpu.memory_space<vmem>> -> memref<80x128xf32, #tpu.memory_space<vmem>>
    %dma_start3A_47 = arith.constant 0 : i32
    %dma_start3A_48 = tpu.memref_slice %arg7[%dma_start3A_41, %dma_start3A_47] : memref<2x80xi32, #tpu.memory_space<vmem>> -> memref<1x80xi32, #tpu.memory_space<vmem>>
    %dma_start3A_49 = tpu.memref_squeeze %dma_start3A_48 : memref<1x80xi32, #tpu.memory_space<vmem>> -> memref<80xi32, #tpu.memory_space<vmem>>
    %dma_start3A_50 = arith.constant 0 : i32
    %dma_start3A_51 = arith.constant 0 : i32
    %dma_start3A_52 = tpu.memref_slice %arg2[%dma_start3A_50, %dma_start3A_51] : memref<10000x128xf32, #tpu.memory_space<hbm>> -> memref<10000x128xf32, #tpu.memory_space<hbm>>
    tpu.enqueue_indirect_dma source(%dma_start3A_52 : memref<10000x128xf32, #tpu.memory_space<hbm>>) target(%dma_start3A_46 : memref<80x128xf32, #tpu.memory_space<vmem>>) offsets(%dma_start3A_49 : memref<80xi32, #tpu.memory_space<vmem>>) semaphore(%arg15 : memref<!tpu.dma_semaphore, #tpu.memory_space<semaphore_mem>>)
    %add3A_53 = arith.constant 0 : i32
    %add3A_54 = arith.addi %mul3A_2, %add3A_53 : i32
    %dma_start3A_55 = arith.constant 0 : i32
    %dma_start3A_56 = arith.constant 0 : i32
    %dma_start3A_57 = arith.constant 0 : i32
    %dma_start3A_58 = tpu.memref_slice %arg10[%dma_start3A_55, %dma_start3A_56, %dma_start3A_57] : memref<2x80x64xi32, #tpu.memory_space<vmem>> -> memref<1x80x64xi32, #tpu.memory_space<vmem>>
    %dma_start3A_59 = tpu.memref_squeeze %dma_start3A_58 : memref<1x80x64xi32, #tpu.memory_space<vmem>> -> memref<80x64xi32, #tpu.memory_space<vmem>>
    %dma_start3A_60 = arith.constant 0 : i32
    %dma_start3A_61 = tpu.memref_slice %arg3[%add3A_54, %dma_start3A_60] : memref<320000x64xi32, #tpu.memory_space<hbm>> -> memref<80x64xi32, #tpu.memory_space<hbm>>
    %dma_start3A_62 = arith.constant 0 : i32
    %dma_start3A_63 = arith.constant 0 : i32
    %dma_start3A_64 = tpu.memref_slice %arg10[%dma_start3A_55, %dma_start3A_62, %dma_start3A_63] : memref<2x80x64xi32, #tpu.memory_space<vmem>> -> memref<1x80x64xi32, #tpu.memory_space<vmem>>
    %dma_start3A_65 = tpu.memref_squeeze %dma_start3A_64 : memref<1x80x64xi32, #tpu.memory_space<vmem>> -> memref<80x64xi32, #tpu.memory_space<vmem>>
    %dma_start3A_66 = arith.constant 0 : i32
    %dma_start3A_67 = tpu.memref_slice %arg3[%add3A_54, %dma_start3A_66] : memref<320000x64xi32, #tpu.memory_space<hbm>> -> memref<80x64xi32, #tpu.memory_space<hbm>>
    tpu.enqueue_dma source(%dma_start3A_67 : memref<80x64xi32, #tpu.memory_space<hbm>>) target(%dma_start3A_65 : memref<80x64xi32, #tpu.memory_space<vmem>>) target_semaphore(%arg17 : memref<!tpu.dma_semaphore, #tpu.memory_space<semaphore_mem>>)
    %add3A_68 = arith.constant 80 : i32
    %add3A_69 = arith.addi %mul3A_2, %add3A_68 : i32
    %dma_start3A_70 = arith.constant 1 : i32
    %dma_start3A_71 = arith.constant 0 : i32
    %dma_start3A_72 = tpu.memref_slice %arg7[%dma_start3A_70, %dma_start3A_71] : memref<2x80xi32, #tpu.memory_space<vmem>> -> memref<1x80xi32, #tpu.memory_space<vmem>>
    %dma_start3A_73 = tpu.memref_squeeze %dma_start3A_72 : memref<1x80xi32, #tpu.memory_space<vmem>> -> memref<80xi32, #tpu.memory_space<vmem>>
    %dma_start3A_74 = tpu.memref_slice %arg4[%add3A_69] : memref<320000xi32, #tpu.memory_space<hbm>> -> memref<80xi32, #tpu.memory_space<hbm>>
    %dma_start3A_75 = arith.constant 0 : i32
    %dma_start3A_76 = tpu.memref_slice %arg7[%dma_start3A_70, %dma_start3A_75] : memref<2x80xi32, #tpu.memory_space<vmem>> -> memref<1x80xi32, #tpu.memory_space<vmem>>
    %dma_start3A_77 = tpu.memref_squeeze %dma_start3A_76 : memref<1x80xi32, #tpu.memory_space<vmem>> -> memref<80xi32, #tpu.memory_space<vmem>>
    %dma_start3A_78 = tpu.memref_slice %arg4[%add3A_69] : memref<320000xi32, #tpu.memory_space<hbm>> -> memref<80xi32, #tpu.memory_space<hbm>>
    tpu.enqueue_dma source(%dma_start3A_78 : memref<80xi32, #tpu.memory_space<hbm>>) target(%dma_start3A_77 : memref<80xi32, #tpu.memory_space<vmem>>) target_semaphore(%arg14 : memref<!tpu.dma_semaphore, #tpu.memory_space<semaphore_mem>>)
    %dma_start3A_79 = arith.constant 1 : i32
    %dma_start3A_80 = arith.constant 0 : i32
    %dma_start3A_81 = tpu.memref_slice %arg8[%dma_start3A_79, %dma_start3A_80] : memref<2x80xi32, #tpu.memory_space<vmem>> -> memref<1x80xi32, #tpu.memory_space<vmem>>
    %dma_start3A_82 = tpu.memref_squeeze %dma_start3A_81 : memref<1x80xi32, #tpu.memory_space<vmem>> -> memref<80xi32, #tpu.memory_space<vmem>>
    %dma_start3A_83 = tpu.memref_slice %arg5[%add3A_69] : memref<320000xi32, #tpu.memory_space<hbm>> -> memref<80xi32, #tpu.memory_space<hbm>>
    %dma_start3A_84 = arith.constant 0 : i32
    %dma_start3A_85 = tpu.memref_slice %arg8[%dma_start3A_79, %dma_start3A_84] : memref<2x80xi32, #tpu.memory_space<vmem>> -> memref<1x80xi32, #tpu.memory_space<vmem>>
    %dma_start3A_86 = tpu.memref_squeeze %dma_start3A_85 : memref<1x80xi32, #tpu.memory_space<vmem>> -> memref<80xi32, #tpu.memory_space<vmem>>
    %dma_start3A_87 = tpu.memref_slice %arg5[%add3A_69] : memref<320000xi32, #tpu.memory_space<hbm>> -> memref<80xi32, #tpu.memory_space<hbm>>
    tpu.enqueue_dma source(%dma_start3A_87 : memref<80xi32, #tpu.memory_space<hbm>>) target(%dma_start3A_86 : memref<80xi32, #tpu.memory_space<vmem>>) target_semaphore(%arg14 : memref<!tpu.dma_semaphore, #tpu.memory_space<semaphore_mem>>)
    %scan3A = arith.constant 0 : i32
    %scan3A_88 = arith.constant 0 : i32
    %scan3A_89 = arith.constant 32 : i32
    %scan3A_90 = arith.addi %scan3A_88, %scan3A_89 : i32
    %scan3A_91 = arith.constant 1 : i32
    scf.for %scan3A_260 = %scan3A_88 to %scan3A_90 step %scan3A_91  : i32 {
      %broadcast_in_dim3A = arith.constant 0.000000e+00 : f32
      %broadcast_in_dim3A_261 = vector.broadcast %broadcast_in_dim3A : f32 to vector<16xf32>
      %swap3A = arith.index_cast %scan3A_260 : i32 to index
      %swap3A_262 = arith.constant 0 : index
      %swap3A_263 = tpu.vector_load %arg11[%swap3A, %swap3A_262] {strides = array<i32>} : memref<32x128xf32, #tpu.memory_space<vmem>>, vector<1x16xf32>,
      %swap3A_264 = vector.shape_cast %swap3A_263 : vector<1x16xf32> to vector<16xf32>
      %swap3A_265 = vector.shape_cast %broadcast_in_dim3A_261 : vector<16xf32> to vector<1x16xf32>
      tpu.vector_store %arg11[%swap3A, %swap3A_262], %swap3A_265 {strides = array<i32>} : memref<32x128xf32, #tpu.memory_space<vmem>>, vector<1x16xf32>,
      %broadcast_in_dim3A_266 = arith.constant 0.000000e+00 : f32
      %broadcast_in_dim3A_267 = vector.broadcast %broadcast_in_dim3A_266 : f32 to vector<16xf32>
      %swap3A_268 = arith.index_cast %scan3A_260 : i32 to index
      %swap3A_269 = arith.constant 16 : index
      %swap3A_270 = tpu.vector_load %arg11[%swap3A_268, %swap3A_269] {strides = array<i32>} : memref<32x128xf32, #tpu.memory_space<vmem>>, vector<1x16xf32>,
      %swap3A_271 = vector.shape_cast %swap3A_270 : vector<1x16xf32> to vector<16xf32>
      %swap3A_272 = vector.shape_cast %broadcast_in_dim3A_267 : vector<16xf32> to vector<1x16xf32>
      tpu.vector_store %arg11[%swap3A_268, %swap3A_269], %swap3A_272 {strides = array<i32>} : memref<32x128xf32, #tpu.memory_space<vmem>>, vector<1x16xf32>,
      %broadcast_in_dim3A_273 = arith.constant 0.000000e+00 : f32
      %broadcast_in_dim3A_274 = vector.broadcast %broadcast_in_dim3A_273 : f32 to vector<16xf32>
      %swap3A_275 = arith.index_cast %scan3A_260 : i32 to index
      %swap3A_276 = arith.constant 32 : index
      %swap3A_277 = tpu.vector_load %arg11[%swap3A_275, %swap3A_276] {strides = array<i32>} : memref<32x128xf32, #tpu.memory_space<vmem>>, vector<1x16xf32>,
      %swap3A_278 = vector.shape_cast %swap3A_277 : vector<1x16xf32> to vector<16xf32>
      %swap3A_279 = vector.shape_cast %broadcast_in_dim3A_274 : vector<16xf32> to vector<1x16xf32>
      tpu.vector_store %arg11[%swap3A_275, %swap3A_276], %swap3A_279 {strides = array<i32>} : memref<32x128xf32, #tpu.memory_space<vmem>>, vector<1x16xf32>,
      %broadcast_in_dim3A_280 = arith.constant 0.000000e+00 : f32
      %broadcast_in_dim3A_281 = vector.broadcast %broadcast_in_dim3A_280 : f32 to vector<16xf32>
      %swap3A_282 = arith.index_cast %scan3A_260 : i32 to index
      %swap3A_283 = arith.constant 48 : index
      %swap3A_284 = tpu.vector_load %arg11[%swap3A_282, %swap3A_283] {strides = array<i32>} : memref<32x128xf32, #tpu.memory_space<vmem>>, vector<1x16xf32>,
      %swap3A_285 = vector.shape_cast %swap3A_284 : vector<1x16xf32> to vector<16xf32>
      %swap3A_286 = vector.shape_cast %broadcast_in_dim3A_281 : vector<16xf32> to vector<1x16xf32>
      tpu.vector_store %arg11[%swap3A_282, %swap3A_283], %swap3A_286 {strides = array<i32>} : memref<32x128xf32, #tpu.memory_space<vmem>>, vector<1x16xf32>,
      %broadcast_in_dim3A_287 = arith.constant 0.000000e+00 : f32
      %broadcast_in_dim3A_288 = vector.broadcast %broadcast_in_dim3A_287 : f32 to vector<16xf32>
      %swap3A_289 = arith.index_cast %scan3A_260 : i32 to index
      %swap3A_290 = arith.constant 64 : index
      %swap3A_291 = tpu.vector_load %arg11[%swap3A_289, %swap3A_290] {strides = array<i32>} : memref<32x128xf32, #tpu.memory_space<vmem>>, vector<1x16xf32>,
      %swap3A_292 = vector.shape_cast %swap3A_291 : vector<1x16xf32> to vector<16xf32>
      %swap3A_293 = vector.shape_cast %broadcast_in_dim3A_288 : vector<16xf32> to vector<1x16xf32>
      tpu.vector_store %arg11[%swap3A_289, %swap3A_290], %swap3A_293 {strides = array<i32>} : memref<32x128xf32, #tpu.memory_space<vmem>>, vector<1x16xf32>,
      %broadcast_in_dim3A_294 = arith.constant 0.000000e+00 : f32
      %broadcast_in_dim3A_295 = vector.broadcast %broadcast_in_dim3A_294 : f32 to vector<16xf32>
      %swap3A_296 = arith.index_cast %scan3A_260 : i32 to index
      %swap3A_297 = arith.constant 80 : index
      %swap3A_298 = tpu.vector_load %arg11[%swap3A_296, %swap3A_297] {strides = array<i32>} : memref<32x128xf32, #tpu.memory_space<vmem>>, vector<1x16xf32>,
      %swap3A_299 = vector.shape_cast %swap3A_298 : vector<1x16xf32> to vector<16xf32>
      %swap3A_300 = vector.shape_cast %broadcast_in_dim3A_295 : vector<16xf32> to vector<1x16xf32>
      tpu.vector_store %arg11[%swap3A_296, %swap3A_297], %swap3A_300 {strides = array<i32>} : memref<32x128xf32, #tpu.memory_space<vmem>>, vector<1x16xf32>,
      %broadcast_in_dim3A_301 = arith.constant 0.000000e+00 : f32
      %broadcast_in_dim3A_302 = vector.broadcast %broadcast_in_dim3A_301 : f32 to vector<16xf32>
      %swap3A_303 = arith.index_cast %scan3A_260 : i32 to index
      %swap3A_304 = arith.constant 96 : index
      %swap3A_305 = tpu.vector_load %arg11[%swap3A_303, %swap3A_304] {strides = array<i32>} : memref<32x128xf32, #tpu.memory_space<vmem>>, vector<1x16xf32>,
      %swap3A_306 = vector.shape_cast %swap3A_305 : vector<1x16xf32> to vector<16xf32>
      %swap3A_307 = vector.shape_cast %broadcast_in_dim3A_302 : vector<16xf32> to vector<1x16xf32>
      tpu.vector_store %arg11[%swap3A_303, %swap3A_304], %swap3A_307 {strides = array<i32>} : memref<32x128xf32, #tpu.memory_space<vmem>>, vector<1x16xf32>,
      %broadcast_in_dim3A_308 = arith.constant 0.000000e+00 : f32
      %broadcast_in_dim3A_309 = vector.broadcast %broadcast_in_dim3A_308 : f32 to vector<16xf32>
      %swap3A_310 = arith.index_cast %scan3A_260 : i32 to index
      %swap3A_311 = arith.constant 112 : index
      %swap3A_312 = tpu.vector_load %arg11[%swap3A_310, %swap3A_311] {strides = array<i32>} : memref<32x128xf32, #tpu.memory_space<vmem>>, vector<1x16xf32>,
      %swap3A_313 = vector.shape_cast %swap3A_312 : vector<1x16xf32> to vector<16xf32>
      %swap3A_314 = vector.shape_cast %broadcast_in_dim3A_309 : vector<16xf32> to vector<1x16xf32>
      tpu.vector_store %arg11[%swap3A_310, %swap3A_311], %swap3A_314 {strides = array<i32>} : memref<32x128xf32, #tpu.memory_space<vmem>>, vector<1x16xf32>,
    }
    %scan3A_92 = arith.constant 32 : i32
    %mul3A_93 = arith.constant 640 : i32
    %mul3A_94 = arith.muli %arg1, %mul3A_93 : i32
    %add3A_95 = arith.constant 0 : i32
    %add3A_96 = arith.addi %mul3A_94, %add3A_95 : i32
    "tpu.region"() ({
      %run_scoped3A = tpu.sem_alloc : memref<!tpu.dma_semaphore, #tpu.memory_space<semaphore_mem>>
      %dma_start3A_260 = arith.constant 0 : i32
      %dma_start3A_261 = tpu.memref_slice %arg12[%add3A_96, %dma_start3A_260] : memref<10240x128xf32, #tpu.memory_space<vmem_shared>> -> memref<32x128xf32, #tpu.memory_space<vmem_shared>>
      %dma_start3A_262 = arith.constant 0 : i32
      %dma_start3A_263 = tpu.memref_slice %arg12[%add3A_96, %dma_start3A_262] : memref<10240x128xf32, #tpu.memory_space<vmem_shared>> -> memref<32x128xf32, #tpu.memory_space<vmem_shared>>
      tpu.enqueue_dma source(%arg11 : memref<32x128xf32, #tpu.memory_space<vmem>>) target(%dma_start3A_263 : memref<32x128xf32, #tpu.memory_space<vmem_shared>>) target_semaphore(%run_scoped3A : memref<!tpu.dma_semaphore, #tpu.memory_space<semaphore_mem>>)
      %dma_wait3A_264 = arith.constant 0 : i32
      %dma_wait3A_265 = tpu.memref_slice %arg12[%add3A_96, %dma_wait3A_264] : memref<10240x128xf32, #tpu.memory_space<vmem_shared>> -> memref<32x128xf32, #tpu.memory_space<vmem_shared>>
      %dma_wait3A_266 = arith.constant 0 : i32
      %dma_wait3A_267 = tpu.memref_slice %arg12[%add3A_96, %dma_wait3A_266] : memref<10240x128xf32, #tpu.memory_space<vmem_shared>> -> memref<32x128xf32, #tpu.memory_space<vmem_shared>>
      tpu.wait_dma2 semaphore(%run_scoped3A : memref<!tpu.dma_semaphore, #tpu.memory_space<semaphore_mem>>) src(%arg11 : memref<32x128xf32, #tpu.memory_space<vmem>>) dst(%dma_wait3A_267 : memref<32x128xf32, #tpu.memory_space<vmem_shared>>)
      tpu.yield
    }) : () -> ()
    %mul3A_97 = arith.constant 640 : i32
    %mul3A_98 = arith.muli %arg1, %mul3A_97 : i32
    %add3A_99 = arith.constant 32 : i32
    %add3A_100 = arith.addi %mul3A_98, %add3A_99 : i32
    "tpu.region"() ({
      %run_scoped3A = tpu.sem_alloc : memref<!tpu.dma_semaphore, #tpu.memory_space<semaphore_mem>>
      %dma_start3A_260 = arith.constant 0 : i32
      %dma_start3A_261 = tpu.memref_slice %arg12[%add3A_100, %dma_start3A_260] : memref<10240x128xf32, #tpu.memory_space<vmem_shared>> -> memref<32x128xf32, #tpu.memory_space<vmem_shared>>
      %dma_start3A_262 = arith.constant 0 : i32
      %dma_start3A_263 = tpu.memref_slice %arg12[%add3A_100, %dma_start3A_262] : memref<10240x128xf32, #tpu.memory_space<vmem_shared>> -> memref<32x128xf32, #tpu.memory_space<vmem_shared>>
      tpu.enqueue_dma source(%arg11 : memref<32x128xf32, #tpu.memory_space<vmem>>) target(%dma_start3A_263 : memref<32x128xf32, #tpu.memory_space<vmem_shared>>) target_semaphore(%run_scoped3A : memref<!tpu.dma_semaphore, #tpu.memory_space<semaphore_mem>>)
      %dma_wait3A_264 = arith.constant 0 : i32
      %dma_wait3A_265 = tpu.memref_slice %arg12[%add3A_100, %dma_wait3A_264] : memref<10240x128xf32, #tpu.memory_space<vmem_shared>> -> memref<32x128xf32, #tpu.memory_space<vmem_shared>>
      %dma_wait3A_266 = arith.constant 0 : i32
      %dma_wait3A_267 = tpu.memref_slice %arg12[%add3A_100, %dma_wait3A_266] : memref<10240x128xf32, #tpu.memory_space<vmem_shared>> -> memref<32x128xf32, #tpu.memory_space<vmem_shared>>
      tpu.wait_dma2 semaphore(%run_scoped3A : memref<!tpu.dma_semaphore, #tpu.memory_space<semaphore_mem>>) src(%arg11 : memref<32x128xf32, #tpu.memory_space<vmem>>) dst(%dma_wait3A_267 : memref<32x128xf32, #tpu.memory_space<vmem_shared>>)
      tpu.yield
    }) : () -> ()
    %mul3A_101 = arith.constant 640 : i32
    %mul3A_102 = arith.muli %arg1, %mul3A_101 : i32
    %add3A_103 = arith.constant 64 : i32
    %add3A_104 = arith.addi %mul3A_102, %add3A_103 : i32
    "tpu.region"() ({
      %run_scoped3A = tpu.sem_alloc : memref<!tpu.dma_semaphore, #tpu.memory_space<semaphore_mem>>
      %dma_start3A_260 = arith.constant 0 : i32
      %dma_start3A_261 = tpu.memref_slice %arg12[%add3A_104, %dma_start3A_260] : memref<10240x128xf32, #tpu.memory_space<vmem_shared>> -> memref<32x128xf32, #tpu.memory_space<vmem_shared>>
      %dma_start3A_262 = arith.constant 0 : i32
      %dma_start3A_263 = tpu.memref_slice %arg12[%add3A_104, %dma_start3A_262] : memref<10240x128xf32, #tpu.memory_space<vmem_shared>> -> memref<32x128xf32, #tpu.memory_space<vmem_shared>>
      tpu.enqueue_dma source(%arg11 : memref<32x128xf32, #tpu.memory_space<vmem>>) target(%dma_start3A_263 : memref<32x128xf32, #tpu.memory_space<vmem_shared>>) target_semaphore(%run_scoped3A : memref<!tpu.dma_semaphore, #tpu.memory_space<semaphore_mem>>)
      %dma_wait3A_264 = arith.constant 0 : i32
      %dma_wait3A_265 = tpu.memref_slice %arg12[%add3A_104, %dma_wait3A_264] : memref<10240x128xf32, #tpu.memory_space<vmem_shared>> -> memref<32x128xf32, #tpu.memory_space<vmem_shared>>
      %dma_wait3A_266 = arith.constant 0 : i32
      %dma_wait3A_267 = tpu.memref_slice %arg12[%add3A_104, %dma_wait3A_266] : memref<10240x128xf32, #tpu.memory_space<vmem_shared>> -> memref<32x128xf32, #tpu.memory_space<vmem_shared>>
      tpu.wait_dma2 semaphore(%run_scoped3A : memref<!tpu.dma_semaphore, #tpu.memory_space<semaphore_mem>>) src(%arg11 : memref<32x128xf32, #tpu.memory_space<vmem>>) dst(%dma_wait3A_267 : memref<32x128xf32, #tpu.memory_space<vmem_shared>>)
      tpu.yield
    }) : () -> ()
    %mul3A_105 = arith.constant 640 : i32
    %mul3A_106 = arith.muli %arg1, %mul3A_105 : i32
    %add3A_107 = arith.constant 96 : i32
    %add3A_108 = arith.addi %mul3A_106, %add3A_107 : i32
    "tpu.region"() ({
      %run_scoped3A = tpu.sem_alloc : memref<!tpu.dma_semaphore, #tpu.memory_space<semaphore_mem>>
      %dma_start3A_260 = arith.constant 0 : i32
      %dma_start3A_261 = tpu.memref_slice %arg12[%add3A_108, %dma_start3A_260] : memref<10240x128xf32, #tpu.memory_space<vmem_shared>> -> memref<32x128xf32, #tpu.memory_space<vmem_shared>>
      %dma_start3A_262 = arith.constant 0 : i32
      %dma_start3A_263 = tpu.memref_slice %arg12[%add3A_108, %dma_start3A_262] : memref<10240x128xf32, #tpu.memory_space<vmem_shared>> -> memref<32x128xf32, #tpu.memory_space<vmem_shared>>
      tpu.enqueue_dma source(%arg11 : memref<32x128xf32, #tpu.memory_space<vmem>>) target(%dma_start3A_263 : memref<32x128xf32, #tpu.memory_space<vmem_shared>>) target_semaphore(%run_scoped3A : memref<!tpu.dma_semaphore, #tpu.memory_space<semaphore_mem>>)
      %dma_wait3A_264 = arith.constant 0 : i32
      %dma_wait3A_265 = tpu.memref_slice %arg12[%add3A_108, %dma_wait3A_264] : memref<10240x128xf32, #tpu.memory_space<vmem_shared>> -> memref<32x128xf32, #tpu.memory_space<vmem_shared>>
      %dma_wait3A_266 = arith.constant 0 : i32
      %dma_wait3A_267 = tpu.memref_slice %arg12[%add3A_108, %dma_wait3A_266] : memref<10240x128xf32, #tpu.memory_space<vmem_shared>> -> memref<32x128xf32, #tpu.memory_space<vmem_shared>>
      tpu.wait_dma2 semaphore(%run_scoped3A : memref<!tpu.dma_semaphore, #tpu.memory_space<semaphore_mem>>) src(%arg11 : memref<32x128xf32, #tpu.memory_space<vmem>>) dst(%dma_wait3A_267 : memref<32x128xf32, #tpu.memory_space<vmem_shared>>)
      tpu.yield
    }) : () -> ()
    %mul3A_109 = arith.constant 640 : i32
    %mul3A_110 = arith.muli %arg1, %mul3A_109 : i32
    %add3A_111 = arith.constant 128 : i32
    %add3A_112 = arith.addi %mul3A_110, %add3A_111 : i32
    "tpu.region"() ({
      %run_scoped3A = tpu.sem_alloc : memref<!tpu.dma_semaphore, #tpu.memory_space<semaphore_mem>>
      %dma_start3A_260 = arith.constant 0 : i32
      %dma_start3A_261 = tpu.memref_slice %arg12[%add3A_112, %dma_start3A_260] : memref<10240x128xf32, #tpu.memory_space<vmem_shared>> -> memref<32x128xf32, #tpu.memory_space<vmem_shared>>
      %dma_start3A_262 = arith.constant 0 : i32
      %dma_start3A_263 = tpu.memref_slice %arg12[%add3A_112, %dma_start3A_262] : memref<10240x128xf32, #tpu.memory_space<vmem_shared>> -> memref<32x128xf32, #tpu.memory_space<vmem_shared>>
      tpu.enqueue_dma source(%arg11 : memref<32x128xf32, #tpu.memory_space<vmem>>) target(%dma_start3A_263 : memref<32x128xf32, #tpu.memory_space<vmem_shared>>) target_semaphore(%run_scoped3A : memref<!tpu.dma_semaphore, #tpu.memory_space<semaphore_mem>>)
      %dma_wait3A_264 = arith.constant 0 : i32
      %dma_wait3A_265 = tpu.memref_slice %arg12[%add3A_112, %dma_wait3A_264] : memref<10240x128xf32, #tpu.memory_space<vmem_shared>> -> memref<32x128xf32, #tpu.memory_space<vmem_shared>>
      %dma_wait3A_266 = arith.constant 0 : i32
      %dma_wait3A_267 = tpu.memref_slice %arg12[%add3A_112, %dma_wait3A_266] : memref<10240x128xf32, #tpu.memory_space<vmem_shared>> -> memref<32x128xf32, #tpu.memory_space<vmem_shared>>
      tpu.wait_dma2 semaphore(%run_scoped3A : memref<!tpu.dma_semaphore, #tpu.memory_space<semaphore_mem>>) src(%arg11 : memref<32x128xf32, #tpu.memory_space<vmem>>) dst(%dma_wait3A_267 : memref<32x128xf32, #tpu.memory_space<vmem_shared>>)
      tpu.yield
    }) : () -> ()
    %mul3A_113 = arith.constant 640 : i32
    %mul3A_114 = arith.muli %arg1, %mul3A_113 : i32
    %add3A_115 = arith.constant 160 : i32
    %add3A_116 = arith.addi %mul3A_114, %add3A_115 : i32
    "tpu.region"() ({
      %run_scoped3A = tpu.sem_alloc : memref<!tpu.dma_semaphore, #tpu.memory_space<semaphore_mem>>
      %dma_start3A_260 = arith.constant 0 : i32
      %dma_start3A_261 = tpu.memref_slice %arg12[%add3A_116, %dma_start3A_260] : memref<10240x128xf32, #tpu.memory_space<vmem_shared>> -> memref<32x128xf32, #tpu.memory_space<vmem_shared>>
      %dma_start3A_262 = arith.constant 0 : i32
      %dma_start3A_263 = tpu.memref_slice %arg12[%add3A_116, %dma_start3A_262] : memref<10240x128xf32, #tpu.memory_space<vmem_shared>> -> memref<32x128xf32, #tpu.memory_space<vmem_shared>>
      tpu.enqueue_dma source(%arg11 : memref<32x128xf32, #tpu.memory_space<vmem>>) target(%dma_start3A_263 : memref<32x128xf32, #tpu.memory_space<vmem_shared>>) target_semaphore(%run_scoped3A : memref<!tpu.dma_semaphore, #tpu.memory_space<semaphore_mem>>)
      %dma_wait3A_264 = arith.constant 0 : i32
      %dma_wait3A_265 = tpu.memref_slice %arg12[%add3A_116, %dma_wait3A_264] : memref<10240x128xf32, #tpu.memory_space<vmem_shared>> -> memref<32x128xf32, #tpu.memory_space<vmem_shared>>
      %dma_wait3A_266 = arith.constant 0 : i32
      %dma_wait3A_267 = tpu.memref_slice %arg12[%add3A_116, %dma_wait3A_266] : memref<10240x128xf32, #tpu.memory_space<vmem_shared>> -> memref<32x128xf32, #tpu.memory_space<vmem_shared>>
      tpu.wait_dma2 semaphore(%run_scoped3A : memref<!tpu.dma_semaphore, #tpu.memory_space<semaphore_mem>>) src(%arg11 : memref<32x128xf32, #tpu.memory_space<vmem>>) dst(%dma_wait3A_267 : memref<32x128xf32, #tpu.memory_space<vmem_shared>>)
      tpu.yield
    }) : () -> ()
    %mul3A_117 = arith.constant 640 : i32
    %mul3A_118 = arith.muli %arg1, %mul3A_117 : i32
    %add3A_119 = arith.constant 192 : i32
    %add3A_120 = arith.addi %mul3A_118, %add3A_119 : i32
    "tpu.region"() ({
      %run_scoped3A = tpu.sem_alloc : memref<!tpu.dma_semaphore, #tpu.memory_space<semaphore_mem>>
      %dma_start3A_260 = arith.constant 0 : i32
      %dma_start3A_261 = tpu.memref_slice %arg12[%add3A_120, %dma_start3A_260] : memref<10240x128xf32, #tpu.memory_space<vmem_shared>> -> memref<32x128xf32, #tpu.memory_space<vmem_shared>>
      %dma_start3A_262 = arith.constant 0 : i32
      %dma_start3A_263 = tpu.memref_slice %arg12[%add3A_120, %dma_start3A_262] : memref<10240x128xf32, #tpu.memory_space<vmem_shared>> -> memref<32x128xf32, #tpu.memory_space<vmem_shared>>
      tpu.enqueue_dma source(%arg11 : memref<32x128xf32, #tpu.memory_space<vmem>>) target(%dma_start3A_263 : memref<32x128xf32, #tpu.memory_space<vmem_shared>>) target_semaphore(%run_scoped3A : memref<!tpu.dma_semaphore, #tpu.memory_space<semaphore_mem>>)
      %dma_wait3A_264 = arith.constant 0 : i32
      %dma_wait3A_265 = tpu.memref_slice %arg12[%add3A_120, %dma_wait3A_264] : memref<10240x128xf32, #tpu.memory_space<vmem_shared>> -> memref<32x128xf32, #tpu.memory_space<vmem_shared>>
      %dma_wait3A_266 = arith.constant 0 : i32
      %dma_wait3A_267 = tpu.memref_slice %arg12[%add3A_120, %dma_wait3A_266] : memref<10240x128xf32, #tpu.memory_space<vmem_shared>> -> memref<32x128xf32, #tpu.memory_space<vmem_shared>>
      tpu.wait_dma2 semaphore(%run_scoped3A : memref<!tpu.dma_semaphore, #tpu.memory_space<semaphore_mem>>) src(%arg11 : memref<32x128xf32, #tpu.memory_space<vmem>>) dst(%dma_wait3A_267 : memref<32x128xf32, #tpu.memory_space<vmem_shared>>)
      tpu.yield
    }) : () -> ()
    %mul3A_121 = arith.constant 640 : i32
    %mul3A_122 = arith.muli %arg1, %mul3A_121 : i32
    %add3A_123 = arith.constant 224 : i32
    %add3A_124 = arith.addi %mul3A_122, %add3A_123 : i32
    "tpu.region"() ({
      %run_scoped3A = tpu.sem_alloc : memref<!tpu.dma_semaphore, #tpu.memory_space<semaphore_mem>>
      %dma_start3A_260 = arith.constant 0 : i32
      %dma_start3A_261 = tpu.memref_slice %arg12[%add3A_124, %dma_start3A_260] : memref<10240x128xf32, #tpu.memory_space<vmem_shared>> -> memref<32x128xf32, #tpu.memory_space<vmem_shared>>
      %dma_start3A_262 = arith.constant 0 : i32
      %dma_start3A_263 = tpu.memref_slice %arg12[%add3A_124, %dma_start3A_262] : memref<10240x128xf32, #tpu.memory_space<vmem_shared>> -> memref<32x128xf32, #tpu.memory_space<vmem_shared>>
      tpu.enqueue_dma source(%arg11 : memref<32x128xf32, #tpu.memory_space<vmem>>) target(%dma_start3A_263 : memref<32x128xf32, #tpu.memory_space<vmem_shared>>) target_semaphore(%run_scoped3A : memref<!tpu.dma_semaphore, #tpu.memory_space<semaphore_mem>>)
      %dma_wait3A_264 = arith.constant 0 : i32
      %dma_wait3A_265 = tpu.memref_slice %arg12[%add3A_124, %dma_wait3A_264] : memref<10240x128xf32, #tpu.memory_space<vmem_shared>> -> memref<32x128xf32, #tpu.memory_space<vmem_shared>>
      %dma_wait3A_266 = arith.constant 0 : i32
      %dma_wait3A_267 = tpu.memref_slice %arg12[%add3A_124, %dma_wait3A_266] : memref<10240x128xf32, #tpu.memory_space<vmem_shared>> -> memref<32x128xf32, #tpu.memory_space<vmem_shared>>
      tpu.wait_dma2 semaphore(%run_scoped3A : memref<!tpu.dma_semaphore, #tpu.memory_space<semaphore_mem>>) src(%arg11 : memref<32x128xf32, #tpu.memory_space<vmem>>) dst(%dma_wait3A_267 : memref<32x128xf32, #tpu.memory_space<vmem_shared>>)
      tpu.yield
    }) : () -> ()
    %mul3A_125 = arith.constant 640 : i32
    %mul3A_126 = arith.muli %arg1, %mul3A_125 : i32
    %add3A_127 = arith.constant 256 : i32
    %add3A_128 = arith.addi %mul3A_126, %add3A_127 : i32
    "tpu.region"() ({
      %run_scoped3A = tpu.sem_alloc : memref<!tpu.dma_semaphore, #tpu.memory_space<semaphore_mem>>
      %dma_start3A_260 = arith.constant 0 : i32
      %dma_start3A_261 = tpu.memref_slice %arg12[%add3A_128, %dma_start3A_260] : memref<10240x128xf32, #tpu.memory_space<vmem_shared>> -> memref<32x128xf32, #tpu.memory_space<vmem_shared>>
      %dma_start3A_262 = arith.constant 0 : i32
      %dma_start3A_263 = tpu.memref_slice %arg12[%add3A_128, %dma_start3A_262] : memref<10240x128xf32, #tpu.memory_space<vmem_shared>> -> memref<32x128xf32, #tpu.memory_space<vmem_shared>>
      tpu.enqueue_dma source(%arg11 : memref<32x128xf32, #tpu.memory_space<vmem>>) target(%dma_start3A_263 : memref<32x128xf32, #tpu.memory_space<vmem_shared>>) target_semaphore(%run_scoped3A : memref<!tpu.dma_semaphore, #tpu.memory_space<semaphore_mem>>)
      %dma_wait3A_264 = arith.constant 0 : i32
      %dma_wait3A_265 = tpu.memref_slice %arg12[%add3A_128, %dma_wait3A_264] : memref<10240x128xf32, #tpu.memory_space<vmem_shared>> -> memref<32x128xf32, #tpu.memory_space<vmem_shared>>
      %dma_wait3A_266 = arith.constant 0 : i32
      %dma_wait3A_267 = tpu.memref_slice %arg12[%add3A_128, %dma_wait3A_266] : memref<10240x128xf32, #tpu.memory_space<vmem_shared>> -> memref<32x128xf32, #tpu.memory_space<vmem_shared>>
      tpu.wait_dma2 semaphore(%run_scoped3A : memref<!tpu.dma_semaphore, #tpu.memory_space<semaphore_mem>>) src(%arg11 : memref<32x128xf32, #tpu.memory_space<vmem>>) dst(%dma_wait3A_267 : memref<32x128xf32, #tpu.memory_space<vmem_shared>>)
      tpu.yield
    }) : () -> ()
    %mul3A_129 = arith.constant 640 : i32
    %mul3A_130 = arith.muli %arg1, %mul3A_129 : i32
    %add3A_131 = arith.constant 288 : i32
    %add3A_132 = arith.addi %mul3A_130, %add3A_131 : i32
    "tpu.region"() ({
      %run_scoped3A = tpu.sem_alloc : memref<!tpu.dma_semaphore, #tpu.memory_space<semaphore_mem>>
      %dma_start3A_260 = arith.constant 0 : i32
      %dma_start3A_261 = tpu.memref_slice %arg12[%add3A_132, %dma_start3A_260] : memref<10240x128xf32, #tpu.memory_space<vmem_shared>> -> memref<32x128xf32, #tpu.memory_space<vmem_shared>>
      %dma_start3A_262 = arith.constant 0 : i32
      %dma_start3A_263 = tpu.memref_slice %arg12[%add3A_132, %dma_start3A_262] : memref<10240x128xf32, #tpu.memory_space<vmem_shared>> -> memref<32x128xf32, #tpu.memory_space<vmem_shared>>
      tpu.enqueue_dma source(%arg11 : memref<32x128xf32, #tpu.memory_space<vmem>>) target(%dma_start3A_263 : memref<32x128xf32, #tpu.memory_space<vmem_shared>>) target_semaphore(%run_scoped3A : memref<!tpu.dma_semaphore, #tpu.memory_space<semaphore_mem>>)
      %dma_wait3A_264 = arith.constant 0 : i32
      %dma_wait3A_265 = tpu.memref_slice %arg12[%add3A_132, %dma_wait3A_264] : memref<10240x128xf32, #tpu.memory_space<vmem_shared>> -> memref<32x128xf32, #tpu.memory_space<vmem_shared>>
      %dma_wait3A_266 = arith.constant 0 : i32
      %dma_wait3A_267 = tpu.memref_slice %arg12[%add3A_132, %dma_wait3A_266] : memref<10240x128xf32, #tpu.memory_space<vmem_shared>> -> memref<32x128xf32, #tpu.memory_space<vmem_shared>>
      tpu.wait_dma2 semaphore(%run_scoped3A : memref<!tpu.dma_semaphore, #tpu.memory_space<semaphore_mem>>) src(%arg11 : memref<32x128xf32, #tpu.memory_space<vmem>>) dst(%dma_wait3A_267 : memref<32x128xf32, #tpu.memory_space<vmem_shared>>)
      tpu.yield
    }) : () -> ()
    %mul3A_133 = arith.constant 640 : i32
    %mul3A_134 = arith.muli %arg1, %mul3A_133 : i32
    %add3A_135 = arith.constant 320 : i32
    %add3A_136 = arith.addi %mul3A_134, %add3A_135 : i32
    "tpu.region"() ({
      %run_scoped3A = tpu.sem_alloc : memref<!tpu.dma_semaphore, #tpu.memory_space<semaphore_mem>>
      %dma_start3A_260 = arith.constant 0 : i32
      %dma_start3A_261 = tpu.memref_slice %arg12[%add3A_136, %dma_start3A_260] : memref<10240x128xf32, #tpu.memory_space<vmem_shared>> -> memref<32x128xf32, #tpu.memory_space<vmem_shared>>
      %dma_start3A_262 = arith.constant 0 : i32
      %dma_start3A_263 = tpu.memref_slice %arg12[%add3A_136, %dma_start3A_262] : memref<10240x128xf32, #tpu.memory_space<vmem_shared>> -> memref<32x128xf32, #tpu.memory_space<vmem_shared>>
      tpu.enqueue_dma source(%arg11 : memref<32x128xf32, #tpu.memory_space<vmem>>) target(%dma_start3A_263 : memref<32x128xf32, #tpu.memory_space<vmem_shared>>) target_semaphore(%run_scoped3A : memref<!tpu.dma_semaphore, #tpu.memory_space<semaphore_mem>>)
      %dma_wait3A_264 = arith.constant 0 : i32
      %dma_wait3A_265 = tpu.memref_slice %arg12[%add3A_136, %dma_wait3A_264] : memref<10240x128xf32, #tpu.memory_space<vmem_shared>> -> memref<32x128xf32, #tpu.memory_space<vmem_shared>>
      %dma_wait3A_266 = arith.constant 0 : i32
      %dma_wait3A_267 = tpu.memref_slice %arg12[%add3A_136, %dma_wait3A_266] : memref<10240x128xf32, #tpu.memory_space<vmem_shared>> -> memref<32x128xf32, #tpu.memory_space<vmem_shared>>
      tpu.wait_dma2 semaphore(%run_scoped3A : memref<!tpu.dma_semaphore, #tpu.memory_space<semaphore_mem>>) src(%arg11 : memref<32x128xf32, #tpu.memory_space<vmem>>) dst(%dma_wait3A_267 : memref<32x128xf32, #tpu.memory_space<vmem_shared>>)
      tpu.yield
    }) : () -> ()
    %mul3A_137 = arith.constant 640 : i32
    %mul3A_138 = arith.muli %arg1, %mul3A_137 : i32
    %add3A_139 = arith.constant 352 : i32
    %add3A_140 = arith.addi %mul3A_138, %add3A_139 : i32
    "tpu.region"() ({
      %run_scoped3A = tpu.sem_alloc : memref<!tpu.dma_semaphore, #tpu.memory_space<semaphore_mem>>
      %dma_start3A_260 = arith.constant 0 : i32
      %dma_start3A_261 = tpu.memref_slice %arg12[%add3A_140, %dma_start3A_260] : memref<10240x128xf32, #tpu.memory_space<vmem_shared>> -> memref<32x128xf32, #tpu.memory_space<vmem_shared>>
      %dma_start3A_262 = arith.constant 0 : i32
      %dma_start3A_263 = tpu.memref_slice %arg12[%add3A_140, %dma_start3A_262] : memref<10240x128xf32, #tpu.memory_space<vmem_shared>> -> memref<32x128xf32, #tpu.memory_space<vmem_shared>>
      tpu.enqueue_dma source(%arg11 : memref<32x128xf32, #tpu.memory_space<vmem>>) target(%dma_start3A_263 : memref<32x128xf32, #tpu.memory_space<vmem_shared>>) target_semaphore(%run_scoped3A : memref<!tpu.dma_semaphore, #tpu.memory_space<semaphore_mem>>)
      %dma_wait3A_264 = arith.constant 0 : i32
      %dma_wait3A_265 = tpu.memref_slice %arg12[%add3A_140, %dma_wait3A_264] : memref<10240x128xf32, #tpu.memory_space<vmem_shared>> -> memref<32x128xf32, #tpu.memory_space<vmem_shared>>
      %dma_wait3A_266 = arith.constant 0 : i32
      %dma_wait3A_267 = tpu.memref_slice %arg12[%add3A_140, %dma_wait3A_266] : memref<10240x128xf32, #tpu.memory_space<vmem_shared>> -> memref<32x128xf32, #tpu.memory_space<vmem_shared>>
      tpu.wait_dma2 semaphore(%run_scoped3A : memref<!tpu.dma_semaphore, #tpu.memory_space<semaphore_mem>>) src(%arg11 : memref<32x128xf32, #tpu.memory_space<vmem>>) dst(%dma_wait3A_267 : memref<32x128xf32, #tpu.memory_space<vmem_shared>>)
      tpu.yield
    }) : () -> ()
    %mul3A_141 = arith.constant 640 : i32
    %mul3A_142 = arith.muli %arg1, %mul3A_141 : i32
    %add3A_143 = arith.constant 384 : i32
    %add3A_144 = arith.addi %mul3A_142, %add3A_143 : i32
    "tpu.region"() ({
      %run_scoped3A = tpu.sem_alloc : memref<!tpu.dma_semaphore, #tpu.memory_space<semaphore_mem>>
      %dma_start3A_260 = arith.constant 0 : i32
      %dma_start3A_261 = tpu.memref_slice %arg12[%add3A_144, %dma_start3A_260] : memref<10240x128xf32, #tpu.memory_space<vmem_shared>> -> memref<32x128xf32, #tpu.memory_space<vmem_shared>>
      %dma_start3A_262 = arith.constant 0 : i32
      %dma_start3A_263 = tpu.memref_slice %arg12[%add3A_144, %dma_start3A_262] : memref<10240x128xf32, #tpu.memory_space<vmem_shared>> -> memref<32x128xf32, #tpu.memory_space<vmem_shared>>
      tpu.enqueue_dma source(%arg11 : memref<32x128xf32, #tpu.memory_space<vmem>>) target(%dma_start3A_263 : memref<32x128xf32, #tpu.memory_space<vmem_shared>>) target_semaphore(%run_scoped3A : memref<!tpu.dma_semaphore, #tpu.memory_space<semaphore_mem>>)
      %dma_wait3A_264 = arith.constant 0 : i32
      %dma_wait3A_265 = tpu.memref_slice %arg12[%add3A_144, %dma_wait3A_264] : memref<10240x128xf32, #tpu.memory_space<vmem_shared>> -> memref<32x128xf32, #tpu.memory_space<vmem_shared>>
      %dma_wait3A_266 = arith.constant 0 : i32
      %dma_wait3A_267 = tpu.memref_slice %arg12[%add3A_144, %dma_wait3A_266] : memref<10240x128xf32, #tpu.memory_space<vmem_shared>> -> memref<32x128xf32, #tpu.memory_space<vmem_shared>>
      tpu.wait_dma2 semaphore(%run_scoped3A : memref<!tpu.dma_semaphore, #tpu.memory_space<semaphore_mem>>) src(%arg11 : memref<32x128xf32, #tpu.memory_space<vmem>>) dst(%dma_wait3A_267 : memref<32x128xf32, #tpu.memory_space<vmem_shared>>)
      tpu.yield
    }) : () -> ()
    %mul3A_145 = arith.constant 640 : i32
    %mul3A_146 = arith.muli %arg1, %mul3A_145 : i32
    %add3A_147 = arith.constant 416 : i32
    %add3A_148 = arith.addi %mul3A_146, %add3A_147 : i32
    "tpu.region"() ({
      %run_scoped3A = tpu.sem_alloc : memref<!tpu.dma_semaphore, #tpu.memory_space<semaphore_mem>>
      %dma_start3A_260 = arith.constant 0 : i32
      %dma_start3A_261 = tpu.memref_slice %arg12[%add3A_148, %dma_start3A_260] : memref<10240x128xf32, #tpu.memory_space<vmem_shared>> -> memref<32x128xf32, #tpu.memory_space<vmem_shared>>
      %dma_start3A_262 = arith.constant 0 : i32
      %dma_start3A_263 = tpu.memref_slice %arg12[%add3A_148, %dma_start3A_262] : memref<10240x128xf32, #tpu.memory_space<vmem_shared>> -> memref<32x128xf32, #tpu.memory_space<vmem_shared>>
      tpu.enqueue_dma source(%arg11 : memref<32x128xf32, #tpu.memory_space<vmem>>) target(%dma_start3A_263 : memref<32x128xf32, #tpu.memory_space<vmem_shared>>) target_semaphore(%run_scoped3A : memref<!tpu.dma_semaphore, #tpu.memory_space<semaphore_mem>>)
      %dma_wait3A_264 = arith.constant 0 : i32
      %dma_wait3A_265 = tpu.memref_slice %arg12[%add3A_148, %dma_wait3A_264] : memref<10240x128xf32, #tpu.memory_space<vmem_shared>> -> memref<32x128xf32, #tpu.memory_space<vmem_shared>>
      %dma_wait3A_266 = arith.constant 0 : i32
      %dma_wait3A_267 = tpu.memref_slice %arg12[%add3A_148, %dma_wait3A_266] : memref<10240x128xf32, #tpu.memory_space<vmem_shared>> -> memref<32x128xf32, #tpu.memory_space<vmem_shared>>
      tpu.wait_dma2 semaphore(%run_scoped3A : memref<!tpu.dma_semaphore, #tpu.memory_space<semaphore_mem>>) src(%arg11 : memref<32x128xf32, #tpu.memory_space<vmem>>) dst(%dma_wait3A_267 : memref<32x128xf32, #tpu.memory_space<vmem_shared>>)
      tpu.yield
    }) : () -> ()
    %mul3A_149 = arith.constant 640 : i32
    %mul3A_150 = arith.muli %arg1, %mul3A_149 : i32
    %add3A_151 = arith.constant 448 : i32
    %add3A_152 = arith.addi %mul3A_150, %add3A_151 : i32
    "tpu.region"() ({
      %run_scoped3A = tpu.sem_alloc : memref<!tpu.dma_semaphore, #tpu.memory_space<semaphore_mem>>
      %dma_start3A_260 = arith.constant 0 : i32
      %dma_start3A_261 = tpu.memref_slice %arg12[%add3A_152, %dma_start3A_260] : memref<10240x128xf32, #tpu.memory_space<vmem_shared>> -> memref<32x128xf32, #tpu.memory_space<vmem_shared>>
      %dma_start3A_262 = arith.constant 0 : i32
      %dma_start3A_263 = tpu.memref_slice %arg12[%add3A_152, %dma_start3A_262] : memref<10240x128xf32, #tpu.memory_space<vmem_shared>> -> memref<32x128xf32, #tpu.memory_space<vmem_shared>>
      tpu.enqueue_dma source(%arg11 : memref<32x128xf32, #tpu.memory_space<vmem>>) target(%dma_start3A_263 : memref<32x128xf32, #tpu.memory_space<vmem_shared>>) target_semaphore(%run_scoped3A : memref<!tpu.dma_semaphore, #tpu.memory_space<semaphore_mem>>)
      %dma_wait3A_264 = arith.constant 0 : i32
      %dma_wait3A_265 = tpu.memref_slice %arg12[%add3A_152, %dma_wait3A_264] : memref<10240x128xf32, #tpu.memory_space<vmem_shared>> -> memref<32x128xf32, #tpu.memory_space<vmem_shared>>
      %dma_wait3A_266 = arith.constant 0 : i32
      %dma_wait3A_267 = tpu.memref_slice %arg12[%add3A_152, %dma_wait3A_266] : memref<10240x128xf32, #tpu.memory_space<vmem_shared>> -> memref<32x128xf32, #tpu.memory_space<vmem_shared>>
      tpu.wait_dma2 semaphore(%run_scoped3A : memref<!tpu.dma_semaphore, #tpu.memory_space<semaphore_mem>>) src(%arg11 : memref<32x128xf32, #tpu.memory_space<vmem>>) dst(%dma_wait3A_267 : memref<32x128xf32, #tpu.memory_space<vmem_shared>>)
      tpu.yield
    }) : () -> ()
    %mul3A_153 = arith.constant 640 : i32
    %mul3A_154 = arith.muli %arg1, %mul3A_153 : i32
    %add3A_155 = arith.constant 480 : i32
    %add3A_156 = arith.addi %mul3A_154, %add3A_155 : i32
    "tpu.region"() ({
      %run_scoped3A = tpu.sem_alloc : memref<!tpu.dma_semaphore, #tpu.memory_space<semaphore_mem>>
      %dma_start3A_260 = arith.constant 0 : i32
      %dma_start3A_261 = tpu.memref_slice %arg12[%add3A_156, %dma_start3A_260] : memref<10240x128xf32, #tpu.memory_space<vmem_shared>> -> memref<32x128xf32, #tpu.memory_space<vmem_shared>>
      %dma_start3A_262 = arith.constant 0 : i32
      %dma_start3A_263 = tpu.memref_slice %arg12[%add3A_156, %dma_start3A_262] : memref<10240x128xf32, #tpu.memory_space<vmem_shared>> -> memref<32x128xf32, #tpu.memory_space<vmem_shared>>
      tpu.enqueue_dma source(%arg11 : memref<32x128xf32, #tpu.memory_space<vmem>>) target(%dma_start3A_263 : memref<32x128xf32, #tpu.memory_space<vmem_shared>>) target_semaphore(%run_scoped3A : memref<!tpu.dma_semaphore, #tpu.memory_space<semaphore_mem>>)
      %dma_wait3A_264 = arith.constant 0 : i32
      %dma_wait3A_265 = tpu.memref_slice %arg12[%add3A_156, %dma_wait3A_264] : memref<10240x128xf32, #tpu.memory_space<vmem_shared>> -> memref<32x128xf32, #tpu.memory_space<vmem_shared>>
      %dma_wait3A_266 = arith.constant 0 : i32
      %dma_wait3A_267 = tpu.memref_slice %arg12[%add3A_156, %dma_wait3A_266] : memref<10240x128xf32, #tpu.memory_space<vmem_shared>> -> memref<32x128xf32, #tpu.memory_space<vmem_shared>>
      tpu.wait_dma2 semaphore(%run_scoped3A : memref<!tpu.dma_semaphore, #tpu.memory_space<semaphore_mem>>) src(%arg11 : memref<32x128xf32, #tpu.memory_space<vmem>>) dst(%dma_wait3A_267 : memref<32x128xf32, #tpu.memory_space<vmem_shared>>)
      tpu.yield
    }) : () -> ()
    %mul3A_157 = arith.constant 640 : i32
    %mul3A_158 = arith.muli %arg1, %mul3A_157 : i32
    %add3A_159 = arith.constant 512 : i32
    %add3A_160 = arith.addi %mul3A_158, %add3A_159 : i32
    "tpu.region"() ({
      %run_scoped3A = tpu.sem_alloc : memref<!tpu.dma_semaphore, #tpu.memory_space<semaphore_mem>>
      %dma_start3A_260 = arith.constant 0 : i32
      %dma_start3A_261 = tpu.memref_slice %arg12[%add3A_160, %dma_start3A_260] : memref<10240x128xf32, #tpu.memory_space<vmem_shared>> -> memref<32x128xf32, #tpu.memory_space<vmem_shared>>
      %dma_start3A_262 = arith.constant 0 : i32
      %dma_start3A_263 = tpu.memref_slice %arg12[%add3A_160, %dma_start3A_262] : memref<10240x128xf32, #tpu.memory_space<vmem_shared>> -> memref<32x128xf32, #tpu.memory_space<vmem_shared>>
      tpu.enqueue_dma source(%arg11 : memref<32x128xf32, #tpu.memory_space<vmem>>) target(%dma_start3A_263 : memref<32x128xf32, #tpu.memory_space<vmem_shared>>) target_semaphore(%run_scoped3A : memref<!tpu.dma_semaphore, #tpu.memory_space<semaphore_mem>>)
      %dma_wait3A_264 = arith.constant 0 : i32
      %dma_wait3A_265 = tpu.memref_slice %arg12[%add3A_160, %dma_wait3A_264] : memref<10240x128xf32, #tpu.memory_space<vmem_shared>> -> memref<32x128xf32, #tpu.memory_space<vmem_shared>>
      %dma_wait3A_266 = arith.constant 0 : i32
      %dma_wait3A_267 = tpu.memref_slice %arg12[%add3A_160, %dma_wait3A_266] : memref<10240x128xf32, #tpu.memory_space<vmem_shared>> -> memref<32x128xf32, #tpu.memory_space<vmem_shared>>
      tpu.wait_dma2 semaphore(%run_scoped3A : memref<!tpu.dma_semaphore, #tpu.memory_space<semaphore_mem>>) src(%arg11 : memref<32x128xf32, #tpu.memory_space<vmem>>) dst(%dma_wait3A_267 : memref<32x128xf32, #tpu.memory_space<vmem_shared>>)
      tpu.yield
    }) : () -> ()
    %mul3A_161 = arith.constant 640 : i32
    %mul3A_162 = arith.muli %arg1, %mul3A_161 : i32
    %add3A_163 = arith.constant 544 : i32
    %add3A_164 = arith.addi %mul3A_162, %add3A_163 : i32
    "tpu.region"() ({
      %run_scoped3A = tpu.sem_alloc : memref<!tpu.dma_semaphore, #tpu.memory_space<semaphore_mem>>
      %dma_start3A_260 = arith.constant 0 : i32
      %dma_start3A_261 = tpu.memref_slice %arg12[%add3A_164, %dma_start3A_260] : memref<10240x128xf32, #tpu.memory_space<vmem_shared>> -> memref<32x128xf32, #tpu.memory_space<vmem_shared>>
      %dma_start3A_262 = arith.constant 0 : i32
      %dma_start3A_263 = tpu.memref_slice %arg12[%add3A_164, %dma_start3A_262] : memref<10240x128xf32, #tpu.memory_space<vmem_shared>> -> memref<32x128xf32, #tpu.memory_space<vmem_shared>>
      tpu.enqueue_dma source(%arg11 : memref<32x128xf32, #tpu.memory_space<vmem>>) target(%dma_start3A_263 : memref<32x128xf32, #tpu.memory_space<vmem_shared>>) target_semaphore(%run_scoped3A : memref<!tpu.dma_semaphore, #tpu.memory_space<semaphore_mem>>)
      %dma_wait3A_264 = arith.constant 0 : i32
      %dma_wait3A_265 = tpu.memref_slice %arg12[%add3A_164, %dma_wait3A_264] : memref<10240x128xf32, #tpu.memory_space<vmem_shared>> -> memref<32x128xf32, #tpu.memory_space<vmem_shared>>
      %dma_wait3A_266 = arith.constant 0 : i32
      %dma_wait3A_267 = tpu.memref_slice %arg12[%add3A_164, %dma_wait3A_266] : memref<10240x128xf32, #tpu.memory_space<vmem_shared>> -> memref<32x128xf32, #tpu.memory_space<vmem_shared>>
      tpu.wait_dma2 semaphore(%run_scoped3A : memref<!tpu.dma_semaphore, #tpu.memory_space<semaphore_mem>>) src(%arg11 : memref<32x128xf32, #tpu.memory_space<vmem>>) dst(%dma_wait3A_267 : memref<32x128xf32, #tpu.memory_space<vmem_shared>>)
      tpu.yield
    }) : () -> ()
    %mul3A_165 = arith.constant 640 : i32
    %mul3A_166 = arith.muli %arg1, %mul3A_165 : i32
    %add3A_167 = arith.constant 576 : i32
    %add3A_168 = arith.addi %mul3A_166, %add3A_167 : i32
    "tpu.region"() ({
      %run_scoped3A = tpu.sem_alloc : memref<!tpu.dma_semaphore, #tpu.memory_space<semaphore_mem>>
      %dma_start3A_260 = arith.constant 0 : i32
      %dma_start3A_261 = tpu.memref_slice %arg12[%add3A_168, %dma_start3A_260] : memref<10240x128xf32, #tpu.memory_space<vmem_shared>> -> memref<32x128xf32, #tpu.memory_space<vmem_shared>>
      %dma_start3A_262 = arith.constant 0 : i32
      %dma_start3A_263 = tpu.memref_slice %arg12[%add3A_168, %dma_start3A_262] : memref<10240x128xf32, #tpu.memory_space<vmem_shared>> -> memref<32x128xf32, #tpu.memory_space<vmem_shared>>
      tpu.enqueue_dma source(%arg11 : memref<32x128xf32, #tpu.memory_space<vmem>>) target(%dma_start3A_263 : memref<32x128xf32, #tpu.memory_space<vmem_shared>>) target_semaphore(%run_scoped3A : memref<!tpu.dma_semaphore, #tpu.memory_space<semaphore_mem>>)
      %dma_wait3A_264 = arith.constant 0 : i32
      %dma_wait3A_265 = tpu.memref_slice %arg12[%add3A_168, %dma_wait3A_264] : memref<10240x128xf32, #tpu.memory_space<vmem_shared>> -> memref<32x128xf32, #tpu.memory_space<vmem_shared>>
      %dma_wait3A_266 = arith.constant 0 : i32
      %dma_wait3A_267 = tpu.memref_slice %arg12[%add3A_168, %dma_wait3A_266] : memref<10240x128xf32, #tpu.memory_space<vmem_shared>> -> memref<32x128xf32, #tpu.memory_space<vmem_shared>>
      tpu.wait_dma2 semaphore(%run_scoped3A : memref<!tpu.dma_semaphore, #tpu.memory_space<semaphore_mem>>) src(%arg11 : memref<32x128xf32, #tpu.memory_space<vmem>>) dst(%dma_wait3A_267 : memref<32x128xf32, #tpu.memory_space<vmem_shared>>)
      tpu.yield
    }) : () -> ()
    %mul3A_169 = arith.constant 640 : i32
    %mul3A_170 = arith.muli %arg1, %mul3A_169 : i32
    %add3A_171 = arith.constant 608 : i32
    %add3A_172 = arith.addi %mul3A_170, %add3A_171 : i32
    "tpu.region"() ({
      %run_scoped3A = tpu.sem_alloc : memref<!tpu.dma_semaphore, #tpu.memory_space<semaphore_mem>>
      %dma_start3A_260 = arith.constant 0 : i32
      %dma_start3A_261 = tpu.memref_slice %arg12[%add3A_172, %dma_start3A_260] : memref<10240x128xf32, #tpu.memory_space<vmem_shared>> -> memref<32x128xf32, #tpu.memory_space<vmem_shared>>
      %dma_start3A_262 = arith.constant 0 : i32
      %dma_start3A_263 = tpu.memref_slice %arg12[%add3A_172, %dma_start3A_262] : memref<10240x128xf32, #tpu.memory_space<vmem_shared>> -> memref<32x128xf32, #tpu.memory_space<vmem_shared>>
      tpu.enqueue_dma source(%arg11 : memref<32x128xf32, #tpu.memory_space<vmem>>) target(%dma_start3A_263 : memref<32x128xf32, #tpu.memory_space<vmem_shared>>) target_semaphore(%run_scoped3A : memref<!tpu.dma_semaphore, #tpu.memory_space<semaphore_mem>>)
      %dma_wait3A_264 = arith.constant 0 : i32
      %dma_wait3A_265 = tpu.memref_slice %arg12[%add3A_172, %dma_wait3A_264] : memref<10240x128xf32, #tpu.memory_space<vmem_shared>> -> memref<32x128xf32, #tpu.memory_space<vmem_shared>>
      %dma_wait3A_266 = arith.constant 0 : i32
      %dma_wait3A_267 = tpu.memref_slice %arg12[%add3A_172, %dma_wait3A_266] : memref<10240x128xf32, #tpu.memory_space<vmem_shared>> -> memref<32x128xf32, #tpu.memory_space<vmem_shared>>
      tpu.wait_dma2 semaphore(%run_scoped3A : memref<!tpu.dma_semaphore, #tpu.memory_space<semaphore_mem>>) src(%arg11 : memref<32x128xf32, #tpu.memory_space<vmem>>) dst(%dma_wait3A_267 : memref<32x128xf32, #tpu.memory_space<vmem_shared>>)
      tpu.yield
    }) : () -> ()
    %barrier3A = arith.constant 0 : index
    tpu.barrier barrier_id(%barrier3A)
    %scan3A_173 = arith.constant 0 : i32
    %scan3A_174 = arith.constant 0 : i32
    %scan3A_175 = arith.constant 63 : i32
    %scan3A_176 = arith.addi %scan3A_174, %scan3A_175 : i32
    %scan3A_177 = arith.constant 1 : i32
    scf.for %scan3A_260 = %scan3A_174 to %scan3A_176 step %scan3A_177  : i32 {
      %mul3A_261 = arith.constant 2 : i32
      %mul3A_262 = arith.muli %mul3A_261, %scan3A_260 : i32
      %lt3A = arith.constant 125 : i32
      %lt3A_263 = arith.cmpi slt, %mul3A_262, %lt3A : i32
      %convert_element_type3A = arith.extui %lt3A_263 : i1 to i32
      %cond3A = arith.constant 0 : i32
      %cond3A_264 = arith.cmpi ne, %convert_element_type3A, %cond3A : i32
      scf.if %cond3A_264 {
        %add3A_274 = arith.constant 1 : i32
        %add3A_275 = arith.addi %mul3A_262, %add3A_274 : i32
        %lt3A_276 = arith.constant 125 : i32
        %lt3A_277 = arith.cmpi slt, %add3A_275, %lt3A_276 : i32
        %convert_element_type3A_278 = arith.extui %lt3A_277 : i1 to i32
        %cond3A_279 = arith.constant 0 : i32
        %cond3A_280 = arith.cmpi ne, %convert_element_type3A_278, %cond3A_279 : i32
        scf.if %cond3A_280 {
          %add3A_323 = arith.constant 1 : i32
          %add3A_324 = arith.addi %mul3A_262, %add3A_323 : i32
          %mul3A_325 = arith.constant 80 : i32
          %mul3A_326 = arith.muli %add3A_324, %mul3A_325 : i32
          %add3A_327 = arith.addi %mul3A_2, %mul3A_326 : i32
          %dma_wait3A_328 = arith.constant 1 : i32
          %dma_wait3A_329 = arith.constant 0 : i32
          %dma_wait3A_330 = tpu.memref_slice %arg7[%dma_wait3A_328, %dma_wait3A_329] : memref<2x80xi32, #tpu.memory_space<vmem>> -> memref<1x80xi32, #tpu.memory_space<vmem>>
          %dma_wait3A_331 = tpu.memref_squeeze %dma_wait3A_330 : memref<1x80xi32, #tpu.memory_space<vmem>> -> memref<80xi32, #tpu.memory_space<vmem>>
          %dma_wait3A_332 = tpu.memref_slice %arg4[%add3A_327] : memref<320000xi32, #tpu.memory_space<hbm>> -> memref<80xi32, #tpu.memory_space<hbm>>
          %dma_wait3A_333 = arith.constant 0 : i32
          %dma_wait3A_334 = tpu.memref_slice %arg7[%dma_wait3A_328, %dma_wait3A_333] : memref<2x80xi32, #tpu.memory_space<vmem>> -> memref<1x80xi32, #tpu.memory_space<vmem>>
          %dma_wait3A_335 = tpu.memref_squeeze %dma_wait3A_334 : memref<1x80xi32, #tpu.memory_space<vmem>> -> memref<80xi32, #tpu.memory_space<vmem>>
          %dma_wait3A_336 = tpu.memref_slice %arg4[%add3A_327] : memref<320000xi32, #tpu.memory_space<hbm>> -> memref<80xi32, #tpu.memory_space<hbm>>
          tpu.wait_dma2 semaphore(%arg14 : memref<!tpu.dma_semaphore, #tpu.memory_space<semaphore_mem>>) src(%dma_wait3A_336 : memref<80xi32, #tpu.memory_space<hbm>>) dst(%dma_wait3A_335 : memref<80xi32, #tpu.memory_space<vmem>>)
          %dma_wait3A_337 = arith.constant 1 : i32
          %dma_wait3A_338 = arith.constant 0 : i32
          %dma_wait3A_339 = tpu.memref_slice %arg8[%dma_wait3A_337, %dma_wait3A_338] : memref<2x80xi32, #tpu.memory_space<vmem>> -> memref<1x80xi32, #tpu.memory_space<vmem>>
          %dma_wait3A_340 = tpu.memref_squeeze %dma_wait3A_339 : memref<1x80xi32, #tpu.memory_space<vmem>> -> memref<80xi32, #tpu.memory_space<vmem>>
          %dma_wait3A_341 = tpu.memref_slice %arg5[%add3A_327] : memref<320000xi32, #tpu.memory_space<hbm>> -> memref<80xi32, #tpu.memory_space<hbm>>
          %dma_wait3A_342 = arith.constant 0 : i32
          %dma_wait3A_343 = tpu.memref_slice %arg8[%dma_wait3A_337, %dma_wait3A_342] : memref<2x80xi32, #tpu.memory_space<vmem>> -> memref<1x80xi32, #tpu.memory_space<vmem>>
          %dma_wait3A_344 = tpu.memref_squeeze %dma_wait3A_343 : memref<1x80xi32, #tpu.memory_space<vmem>> -> memref<80xi32, #tpu.memory_space<vmem>>
          %dma_wait3A_345 = tpu.memref_slice %arg5[%add3A_327] : memref<320000xi32, #tpu.memory_space<hbm>> -> memref<80xi32, #tpu.memory_space<hbm>>
          tpu.wait_dma2 semaphore(%arg14 : memref<!tpu.dma_semaphore, #tpu.memory_space<semaphore_mem>>) src(%dma_wait3A_345 : memref<80xi32, #tpu.memory_space<hbm>>) dst(%dma_wait3A_344 : memref<80xi32, #tpu.memory_space<vmem>>)
          %add3A_346 = arith.constant 1 : i32
          %add3A_347 = arith.addi %mul3A_262, %add3A_346 : i32
          %dma_start3A_348 = arith.constant 1 : i32
          %dma_start3A_349 = arith.constant 1 : i32
          %dma_start3A_350 = arith.constant 0 : i32
          %dma_start3A_351 = arith.constant 0 : i32
          %dma_start3A_352 = tpu.memref_slice %arg9[%dma_start3A_349, %dma_start3A_350, %dma_start3A_351] : memref<2x80x128xf32, #tpu.memory_space<vmem>> -> memref<1x80x128xf32, #tpu.memory_space<vmem>>
          %dma_start3A_353 = tpu.memref_squeeze %dma_start3A_352 : memref<1x80x128xf32, #tpu.memory_space<vmem>> -> memref<80x128xf32, #tpu.memory_space<vmem>>
          %dma_start3A_354 = arith.constant 0 : i32
          %dma_start3A_355 = tpu.memref_slice %arg7[%dma_start3A_348, %dma_start3A_354] : memref<2x80xi32, #tpu.memory_space<vmem>> -> memref<1x80xi32, #tpu.memory_space<vmem>>
          %dma_start3A_356 = tpu.memref_squeeze %dma_start3A_355 : memref<1x80xi32, #tpu.memory_space<vmem>> -> memref<80xi32, #tpu.memory_space<vmem>>
          %dma_start3A_357 = arith.constant 0 : i32
          %dma_start3A_358 = arith.constant 0 : i32
          %dma_start3A_359 = tpu.memref_slice %arg2[%dma_start3A_357, %dma_start3A_358] : memref<10000x128xf32, #tpu.memory_space<hbm>> -> memref<10000x128xf32, #tpu.memory_space<hbm>>
          tpu.enqueue_indirect_dma source(%dma_start3A_359 : memref<10000x128xf32, #tpu.memory_space<hbm>>) target(%dma_start3A_353 : memref<80x128xf32, #tpu.memory_space<vmem>>) offsets(%dma_start3A_356 : memref<80xi32, #tpu.memory_space<vmem>>) semaphore(%arg16 : memref<!tpu.dma_semaphore, #tpu.memory_space<semaphore_mem>>)
          %mul3A_360 = arith.constant 80 : i32
          %mul3A_361 = arith.muli %add3A_347, %mul3A_360 : i32
          %add3A_362 = arith.addi %mul3A_2, %mul3A_361 : i32
          %dma_start3A_363 = arith.constant 1 : i32
          %dma_start3A_364 = arith.constant 0 : i32
          %dma_start3A_365 = arith.constant 0 : i32
          %dma_start3A_366 = tpu.memref_slice %arg10[%dma_start3A_363, %dma_start3A_364, %dma_start3A_365] : memref<2x80x64xi32, #tpu.memory_space<vmem>> -> memref<1x80x64xi32, #tpu.memory_space<vmem>>
          %dma_start3A_367 = tpu.memref_squeeze %dma_start3A_366 : memref<1x80x64xi32, #tpu.memory_space<vmem>> -> memref<80x64xi32, #tpu.memory_space<vmem>>
          %dma_start3A_368 = arith.constant 0 : i32
          %dma_start3A_369 = tpu.memref_slice %arg3[%add3A_362, %dma_start3A_368] : memref<320000x64xi32, #tpu.memory_space<hbm>> -> memref<80x64xi32, #tpu.memory_space<hbm>>
          %dma_start3A_370 = arith.constant 0 : i32
          %dma_start3A_371 = arith.constant 0 : i32
          %dma_start3A_372 = tpu.memref_slice %arg10[%dma_start3A_363, %dma_start3A_370, %dma_start3A_371] : memref<2x80x64xi32, #tpu.memory_space<vmem>> -> memref<1x80x64xi32, #tpu.memory_space<vmem>>
          %dma_start3A_373 = tpu.memref_squeeze %dma_start3A_372 : memref<1x80x64xi32, #tpu.memory_space<vmem>> -> memref<80x64xi32, #tpu.memory_space<vmem>>
          %dma_start3A_374 = arith.constant 0 : i32
          %dma_start3A_375 = tpu.memref_slice %arg3[%add3A_362, %dma_start3A_374] : memref<320000x64xi32, #tpu.memory_space<hbm>> -> memref<80x64xi32, #tpu.memory_space<hbm>>
          tpu.enqueue_dma source(%dma_start3A_375 : memref<80x64xi32, #tpu.memory_space<hbm>>) target(%dma_start3A_373 : memref<80x64xi32, #tpu.memory_space<vmem>>) target_semaphore(%arg18 : memref<!tpu.dma_semaphore, #tpu.memory_space<semaphore_mem>>)
        } else {
        }
        %dma_wait3A_281 = arith.constant 0 : i32
        %dma_wait3A_282 = arith.constant 0 : i32
        %dma_wait3A_283 = arith.constant 0 : i32
        %dma_wait3A_284 = arith.constant 0 : i32
        %dma_wait3A_285 = tpu.memref_slice %arg9[%dma_wait3A_282, %dma_wait3A_283, %dma_wait3A_284] : memref<2x80x128xf32, #tpu.memory_space<vmem>> -> memref<1x80x128xf32, #tpu.memory_space<vmem>>
        %dma_wait3A_286 = tpu.memref_squeeze %dma_wait3A_285 : memref<1x80x128xf32, #tpu.memory_space<vmem>> -> memref<80x128xf32, #tpu.memory_space<vmem>>
        %dma_wait3A_287 = arith.constant 0 : i32
        %dma_wait3A_288 = tpu.memref_slice %arg7[%dma_wait3A_281, %dma_wait3A_287] : memref<2x80xi32, #tpu.memory_space<vmem>> -> memref<1x80xi32, #tpu.memory_space<vmem>>
        %dma_wait3A_289 = tpu.memref_squeeze %dma_wait3A_288 : memref<1x80xi32, #tpu.memory_space<vmem>> -> memref<80xi32, #tpu.memory_space<vmem>>
        %dma_wait3A_290 = arith.constant 0 : i32
        %dma_wait3A_291 = arith.constant 0 : i32
        %dma_wait3A_292 = tpu.memref_slice %arg2[%dma_wait3A_290, %dma_wait3A_291] : memref<10000x128xf32, #tpu.memory_space<hbm>> -> memref<10000x128xf32, #tpu.memory_space<hbm>>
        tpu.wait_indirect_dma semaphore(%arg15 : memref<!tpu.dma_semaphore, #tpu.memory_space<semaphore_mem>>) src(%dma_wait3A_292 : memref<10000x128xf32, #tpu.memory_space<hbm>>) dst(%dma_wait3A_286 : memref<80x128xf32, #tpu.memory_space<vmem>>)
        %mul3A_293 = arith.constant 80 : i32
        %mul3A_294 = arith.muli %mul3A_262, %mul3A_293 : i32
        %add3A_295 = arith.addi %mul3A_2, %mul3A_294 : i32
        %dma_wait3A_296 = arith.constant 0 : i32
        %dma_wait3A_297 = arith.constant 0 : i32
        %dma_wait3A_298 = arith.constant 0 : i32
        %dma_wait3A_299 = tpu.memref_slice %arg10[%dma_wait3A_296, %dma_wait3A_297, %dma_wait3A_298] : memref<2x80x64xi32, #tpu.memory_space<vmem>> -> memref<1x80x64xi32, #tpu.memory_space<vmem>>
        %dma_wait3A_300 = tpu.memref_squeeze %dma_wait3A_299 : memref<1x80x64xi32, #tpu.memory_space<vmem>> -> memref<80x64xi32, #tpu.memory_space<vmem>>
        %dma_wait3A_301 = arith.constant 0 : i32
        %dma_wait3A_302 = tpu.memref_slice %arg3[%add3A_295, %dma_wait3A_301] : memref<320000x64xi32, #tpu.memory_space<hbm>> -> memref<80x64xi32, #tpu.memory_space<hbm>>
        %dma_wait3A_303 = arith.constant 0 : i32
        %dma_wait3A_304 = arith.constant 0 : i32
        %dma_wait3A_305 = tpu.memref_slice %arg10[%dma_wait3A_296, %dma_wait3A_303, %dma_wait3A_304] : memref<2x80x64xi32, #tpu.memory_space<vmem>> -> memref<1x80x64xi32, #tpu.memory_space<vmem>>
        %dma_wait3A_306 = tpu.memref_squeeze %dma_wait3A_305 : memref<1x80x64xi32, #tpu.memory_space<vmem>> -> memref<80x64xi32, #tpu.memory_space<vmem>>
        %dma_wait3A_307 = arith.constant 0 : i32
        %dma_wait3A_308 = tpu.memref_slice %arg3[%add3A_295, %dma_wait3A_307] : memref<320000x64xi32, #tpu.memory_space<hbm>> -> memref<80x64xi32, #tpu.memory_space<hbm>>
        tpu.wait_dma2 semaphore(%arg17 : memref<!tpu.dma_semaphore, #tpu.memory_space<semaphore_mem>>) src(%dma_wait3A_308 : memref<80x64xi32, #tpu.memory_space<hbm>>) dst(%dma_wait3A_306 : memref<80x64xi32, #tpu.memory_space<vmem>>)
        %scan3A_309 = arith.constant 0 : i32
        %scan3A_310 = arith.constant 0 : i32
        %scan3A_311 = arith.constant 80 : i32
        %scan3A_312 = arith.addi %scan3A_310, %scan3A_311 : i32
        %scan3A_313 = arith.constant 1 : i32
        scf.for %scan3A_323 = %scan3A_310 to %scan3A_312 step %scan3A_313  : i32 {
          %get3A = arith.constant 0 : i32
          %get3A_324 = arith.index_cast %get3A : i32 to index
          %get3A_325 = arith.index_cast %scan3A_323 : i32 to index
          %get3A_326 = arith.constant 0 : index
          %get3A_327 = tpu.vector_load %arg10[%get3A_324, %get3A_325, %get3A_326] {strides = array<i32>} : memref<2x80x64xi32, #tpu.memory_space<vmem>>, vector<1x1x16xi32>,
          %get3A_328 = vector.shape_cast %get3A_327 : vector<1x1x16xi32> to vector<16xi32>
          %shift_left3A = arith.constant 16 : i32
          %shift_left3A_329 = vector.broadcast %shift_left3A : i32 to vector<16xi32>
          %shift_left3A_330 = arith.shli %get3A_328, %shift_left3A_329 : vector<16xi32>
          %bitcast_convert_type3A = tpu.bitcast %shift_left3A_330 : vector<16xi32> -> vector<16xf32>
          %and3A = arith.constant -65536 : i32
          %and3A_331 = vector.broadcast %and3A : i32 to vector<16xi32>
          %and3A_332 = arith.andi %get3A_328, %and3A_331 : vector<16xi32>
          %bitcast_convert_type3A_333 = tpu.bitcast %and3A_332 : vector<16xi32> -> vector<16xf32>
          %get3A_334 = arith.constant 0 : i32
          %get3A_335 = arith.index_cast %get3A_334 : i32 to index
          %get3A_336 = arith.index_cast %scan3A_323 : i32 to index
          %get3A_337 = arith.constant 0 : index
          %get3A_338 = tpu.vector_load %arg9[%get3A_335, %get3A_336, %get3A_337] {strides = array<i32>} : memref<2x80x128xf32, #tpu.memory_space<vmem>>, vector<1x1x16xf32>,
          %get3A_339 = vector.shape_cast %get3A_338 : vector<1x1x16xf32> to vector<16xf32>
          %mul3A_340 = arith.mulf %get3A_339, %bitcast_convert_type3A : vector<16xf32>
          %swap3A = arith.constant 0 : i32
          %swap3A_341 = arith.index_cast %swap3A : i32 to index
          %swap3A_342 = arith.index_cast %scan3A_323 : i32 to index
          %swap3A_343 = arith.constant 0 : index
          %swap3A_344 = tpu.vector_load %arg9[%swap3A_341, %swap3A_342, %swap3A_343] {strides = array<i32>} : memref<2x80x128xf32, #tpu.memory_space<vmem>>, vector<1x1x16xf32>,
          %swap3A_345 = vector.shape_cast %swap3A_344 : vector<1x1x16xf32> to vector<16xf32>
          %swap3A_346 = vector.shape_cast %mul3A_340 : vector<16xf32> to vector<1x1x16xf32>
          tpu.vector_store %arg9[%swap3A_341, %swap3A_342, %swap3A_343], %swap3A_346 {strides = array<i32>} : memref<2x80x128xf32, #tpu.memory_space<vmem>>, vector<1x1x16xf32>,
          %get3A_347 = arith.constant 0 : i32
          %get3A_348 = arith.index_cast %get3A_347 : i32 to index
          %get3A_349 = arith.index_cast %scan3A_323 : i32 to index
          %get3A_350 = arith.constant 16 : index
          %get3A_351 = tpu.vector_load %arg9[%get3A_348, %get3A_349, %get3A_350] {strides = array<i32>} : memref<2x80x128xf32, #tpu.memory_space<vmem>>, vector<1x1x16xf32>,
          %get3A_352 = vector.shape_cast %get3A_351 : vector<1x1x16xf32> to vector<16xf32>
          %mul3A_353 = arith.mulf %get3A_352, %bitcast_convert_type3A_333 : vector<16xf32>
          %swap3A_354 = arith.constant 0 : i32
          %swap3A_355 = arith.index_cast %swap3A_354 : i32 to index
          %swap3A_356 = arith.index_cast %scan3A_323 : i32 to index
          %swap3A_357 = arith.constant 16 : index
          %swap3A_358 = tpu.vector_load %arg9[%swap3A_355, %swap3A_356, %swap3A_357] {strides = array<i32>} : memref<2x80x128xf32, #tpu.memory_space<vmem>>, vector<1x1x16xf32>,
          %swap3A_359 = vector.shape_cast %swap3A_358 : vector<1x1x16xf32> to vector<16xf32>
          %swap3A_360 = vector.shape_cast %mul3A_353 : vector<16xf32> to vector<1x1x16xf32>
          tpu.vector_store %arg9[%swap3A_355, %swap3A_356, %swap3A_357], %swap3A_360 {strides = array<i32>} : memref<2x80x128xf32, #tpu.memory_space<vmem>>, vector<1x1x16xf32>,
          %get3A_361 = arith.constant 0 : i32
          %get3A_362 = arith.index_cast %get3A_361 : i32 to index
          %get3A_363 = arith.index_cast %scan3A_323 : i32 to index
          %get3A_364 = arith.constant 16 : index
          %get3A_365 = tpu.vector_load %arg10[%get3A_362, %get3A_363, %get3A_364] {strides = array<i32>} : memref<2x80x64xi32, #tpu.memory_space<vmem>>, vector<1x1x16xi32>,
          %get3A_366 = vector.shape_cast %get3A_365 : vector<1x1x16xi32> to vector<16xi32>
          %shift_left3A_367 = arith.constant 16 : i32
          %shift_left3A_368 = vector.broadcast %shift_left3A_367 : i32 to vector<16xi32>
          %shift_left3A_369 = arith.shli %get3A_366, %shift_left3A_368 : vector<16xi32>
          %bitcast_convert_type3A_370 = tpu.bitcast %shift_left3A_369 : vector<16xi32> -> vector<16xf32>
          %and3A_371 = arith.constant -65536 : i32
          %and3A_372 = vector.broadcast %and3A_371 : i32 to vector<16xi32>
          %and3A_373 = arith.andi %get3A_366, %and3A_372 : vector<16xi32>
          %bitcast_convert_type3A_374 = tpu.bitcast %and3A_373 : vector<16xi32> -> vector<16xf32>
          %get3A_375 = arith.constant 0 : i32
          %get3A_376 = arith.index_cast %get3A_375 : i32 to index
          %get3A_377 = arith.index_cast %scan3A_323 : i32 to index
          %get3A_378 = arith.constant 32 : index
          %get3A_379 = tpu.vector_load %arg9[%get3A_376, %get3A_377, %get3A_378] {strides = array<i32>} : memref<2x80x128xf32, #tpu.memory_space<vmem>>, vector<1x1x16xf32>,
          %get3A_380 = vector.shape_cast %get3A_379 : vector<1x1x16xf32> to vector<16xf32>
          %mul3A_381 = arith.mulf %get3A_380, %bitcast_convert_type3A_370 : vector<16xf32>
          %swap3A_382 = arith.constant 0 : i32
          %swap3A_383 = arith.index_cast %swap3A_382 : i32 to index
          %swap3A_384 = arith.index_cast %scan3A_323 : i32 to index
          %swap3A_385 = arith.constant 32 : index
          %swap3A_386 = tpu.vector_load %arg9[%swap3A_383, %swap3A_384, %swap3A_385] {strides = array<i32>} : memref<2x80x128xf32, #tpu.memory_space<vmem>>, vector<1x1x16xf32>,
          %swap3A_387 = vector.shape_cast %swap3A_386 : vector<1x1x16xf32> to vector<16xf32>
          %swap3A_388 = vector.shape_cast %mul3A_381 : vector<16xf32> to vector<1x1x16xf32>
          tpu.vector_store %arg9[%swap3A_383, %swap3A_384, %swap3A_385], %swap3A_388 {strides = array<i32>} : memref<2x80x128xf32, #tpu.memory_space<vmem>>, vector<1x1x16xf32>,
          %get3A_389 = arith.constant 0 : i32
          %get3A_390 = arith.index_cast %get3A_389 : i32 to index
          %get3A_391 = arith.index_cast %scan3A_323 : i32 to index
          %get3A_392 = arith.constant 48 : index
          %get3A_393 = tpu.vector_load %arg9[%get3A_390, %get3A_391, %get3A_392] {strides = array<i32>} : memref<2x80x128xf32, #tpu.memory_space<vmem>>, vector<1x1x16xf32>,
          %get3A_394 = vector.shape_cast %get3A_393 : vector<1x1x16xf32> to vector<16xf32>
          %mul3A_395 = arith.mulf %get3A_394, %bitcast_convert_type3A_374 : vector<16xf32>
          %swap3A_396 = arith.constant 0 : i32
          %swap3A_397 = arith.index_cast %swap3A_396 : i32 to index
          %swap3A_398 = arith.index_cast %scan3A_323 : i32 to index
          %swap3A_399 = arith.constant 48 : index
          %swap3A_400 = tpu.vector_load %arg9[%swap3A_397, %swap3A_398, %swap3A_399] {strides = array<i32>} : memref<2x80x128xf32, #tpu.memory_space<vmem>>, vector<1x1x16xf32>,
          %swap3A_401 = vector.shape_cast %swap3A_400 : vector<1x1x16xf32> to vector<16xf32>
          %swap3A_402 = vector.shape_cast %mul3A_395 : vector<16xf32> to vector<1x1x16xf32>
          tpu.vector_store %arg9[%swap3A_397, %swap3A_398, %swap3A_399], %swap3A_402 {strides = array<i32>} : memref<2x80x128xf32, #tpu.memory_space<vmem>>, vector<1x1x16xf32>,
          %get3A_403 = arith.constant 0 : i32
          %get3A_404 = arith.index_cast %get3A_403 : i32 to index
          %get3A_405 = arith.index_cast %scan3A_323 : i32 to index
          %get3A_406 = arith.constant 32 : index
          %get3A_407 = tpu.vector_load %arg10[%get3A_404, %get3A_405, %get3A_406] {strides = array<i32>} : memref<2x80x64xi32, #tpu.memory_space<vmem>>, vector<1x1x16xi32>,
          %get3A_408 = vector.shape_cast %get3A_407 : vector<1x1x16xi32> to vector<16xi32>
          %shift_left3A_409 = arith.constant 16 : i32
          %shift_left3A_410 = vector.broadcast %shift_left3A_409 : i32 to vector<16xi32>
          %shift_left3A_411 = arith.shli %get3A_408, %shift_left3A_410 : vector<16xi32>
          %bitcast_convert_type3A_412 = tpu.bitcast %shift_left3A_411 : vector<16xi32> -> vector<16xf32>
          %and3A_413 = arith.constant -65536 : i32
          %and3A_414 = vector.broadcast %and3A_413 : i32 to vector<16xi32>
          %and3A_415 = arith.andi %get3A_408, %and3A_414 : vector<16xi32>
          %bitcast_convert_type3A_416 = tpu.bitcast %and3A_415 : vector<16xi32> -> vector<16xf32>
          %get3A_417 = arith.constant 0 : i32
          %get3A_418 = arith.index_cast %get3A_417 : i32 to index
          %get3A_419 = arith.index_cast %scan3A_323 : i32 to index
          %get3A_420 = arith.constant 64 : index
          %get3A_421 = tpu.vector_load %arg9[%get3A_418, %get3A_419, %get3A_420] {strides = array<i32>} : memref<2x80x128xf32, #tpu.memory_space<vmem>>, vector<1x1x16xf32>,
          %get3A_422 = vector.shape_cast %get3A_421 : vector<1x1x16xf32> to vector<16xf32>
          %mul3A_423 = arith.mulf %get3A_422, %bitcast_convert_type3A_412 : vector<16xf32>
          %swap3A_424 = arith.constant 0 : i32
          %swap3A_425 = arith.index_cast %swap3A_424 : i32 to index
          %swap3A_426 = arith.index_cast %scan3A_323 : i32 to index
          %swap3A_427 = arith.constant 64 : index
          %swap3A_428 = tpu.vector_load %arg9[%swap3A_425, %swap3A_426, %swap3A_427] {strides = array<i32>} : memref<2x80x128xf32, #tpu.memory_space<vmem>>, vector<1x1x16xf32>,
          %swap3A_429 = vector.shape_cast %swap3A_428 : vector<1x1x16xf32> to vector<16xf32>
          %swap3A_430 = vector.shape_cast %mul3A_423 : vector<16xf32> to vector<1x1x16xf32>
          tpu.vector_store %arg9[%swap3A_425, %swap3A_426, %swap3A_427], %swap3A_430 {strides = array<i32>} : memref<2x80x128xf32, #tpu.memory_space<vmem>>, vector<1x1x16xf32>,
          %get3A_431 = arith.constant 0 : i32
          %get3A_432 = arith.index_cast %get3A_431 : i32 to index
          %get3A_433 = arith.index_cast %scan3A_323 : i32 to index
          %get3A_434 = arith.constant 80 : index
          %get3A_435 = tpu.vector_load %arg9[%get3A_432, %get3A_433, %get3A_434] {strides = array<i32>} : memref<2x80x128xf32, #tpu.memory_space<vmem>>, vector<1x1x16xf32>,
          %get3A_436 = vector.shape_cast %get3A_435 : vector<1x1x16xf32> to vector<16xf32>
          %mul3A_437 = arith.mulf %get3A_436, %bitcast_convert_type3A_416 : vector<16xf32>
          %swap3A_438 = arith.constant 0 : i32
          %swap3A_439 = arith.index_cast %swap3A_438 : i32 to index
          %swap3A_440 = arith.index_cast %scan3A_323 : i32 to index
          %swap3A_441 = arith.constant 80 : index
          %swap3A_442 = tpu.vector_load %arg9[%swap3A_439, %swap3A_440, %swap3A_441] {strides = array<i32>} : memref<2x80x128xf32, #tpu.memory_space<vmem>>, vector<1x1x16xf32>,
          %swap3A_443 = vector.shape_cast %swap3A_442 : vector<1x1x16xf32> to vector<16xf32>
          %swap3A_444 = vector.shape_cast %mul3A_437 : vector<16xf32> to vector<1x1x16xf32>
          tpu.vector_store %arg9[%swap3A_439, %swap3A_440, %swap3A_441], %swap3A_444 {strides = array<i32>} : memref<2x80x128xf32, #tpu.memory_space<vmem>>, vector<1x1x16xf32>,
          %get3A_445 = arith.constant 0 : i32
          %get3A_446 = arith.index_cast %get3A_445 : i32 to index
          %get3A_447 = arith.index_cast %scan3A_323 : i32 to index
          %get3A_448 = arith.constant 48 : index
          %get3A_449 = tpu.vector_load %arg10[%get3A_446, %get3A_447, %get3A_448] {strides = array<i32>} : memref<2x80x64xi32, #tpu.memory_space<vmem>>, vector<1x1x16xi32>,
          %get3A_450 = vector.shape_cast %get3A_449 : vector<1x1x16xi32> to vector<16xi32>
          %shift_left3A_451 = arith.constant 16 : i32
          %shift_left3A_452 = vector.broadcast %shift_left3A_451 : i32 to vector<16xi32>
          %shift_left3A_453 = arith.shli %get3A_450, %shift_left3A_452 : vector<16xi32>
          %bitcast_convert_type3A_454 = tpu.bitcast %shift_left3A_453 : vector<16xi32> -> vector<16xf32>
          %and3A_455 = arith.constant -65536 : i32
          %and3A_456 = vector.broadcast %and3A_455 : i32 to vector<16xi32>
          %and3A_457 = arith.andi %get3A_450, %and3A_456 : vector<16xi32>
          %bitcast_convert_type3A_458 = tpu.bitcast %and3A_457 : vector<16xi32> -> vector<16xf32>
          %get3A_459 = arith.constant 0 : i32
          %get3A_460 = arith.index_cast %get3A_459 : i32 to index
          %get3A_461 = arith.index_cast %scan3A_323 : i32 to index
          %get3A_462 = arith.constant 96 : index
          %get3A_463 = tpu.vector_load %arg9[%get3A_460, %get3A_461, %get3A_462] {strides = array<i32>} : memref<2x80x128xf32, #tpu.memory_space<vmem>>, vector<1x1x16xf32>,
          %get3A_464 = vector.shape_cast %get3A_463 : vector<1x1x16xf32> to vector<16xf32>
          %mul3A_465 = arith.mulf %get3A_464, %bitcast_convert_type3A_454 : vector<16xf32>
          %swap3A_466 = arith.constant 0 : i32
          %swap3A_467 = arith.index_cast %swap3A_466 : i32 to index
          %swap3A_468 = arith.index_cast %scan3A_323 : i32 to index
          %swap3A_469 = arith.constant 96 : index
          %swap3A_470 = tpu.vector_load %arg9[%swap3A_467, %swap3A_468, %swap3A_469] {strides = array<i32>} : memref<2x80x128xf32, #tpu.memory_space<vmem>>, vector<1x1x16xf32>,
          %swap3A_471 = vector.shape_cast %swap3A_470 : vector<1x1x16xf32> to vector<16xf32>
          %swap3A_472 = vector.shape_cast %mul3A_465 : vector<16xf32> to vector<1x1x16xf32>
          tpu.vector_store %arg9[%swap3A_467, %swap3A_468, %swap3A_469], %swap3A_472 {strides = array<i32>} : memref<2x80x128xf32, #tpu.memory_space<vmem>>, vector<1x1x16xf32>,
          %get3A_473 = arith.constant 0 : i32
          %get3A_474 = arith.index_cast %get3A_473 : i32 to index
          %get3A_475 = arith.index_cast %scan3A_323 : i32 to index
          %get3A_476 = arith.constant 112 : index
          %get3A_477 = tpu.vector_load %arg9[%get3A_474, %get3A_475, %get3A_476] {strides = array<i32>} : memref<2x80x128xf32, #tpu.memory_space<vmem>>, vector<1x1x16xf32>,
          %get3A_478 = vector.shape_cast %get3A_477 : vector<1x1x16xf32> to vector<16xf32>
          %mul3A_479 = arith.mulf %get3A_478, %bitcast_convert_type3A_458 : vector<16xf32>
          %swap3A_480 = arith.constant 0 : i32
          %swap3A_481 = arith.index_cast %swap3A_480 : i32 to index
          %swap3A_482 = arith.index_cast %scan3A_323 : i32 to index
          %swap3A_483 = arith.constant 112 : index
          %swap3A_484 = tpu.vector_load %arg9[%swap3A_481, %swap3A_482, %swap3A_483] {strides = array<i32>} : memref<2x80x128xf32, #tpu.memory_space<vmem>>, vector<1x1x16xf32>,
          %swap3A_485 = vector.shape_cast %swap3A_484 : vector<1x1x16xf32> to vector<16xf32>
          %swap3A_486 = vector.shape_cast %mul3A_479 : vector<16xf32> to vector<1x1x16xf32>
          tpu.vector_store %arg9[%swap3A_481, %swap3A_482, %swap3A_483], %swap3A_486 {strides = array<i32>} : memref<2x80x128xf32, #tpu.memory_space<vmem>>, vector<1x1x16xf32>,
        }
        %scan3A_314 = arith.constant 80 : i32
        %run_scoped3A = arith.constant 0 : i32
        %run_scoped3A_315 = arith.constant 0 : i32
        "tpu.region"() ({
          %run_scoped3A_323 = tpu.sem_alloc : memref<!tpu.dma_semaphore, #tpu.memory_space<semaphore_mem>>
          %dma_start3A_324 = arith.constant 0 : i32
          %dma_start3A_325 = arith.constant 0 : i32
          %dma_start3A_326 = tpu.memref_slice %arg9[%run_scoped3A, %dma_start3A_324, %dma_start3A_325] : memref<2x80x128xf32, #tpu.memory_space<vmem>> -> memref<1x80x128xf32, #tpu.memory_space<vmem>>
          %dma_start3A_327 = tpu.memref_squeeze %dma_start3A_326 : memref<1x80x128xf32, #tpu.memory_space<vmem>> -> memref<80x128xf32, #tpu.memory_space<vmem>>
          %dma_start3A_328 = arith.constant 0 : i32
          %dma_start3A_329 = tpu.memref_slice %arg8[%run_scoped3A_315, %dma_start3A_328] : memref<2x80xi32, #tpu.memory_space<vmem>> -> memref<1x80xi32, #tpu.memory_space<vmem>>
          %dma_start3A_330 = tpu.memref_squeeze %dma_start3A_329 : memref<1x80xi32, #tpu.memory_space<vmem>> -> memref<80xi32, #tpu.memory_space<vmem>>
          %dma_start3A_331 = arith.constant 0 : i32
          %dma_start3A_332 = arith.constant 0 : i32
          %dma_start3A_333 = tpu.memref_slice %arg12[%dma_start3A_331, %dma_start3A_332] : memref<10240x128xf32, #tpu.memory_space<vmem_shared>> -> memref<10240x128xf32, #tpu.memory_space<vmem_shared>>
          tpu.enqueue_indirect_dma source(%dma_start3A_327 : memref<80x128xf32, #tpu.memory_space<vmem>>) target(%dma_start3A_333 : memref<10240x128xf32, #tpu.memory_space<vmem_shared>>) offsets(%dma_start3A_330 : memref<80xi32, #tpu.memory_space<vmem>>) semaphore(%run_scoped3A_323 : memref<!tpu.dma_semaphore, #tpu.memory_space<semaphore_mem>>) {add = true}
          %dma_wait3A_334 = arith.constant 0 : i32
          %dma_wait3A_335 = arith.constant 0 : i32
          %dma_wait3A_336 = tpu.memref_slice %arg9[%run_scoped3A, %dma_wait3A_334, %dma_wait3A_335] : memref<2x80x128xf32, #tpu.memory_space<vmem>> -> memref<1x80x128xf32, #tpu.memory_space<vmem>>
          %dma_wait3A_337 = tpu.memref_squeeze %dma_wait3A_336 : memref<1x80x128xf32, #tpu.memory_space<vmem>> -> memref<80x128xf32, #tpu.memory_space<vmem>>
          %dma_wait3A_338 = arith.constant 0 : i32
          %dma_wait3A_339 = tpu.memref_slice %arg8[%run_scoped3A_315, %dma_wait3A_338] : memref<2x80xi32, #tpu.memory_space<vmem>> -> memref<1x80xi32, #tpu.memory_space<vmem>>
          %dma_wait3A_340 = tpu.memref_squeeze %dma_wait3A_339 : memref<1x80xi32, #tpu.memory_space<vmem>> -> memref<80xi32, #tpu.memory_space<vmem>>
          %dma_wait3A_341 = arith.constant 0 : i32
          %dma_wait3A_342 = arith.constant 0 : i32
          %dma_wait3A_343 = tpu.memref_slice %arg12[%dma_wait3A_341, %dma_wait3A_342] : memref<10240x128xf32, #tpu.memory_space<vmem_shared>> -> memref<10240x128xf32, #tpu.memory_space<vmem_shared>>
          tpu.wait_indirect_dma semaphore(%run_scoped3A_323 : memref<!tpu.dma_semaphore, #tpu.memory_space<semaphore_mem>>) src(%dma_wait3A_337 : memref<80x128xf32, #tpu.memory_space<vmem>>) dst(%dma_wait3A_343 : memref<10240x128xf32, #tpu.memory_space<vmem_shared>>)
          tpu.yield
        }) : () -> ()
        %add3A_316 = arith.constant 2 : i32
        %add3A_317 = arith.addi %mul3A_262, %add3A_316 : i32
        %lt3A_318 = arith.constant 125 : i32
        %lt3A_319 = arith.cmpi slt, %add3A_317, %lt3A_318 : i32
        %convert_element_type3A_320 = arith.extui %lt3A_319 : i1 to i32
        %cond3A_321 = arith.constant 0 : i32
        %cond3A_322 = arith.cmpi ne, %convert_element_type3A_320, %cond3A_321 : i32
        scf.if %cond3A_322 {
          %add3A_323 = arith.constant 2 : i32
          %add3A_324 = arith.addi %mul3A_262, %add3A_323 : i32
          %mul3A_325 = arith.constant 80 : i32
          %mul3A_326 = arith.muli %add3A_324, %mul3A_325 : i32
          %add3A_327 = arith.addi %mul3A_2, %mul3A_326 : i32
          %dma_start3A_328 = arith.constant 0 : i32
          %dma_start3A_329 = arith.constant 0 : i32
          %dma_start3A_330 = tpu.memref_slice %arg7[%dma_start3A_328, %dma_start3A_329] : memref<2x80xi32, #tpu.memory_space<vmem>> -> memref<1x80xi32, #tpu.memory_space<vmem>>
          %dma_start3A_331 = tpu.memref_squeeze %dma_start3A_330 : memref<1x80xi32, #tpu.memory_space<vmem>> -> memref<80xi32, #tpu.memory_space<vmem>>
          %dma_start3A_332 = tpu.memref_slice %arg4[%add3A_327] : memref<320000xi32, #tpu.memory_space<hbm>> -> memref<80xi32, #tpu.memory_space<hbm>>
          %dma_start3A_333 = arith.constant 0 : i32
          %dma_start3A_334 = tpu.memref_slice %arg7[%dma_start3A_328, %dma_start3A_333] : memref<2x80xi32, #tpu.memory_space<vmem>> -> memref<1x80xi32, #tpu.memory_space<vmem>>
          %dma_start3A_335 = tpu.memref_squeeze %dma_start3A_334 : memref<1x80xi32, #tpu.memory_space<vmem>> -> memref<80xi32, #tpu.memory_space<vmem>>
          %dma_start3A_336 = tpu.memref_slice %arg4[%add3A_327] : memref<320000xi32, #tpu.memory_space<hbm>> -> memref<80xi32, #tpu.memory_space<hbm>>
          tpu.enqueue_dma source(%dma_start3A_336 : memref<80xi32, #tpu.memory_space<hbm>>) target(%dma_start3A_335 : memref<80xi32, #tpu.memory_space<vmem>>) target_semaphore(%arg13 : memref<!tpu.dma_semaphore, #tpu.memory_space<semaphore_mem>>)
          %dma_start3A_337 = arith.constant 0 : i32
          %dma_start3A_338 = arith.constant 0 : i32
          %dma_start3A_339 = tpu.memref_slice %arg8[%dma_start3A_337, %dma_start3A_338] : memref<2x80xi32, #tpu.memory_space<vmem>> -> memref<1x80xi32, #tpu.memory_space<vmem>>
          %dma_start3A_340 = tpu.memref_squeeze %dma_start3A_339 : memref<1x80xi32, #tpu.memory_space<vmem>> -> memref<80xi32, #tpu.memory_space<vmem>>
          %dma_start3A_341 = tpu.memref_slice %arg5[%add3A_327] : memref<320000xi32, #tpu.memory_space<hbm>> -> memref<80xi32, #tpu.memory_space<hbm>>
          %dma_start3A_342 = arith.constant 0 : i32
          %dma_start3A_343 = tpu.memref_slice %arg8[%dma_start3A_337, %dma_start3A_342] : memref<2x80xi32, #tpu.memory_space<vmem>> -> memref<1x80xi32, #tpu.memory_space<vmem>>
          %dma_start3A_344 = tpu.memref_squeeze %dma_start3A_343 : memref<1x80xi32, #tpu.memory_space<vmem>> -> memref<80xi32, #tpu.memory_space<vmem>>
          %dma_start3A_345 = tpu.memref_slice %arg5[%add3A_327] : memref<320000xi32, #tpu.memory_space<hbm>> -> memref<80xi32, #tpu.memory_space<hbm>>
          tpu.enqueue_dma source(%dma_start3A_345 : memref<80xi32, #tpu.memory_space<hbm>>) target(%dma_start3A_344 : memref<80xi32, #tpu.memory_space<vmem>>) target_semaphore(%arg13 : memref<!tpu.dma_semaphore, #tpu.memory_space<semaphore_mem>>)
        } else {
        }
      } else {
      }
      %mul3A_265 = arith.constant 2 : i32
      %mul3A_266 = arith.muli %mul3A_265, %scan3A_260 : i32
      %add3A_267 = arith.constant 1 : i32
      %add3A_268 = arith.addi %mul3A_266, %add3A_267 : i32
      %lt3A_269 = arith.constant 125 : i32
      %lt3A_270 = arith.cmpi slt, %add3A_268, %lt3A_269 : i32
      %convert_element_type3A_271 = arith.extui %lt3A_270 : i1 to i32
      %cond3A_272 = arith.constant 0 : i32
      %cond3A_273 = arith.cmpi ne, %convert_element_type3A_271, %cond3A_272 : i32
      scf.if %cond3A_273 {
        %add3A_274 = arith.constant 1 : i32
        %add3A_275 = arith.addi %add3A_268, %add3A_274 : i32
        %lt3A_276 = arith.constant 125 : i32
        %lt3A_277 = arith.cmpi slt, %add3A_275, %lt3A_276 : i32
        %convert_element_type3A_278 = arith.extui %lt3A_277 : i1 to i32
        %cond3A_279 = arith.constant 0 : i32
        %cond3A_280 = arith.cmpi ne, %convert_element_type3A_278, %cond3A_279 : i32
        scf.if %cond3A_280 {
          %add3A_323 = arith.constant 1 : i32
          %add3A_324 = arith.addi %add3A_268, %add3A_323 : i32
          %mul3A_325 = arith.constant 80 : i32
          %mul3A_326 = arith.muli %add3A_324, %mul3A_325 : i32
          %add3A_327 = arith.addi %mul3A_2, %mul3A_326 : i32
          %dma_wait3A_328 = arith.constant 0 : i32
          %dma_wait3A_329 = arith.constant 0 : i32
          %dma_wait3A_330 = tpu.memref_slice %arg7[%dma_wait3A_328, %dma_wait3A_329] : memref<2x80xi32, #tpu.memory_space<vmem>> -> memref<1x80xi32, #tpu.memory_space<vmem>>
          %dma_wait3A_331 = tpu.memref_squeeze %dma_wait3A_330 : memref<1x80xi32, #tpu.memory_space<vmem>> -> memref<80xi32, #tpu.memory_space<vmem>>
          %dma_wait3A_332 = tpu.memref_slice %arg4[%add3A_327] : memref<320000xi32, #tpu.memory_space<hbm>> -> memref<80xi32, #tpu.memory_space<hbm>>
          %dma_wait3A_333 = arith.constant 0 : i32
          %dma_wait3A_334 = tpu.memref_slice %arg7[%dma_wait3A_328, %dma_wait3A_333] : memref<2x80xi32, #tpu.memory_space<vmem>> -> memref<1x80xi32, #tpu.memory_space<vmem>>
          %dma_wait3A_335 = tpu.memref_squeeze %dma_wait3A_334 : memref<1x80xi32, #tpu.memory_space<vmem>> -> memref<80xi32, #tpu.memory_space<vmem>>
          %dma_wait3A_336 = tpu.memref_slice %arg4[%add3A_327] : memref<320000xi32, #tpu.memory_space<hbm>> -> memref<80xi32, #tpu.memory_space<hbm>>
          tpu.wait_dma2 semaphore(%arg13 : memref<!tpu.dma_semaphore, #tpu.memory_space<semaphore_mem>>) src(%dma_wait3A_336 : memref<80xi32, #tpu.memory_space<hbm>>) dst(%dma_wait3A_335 : memref<80xi32, #tpu.memory_space<vmem>>)
          %dma_wait3A_337 = arith.constant 0 : i32
          %dma_wait3A_338 = arith.constant 0 : i32
          %dma_wait3A_339 = tpu.memref_slice %arg8[%dma_wait3A_337, %dma_wait3A_338] : memref<2x80xi32, #tpu.memory_space<vmem>> -> memref<1x80xi32, #tpu.memory_space<vmem>>
          %dma_wait3A_340 = tpu.memref_squeeze %dma_wait3A_339 : memref<1x80xi32, #tpu.memory_space<vmem>> -> memref<80xi32, #tpu.memory_space<vmem>>
          %dma_wait3A_341 = tpu.memref_slice %arg5[%add3A_327] : memref<320000xi32, #tpu.memory_space<hbm>> -> memref<80xi32, #tpu.memory_space<hbm>>
          %dma_wait3A_342 = arith.constant 0 : i32
          %dma_wait3A_343 = tpu.memref_slice %arg8[%dma_wait3A_337, %dma_wait3A_342] : memref<2x80xi32, #tpu.memory_space<vmem>> -> memref<1x80xi32, #tpu.memory_space<vmem>>
          %dma_wait3A_344 = tpu.memref_squeeze %dma_wait3A_343 : memref<1x80xi32, #tpu.memory_space<vmem>> -> memref<80xi32, #tpu.memory_space<vmem>>
          %dma_wait3A_345 = tpu.memref_slice %arg5[%add3A_327] : memref<320000xi32, #tpu.memory_space<hbm>> -> memref<80xi32, #tpu.memory_space<hbm>>
          tpu.wait_dma2 semaphore(%arg13 : memref<!tpu.dma_semaphore, #tpu.memory_space<semaphore_mem>>) src(%dma_wait3A_345 : memref<80xi32, #tpu.memory_space<hbm>>) dst(%dma_wait3A_344 : memref<80xi32, #tpu.memory_space<vmem>>)
          %add3A_346 = arith.constant 1 : i32
          %add3A_347 = arith.addi %add3A_268, %add3A_346 : i32
          %dma_start3A_348 = arith.constant 0 : i32
          %dma_start3A_349 = arith.constant 0 : i32
          %dma_start3A_350 = arith.constant 0 : i32
          %dma_start3A_351 = arith.constant 0 : i32
          %dma_start3A_352 = tpu.memref_slice %arg9[%dma_start3A_349, %dma_start3A_350, %dma_start3A_351] : memref<2x80x128xf32, #tpu.memory_space<vmem>> -> memref<1x80x128xf32, #tpu.memory_space<vmem>>
          %dma_start3A_353 = tpu.memref_squeeze %dma_start3A_352 : memref<1x80x128xf32, #tpu.memory_space<vmem>> -> memref<80x128xf32, #tpu.memory_space<vmem>>
          %dma_start3A_354 = arith.constant 0 : i32
          %dma_start3A_355 = tpu.memref_slice %arg7[%dma_start3A_348, %dma_start3A_354] : memref<2x80xi32, #tpu.memory_space<vmem>> -> memref<1x80xi32, #tpu.memory_space<vmem>>
          %dma_start3A_356 = tpu.memref_squeeze %dma_start3A_355 : memref<1x80xi32, #tpu.memory_space<vmem>> -> memref<80xi32, #tpu.memory_space<vmem>>
          %dma_start3A_357 = arith.constant 0 : i32
          %dma_start3A_358 = arith.constant 0 : i32
          %dma_start3A_359 = tpu.memref_slice %arg2[%dma_start3A_357, %dma_start3A_358] : memref<10000x128xf32, #tpu.memory_space<hbm>> -> memref<10000x128xf32, #tpu.memory_space<hbm>>
          tpu.enqueue_indirect_dma source(%dma_start3A_359 : memref<10000x128xf32, #tpu.memory_space<hbm>>) target(%dma_start3A_353 : memref<80x128xf32, #tpu.memory_space<vmem>>) offsets(%dma_start3A_356 : memref<80xi32, #tpu.memory_space<vmem>>) semaphore(%arg15 : memref<!tpu.dma_semaphore, #tpu.memory_space<semaphore_mem>>)
          %mul3A_360 = arith.constant 80 : i32
          %mul3A_361 = arith.muli %add3A_347, %mul3A_360 : i32
          %add3A_362 = arith.addi %mul3A_2, %mul3A_361 : i32
          %dma_start3A_363 = arith.constant 0 : i32
          %dma_start3A_364 = arith.constant 0 : i32
          %dma_start3A_365 = arith.constant 0 : i32
          %dma_start3A_366 = tpu.memref_slice %arg10[%dma_start3A_363, %dma_start3A_364, %dma_start3A_365] : memref<2x80x64xi32, #tpu.memory_space<vmem>> -> memref<1x80x64xi32, #tpu.memory_space<vmem>>
          %dma_start3A_367 = tpu.memref_squeeze %dma_start3A_366 : memref<1x80x64xi32, #tpu.memory_space<vmem>> -> memref<80x64xi32, #tpu.memory_space<vmem>>
          %dma_start3A_368 = arith.constant 0 : i32
          %dma_start3A_369 = tpu.memref_slice %arg3[%add3A_362, %dma_start3A_368] : memref<320000x64xi32, #tpu.memory_space<hbm>> -> memref<80x64xi32, #tpu.memory_space<hbm>>
          %dma_start3A_370 = arith.constant 0 : i32
          %dma_start3A_371 = arith.constant 0 : i32
          %dma_start3A_372 = tpu.memref_slice %arg10[%dma_start3A_363, %dma_start3A_370, %dma_start3A_371] : memref<2x80x64xi32, #tpu.memory_space<vmem>> -> memref<1x80x64xi32, #tpu.memory_space<vmem>>
          %dma_start3A_373 = tpu.memref_squeeze %dma_start3A_372 : memref<1x80x64xi32, #tpu.memory_space<vmem>> -> memref<80x64xi32, #tpu.memory_space<vmem>>
          %dma_start3A_374 = arith.constant 0 : i32
          %dma_start3A_375 = tpu.memref_slice %arg3[%add3A_362, %dma_start3A_374] : memref<320000x64xi32, #tpu.memory_space<hbm>> -> memref<80x64xi32, #tpu.memory_space<hbm>>
          tpu.enqueue_dma source(%dma_start3A_375 : memref<80x64xi32, #tpu.memory_space<hbm>>) target(%dma_start3A_373 : memref<80x64xi32, #tpu.memory_space<vmem>>) target_semaphore(%arg17 : memref<!tpu.dma_semaphore, #tpu.memory_space<semaphore_mem>>)
        } else {
        }
        %dma_wait3A_281 = arith.constant 1 : i32
        %dma_wait3A_282 = arith.constant 1 : i32
        %dma_wait3A_283 = arith.constant 0 : i32
        %dma_wait3A_284 = arith.constant 0 : i32
        %dma_wait3A_285 = tpu.memref_slice %arg9[%dma_wait3A_282, %dma_wait3A_283, %dma_wait3A_284] : memref<2x80x128xf32, #tpu.memory_space<vmem>> -> memref<1x80x128xf32, #tpu.memory_space<vmem>>
        %dma_wait3A_286 = tpu.memref_squeeze %dma_wait3A_285 : memref<1x80x128xf32, #tpu.memory_space<vmem>> -> memref<80x128xf32, #tpu.memory_space<vmem>>
        %dma_wait3A_287 = arith.constant 0 : i32
        %dma_wait3A_288 = tpu.memref_slice %arg7[%dma_wait3A_281, %dma_wait3A_287] : memref<2x80xi32, #tpu.memory_space<vmem>> -> memref<1x80xi32, #tpu.memory_space<vmem>>
        %dma_wait3A_289 = tpu.memref_squeeze %dma_wait3A_288 : memref<1x80xi32, #tpu.memory_space<vmem>> -> memref<80xi32, #tpu.memory_space<vmem>>
        %dma_wait3A_290 = arith.constant 0 : i32
        %dma_wait3A_291 = arith.constant 0 : i32
        %dma_wait3A_292 = tpu.memref_slice %arg2[%dma_wait3A_290, %dma_wait3A_291] : memref<10000x128xf32, #tpu.memory_space<hbm>> -> memref<10000x128xf32, #tpu.memory_space<hbm>>
        tpu.wait_indirect_dma semaphore(%arg16 : memref<!tpu.dma_semaphore, #tpu.memory_space<semaphore_mem>>) src(%dma_wait3A_292 : memref<10000x128xf32, #tpu.memory_space<hbm>>) dst(%dma_wait3A_286 : memref<80x128xf32, #tpu.memory_space<vmem>>)
        %mul3A_293 = arith.constant 80 : i32
        %mul3A_294 = arith.muli %add3A_268, %mul3A_293 : i32
        %add3A_295 = arith.addi %mul3A_2, %mul3A_294 : i32
        %dma_wait3A_296 = arith.constant 1 : i32
        %dma_wait3A_297 = arith.constant 0 : i32
        %dma_wait3A_298 = arith.constant 0 : i32
        %dma_wait3A_299 = tpu.memref_slice %arg10[%dma_wait3A_296, %dma_wait3A_297, %dma_wait3A_298] : memref<2x80x64xi32, #tpu.memory_space<vmem>> -> memref<1x80x64xi32, #tpu.memory_space<vmem>>
        %dma_wait3A_300 = tpu.memref_squeeze %dma_wait3A_299 : memref<1x80x64xi32, #tpu.memory_space<vmem>> -> memref<80x64xi32, #tpu.memory_space<vmem>>
        %dma_wait3A_301 = arith.constant 0 : i32
        %dma_wait3A_302 = tpu.memref_slice %arg3[%add3A_295, %dma_wait3A_301] : memref<320000x64xi32, #tpu.memory_space<hbm>> -> memref<80x64xi32, #tpu.memory_space<hbm>>
        %dma_wait3A_303 = arith.constant 0 : i32
        %dma_wait3A_304 = arith.constant 0 : i32
        %dma_wait3A_305 = tpu.memref_slice %arg10[%dma_wait3A_296, %dma_wait3A_303, %dma_wait3A_304] : memref<2x80x64xi32, #tpu.memory_space<vmem>> -> memref<1x80x64xi32, #tpu.memory_space<vmem>>
        %dma_wait3A_306 = tpu.memref_squeeze %dma_wait3A_305 : memref<1x80x64xi32, #tpu.memory_space<vmem>> -> memref<80x64xi32, #tpu.memory_space<vmem>>
        %dma_wait3A_307 = arith.constant 0 : i32
        %dma_wait3A_308 = tpu.memref_slice %arg3[%add3A_295, %dma_wait3A_307] : memref<320000x64xi32, #tpu.memory_space<hbm>> -> memref<80x64xi32, #tpu.memory_space<hbm>>
        tpu.wait_dma2 semaphore(%arg18 : memref<!tpu.dma_semaphore, #tpu.memory_space<semaphore_mem>>) src(%dma_wait3A_308 : memref<80x64xi32, #tpu.memory_space<hbm>>) dst(%dma_wait3A_306 : memref<80x64xi32, #tpu.memory_space<vmem>>)
        %scan3A_309 = arith.constant 0 : i32
        %scan3A_310 = arith.constant 0 : i32
        %scan3A_311 = arith.constant 80 : i32
        %scan3A_312 = arith.addi %scan3A_310, %scan3A_311 : i32
        %scan3A_313 = arith.constant 1 : i32
        scf.for %scan3A_323 = %scan3A_310 to %scan3A_312 step %scan3A_313  : i32 {
          %get3A = arith.constant 1 : i32
          %get3A_324 = arith.index_cast %get3A : i32 to index
          %get3A_325 = arith.index_cast %scan3A_323 : i32 to index
          %get3A_326 = arith.constant 0 : index
          %get3A_327 = tpu.vector_load %arg10[%get3A_324, %get3A_325, %get3A_326] {strides = array<i32>} : memref<2x80x64xi32, #tpu.memory_space<vmem>>, vector<1x1x16xi32>,
          %get3A_328 = vector.shape_cast %get3A_327 : vector<1x1x16xi32> to vector<16xi32>
          %shift_left3A = arith.constant 16 : i32
          %shift_left3A_329 = vector.broadcast %shift_left3A : i32 to vector<16xi32>
          %shift_left3A_330 = arith.shli %get3A_328, %shift_left3A_329 : vector<16xi32>
          %bitcast_convert_type3A = tpu.bitcast %shift_left3A_330 : vector<16xi32> -> vector<16xf32>
          %and3A = arith.constant -65536 : i32
          %and3A_331 = vector.broadcast %and3A : i32 to vector<16xi32>
          %and3A_332 = arith.andi %get3A_328, %and3A_331 : vector<16xi32>
          %bitcast_convert_type3A_333 = tpu.bitcast %and3A_332 : vector<16xi32> -> vector<16xf32>
          %get3A_334 = arith.constant 1 : i32
          %get3A_335 = arith.index_cast %get3A_334 : i32 to index
          %get3A_336 = arith.index_cast %scan3A_323 : i32 to index
          %get3A_337 = arith.constant 0 : index
          %get3A_338 = tpu.vector_load %arg9[%get3A_335, %get3A_336, %get3A_337] {strides = array<i32>} : memref<2x80x128xf32, #tpu.memory_space<vmem>>, vector<1x1x16xf32>,
          %get3A_339 = vector.shape_cast %get3A_338 : vector<1x1x16xf32> to vector<16xf32>
          %mul3A_340 = arith.mulf %get3A_339, %bitcast_convert_type3A : vector<16xf32>
          %swap3A = arith.constant 1 : i32
          %swap3A_341 = arith.index_cast %swap3A : i32 to index
          %swap3A_342 = arith.index_cast %scan3A_323 : i32 to index
          %swap3A_343 = arith.constant 0 : index
          %swap3A_344 = tpu.vector_load %arg9[%swap3A_341, %swap3A_342, %swap3A_343] {strides = array<i32>} : memref<2x80x128xf32, #tpu.memory_space<vmem>>, vector<1x1x16xf32>,
          %swap3A_345 = vector.shape_cast %swap3A_344 : vector<1x1x16xf32> to vector<16xf32>
          %swap3A_346 = vector.shape_cast %mul3A_340 : vector<16xf32> to vector<1x1x16xf32>
          tpu.vector_store %arg9[%swap3A_341, %swap3A_342, %swap3A_343], %swap3A_346 {strides = array<i32>} : memref<2x80x128xf32, #tpu.memory_space<vmem>>, vector<1x1x16xf32>,
          %get3A_347 = arith.constant 1 : i32
          %get3A_348 = arith.index_cast %get3A_347 : i32 to index
          %get3A_349 = arith.index_cast %scan3A_323 : i32 to index
          %get3A_350 = arith.constant 16 : index
          %get3A_351 = tpu.vector_load %arg9[%get3A_348, %get3A_349, %get3A_350] {strides = array<i32>} : memref<2x80x128xf32, #tpu.memory_space<vmem>>, vector<1x1x16xf32>,
          %get3A_352 = vector.shape_cast %get3A_351 : vector<1x1x16xf32> to vector<16xf32>
          %mul3A_353 = arith.mulf %get3A_352, %bitcast_convert_type3A_333 : vector<16xf32>
          %swap3A_354 = arith.constant 1 : i32
          %swap3A_355 = arith.index_cast %swap3A_354 : i32 to index
          %swap3A_356 = arith.index_cast %scan3A_323 : i32 to index
          %swap3A_357 = arith.constant 16 : index
          %swap3A_358 = tpu.vector_load %arg9[%swap3A_355, %swap3A_356, %swap3A_357] {strides = array<i32>} : memref<2x80x128xf32, #tpu.memory_space<vmem>>, vector<1x1x16xf32>,
          %swap3A_359 = vector.shape_cast %swap3A_358 : vector<1x1x16xf32> to vector<16xf32>
          %swap3A_360 = vector.shape_cast %mul3A_353 : vector<16xf32> to vector<1x1x16xf32>
          tpu.vector_store %arg9[%swap3A_355, %swap3A_356, %swap3A_357], %swap3A_360 {strides = array<i32>} : memref<2x80x128xf32, #tpu.memory_space<vmem>>, vector<1x1x16xf32>,
          %get3A_361 = arith.constant 1 : i32
          %get3A_362 = arith.index_cast %get3A_361 : i32 to index
          %get3A_363 = arith.index_cast %scan3A_323 : i32 to index
          %get3A_364 = arith.constant 16 : index
          %get3A_365 = tpu.vector_load %arg10[%get3A_362, %get3A_363, %get3A_364] {strides = array<i32>} : memref<2x80x64xi32, #tpu.memory_space<vmem>>, vector<1x1x16xi32>,
          %get3A_366 = vector.shape_cast %get3A_365 : vector<1x1x16xi32> to vector<16xi32>
          %shift_left3A_367 = arith.constant 16 : i32
          %shift_left3A_368 = vector.broadcast %shift_left3A_367 : i32 to vector<16xi32>
          %shift_left3A_369 = arith.shli %get3A_366, %shift_left3A_368 : vector<16xi32>
          %bitcast_convert_type3A_370 = tpu.bitcast %shift_left3A_369 : vector<16xi32> -> vector<16xf32>
          %and3A_371 = arith.constant -65536 : i32
          %and3A_372 = vector.broadcast %and3A_371 : i32 to vector<16xi32>
          %and3A_373 = arith.andi %get3A_366, %and3A_372 : vector<16xi32>
          %bitcast_convert_type3A_374 = tpu.bitcast %and3A_373 : vector<16xi32> -> vector<16xf32>
          %get3A_375 = arith.constant 1 : i32
          %get3A_376 = arith.index_cast %get3A_375 : i32 to index
          %get3A_377 = arith.index_cast %scan3A_323 : i32 to index
          %get3A_378 = arith.constant 32 : index
          %get3A_379 = tpu.vector_load %arg9[%get3A_376, %get3A_377, %get3A_378] {strides = array<i32>} : memref<2x80x128xf32, #tpu.memory_space<vmem>>, vector<1x1x16xf32>,
          %get3A_380 = vector.shape_cast %get3A_379 : vector<1x1x16xf32> to vector<16xf32>
          %mul3A_381 = arith.mulf %get3A_380, %bitcast_convert_type3A_370 : vector<16xf32>
          %swap3A_382 = arith.constant 1 : i32
          %swap3A_383 = arith.index_cast %swap3A_382 : i32 to index
          %swap3A_384 = arith.index_cast %scan3A_323 : i32 to index
          %swap3A_385 = arith.constant 32 : index
          %swap3A_386 = tpu.vector_load %arg9[%swap3A_383, %swap3A_384, %swap3A_385] {strides = array<i32>} : memref<2x80x128xf32, #tpu.memory_space<vmem>>, vector<1x1x16xf32>,
          %swap3A_387 = vector.shape_cast %swap3A_386 : vector<1x1x16xf32> to vector<16xf32>
          %swap3A_388 = vector.shape_cast %mul3A_381 : vector<16xf32> to vector<1x1x16xf32>
          tpu.vector_store %arg9[%swap3A_383, %swap3A_384, %swap3A_385], %swap3A_388 {strides = array<i32>} : memref<2x80x128xf32, #tpu.memory_space<vmem>>, vector<1x1x16xf32>,
          %get3A_389 = arith.constant 1 : i32
          %get3A_390 = arith.index_cast %get3A_389 : i32 to index
          %get3A_391 = arith.index_cast %scan3A_323 : i32 to index
          %get3A_392 = arith.constant 48 : index
          %get3A_393 = tpu.vector_load %arg9[%get3A_390, %get3A_391, %get3A_392] {strides = array<i32>} : memref<2x80x128xf32, #tpu.memory_space<vmem>>, vector<1x1x16xf32>,
          %get3A_394 = vector.shape_cast %get3A_393 : vector<1x1x16xf32> to vector<16xf32>
          %mul3A_395 = arith.mulf %get3A_394, %bitcast_convert_type3A_374 : vector<16xf32>
          %swap3A_396 = arith.constant 1 : i32
          %swap3A_397 = arith.index_cast %swap3A_396 : i32 to index
          %swap3A_398 = arith.index_cast %scan3A_323 : i32 to index
          %swap3A_399 = arith.constant 48 : index
          %swap3A_400 = tpu.vector_load %arg9[%swap3A_397, %swap3A_398, %swap3A_399] {strides = array<i32>} : memref<2x80x128xf32, #tpu.memory_space<vmem>>, vector<1x1x16xf32>,
          %swap3A_401 = vector.shape_cast %swap3A_400 : vector<1x1x16xf32> to vector<16xf32>
          %swap3A_402 = vector.shape_cast %mul3A_395 : vector<16xf32> to vector<1x1x16xf32>
          tpu.vector_store %arg9[%swap3A_397, %swap3A_398, %swap3A_399], %swap3A_402 {strides = array<i32>} : memref<2x80x128xf32, #tpu.memory_space<vmem>>, vector<1x1x16xf32>,
          %get3A_403 = arith.constant 1 : i32
          %get3A_404 = arith.index_cast %get3A_403 : i32 to index
          %get3A_405 = arith.index_cast %scan3A_323 : i32 to index
          %get3A_406 = arith.constant 32 : index
          %get3A_407 = tpu.vector_load %arg10[%get3A_404, %get3A_405, %get3A_406] {strides = array<i32>} : memref<2x80x64xi32, #tpu.memory_space<vmem>>, vector<1x1x16xi32>,
          %get3A_408 = vector.shape_cast %get3A_407 : vector<1x1x16xi32> to vector<16xi32>
          %shift_left3A_409 = arith.constant 16 : i32
          %shift_left3A_410 = vector.broadcast %shift_left3A_409 : i32 to vector<16xi32>
          %shift_left3A_411 = arith.shli %get3A_408, %shift_left3A_410 : vector<16xi32>
          %bitcast_convert_type3A_412 = tpu.bitcast %shift_left3A_411 : vector<16xi32> -> vector<16xf32>
          %and3A_413 = arith.constant -65536 : i32
          %and3A_414 = vector.broadcast %and3A_413 : i32 to vector<16xi32>
          %and3A_415 = arith.andi %get3A_408, %and3A_414 : vector<16xi32>
          %bitcast_convert_type3A_416 = tpu.bitcast %and3A_415 : vector<16xi32> -> vector<16xf32>
          %get3A_417 = arith.constant 1 : i32
          %get3A_418 = arith.index_cast %get3A_417 : i32 to index
          %get3A_419 = arith.index_cast %scan3A_323 : i32 to index
          %get3A_420 = arith.constant 64 : index
          %get3A_421 = tpu.vector_load %arg9[%get3A_418, %get3A_419, %get3A_420] {strides = array<i32>} : memref<2x80x128xf32, #tpu.memory_space<vmem>>, vector<1x1x16xf32>,
          %get3A_422 = vector.shape_cast %get3A_421 : vector<1x1x16xf32> to vector<16xf32>
          %mul3A_423 = arith.mulf %get3A_422, %bitcast_convert_type3A_412 : vector<16xf32>
          %swap3A_424 = arith.constant 1 : i32
          %swap3A_425 = arith.index_cast %swap3A_424 : i32 to index
          %swap3A_426 = arith.index_cast %scan3A_323 : i32 to index
          %swap3A_427 = arith.constant 64 : index
          %swap3A_428 = tpu.vector_load %arg9[%swap3A_425, %swap3A_426, %swap3A_427] {strides = array<i32>} : memref<2x80x128xf32, #tpu.memory_space<vmem>>, vector<1x1x16xf32>,
          %swap3A_429 = vector.shape_cast %swap3A_428 : vector<1x1x16xf32> to vector<16xf32>
          %swap3A_430 = vector.shape_cast %mul3A_423 : vector<16xf32> to vector<1x1x16xf32>
          tpu.vector_store %arg9[%swap3A_425, %swap3A_426, %swap3A_427], %swap3A_430 {strides = array<i32>} : memref<2x80x128xf32, #tpu.memory_space<vmem>>, vector<1x1x16xf32>,
          %get3A_431 = arith.constant 1 : i32
          %get3A_432 = arith.index_cast %get3A_431 : i32 to index
          %get3A_433 = arith.index_cast %scan3A_323 : i32 to index
          %get3A_434 = arith.constant 80 : index
          %get3A_435 = tpu.vector_load %arg9[%get3A_432, %get3A_433, %get3A_434] {strides = array<i32>} : memref<2x80x128xf32, #tpu.memory_space<vmem>>, vector<1x1x16xf32>,
          %get3A_436 = vector.shape_cast %get3A_435 : vector<1x1x16xf32> to vector<16xf32>
          %mul3A_437 = arith.mulf %get3A_436, %bitcast_convert_type3A_416 : vector<16xf32>
          %swap3A_438 = arith.constant 1 : i32
          %swap3A_439 = arith.index_cast %swap3A_438 : i32 to index
          %swap3A_440 = arith.index_cast %scan3A_323 : i32 to index
          %swap3A_441 = arith.constant 80 : index
          %swap3A_442 = tpu.vector_load %arg9[%swap3A_439, %swap3A_440, %swap3A_441] {strides = array<i32>} : memref<2x80x128xf32, #tpu.memory_space<vmem>>, vector<1x1x16xf32>,
          %swap3A_443 = vector.shape_cast %swap3A_442 : vector<1x1x16xf32> to vector<16xf32>
          %swap3A_444 = vector.shape_cast %mul3A_437 : vector<16xf32> to vector<1x1x16xf32>
          tpu.vector_store %arg9[%swap3A_439, %swap3A_440, %swap3A_441], %swap3A_444 {strides = array<i32>} : memref<2x80x128xf32, #tpu.memory_space<vmem>>, vector<1x1x16xf32>,
          %get3A_445 = arith.constant 1 : i32
          %get3A_446 = arith.index_cast %get3A_445 : i32 to index
          %get3A_447 = arith.index_cast %scan3A_323 : i32 to index
          %get3A_448 = arith.constant 48 : index
          %get3A_449 = tpu.vector_load %arg10[%get3A_446, %get3A_447, %get3A_448] {strides = array<i32>} : memref<2x80x64xi32, #tpu.memory_space<vmem>>, vector<1x1x16xi32>,
          %get3A_450 = vector.shape_cast %get3A_449 : vector<1x1x16xi32> to vector<16xi32>
          %shift_left3A_451 = arith.constant 16 : i32
          %shift_left3A_452 = vector.broadcast %shift_left3A_451 : i32 to vector<16xi32>
          %shift_left3A_453 = arith.shli %get3A_450, %shift_left3A_452 : vector<16xi32>
          %bitcast_convert_type3A_454 = tpu.bitcast %shift_left3A_453 : vector<16xi32> -> vector<16xf32>
          %and3A_455 = arith.constant -65536 : i32
          %and3A_456 = vector.broadcast %and3A_455 : i32 to vector<16xi32>
          %and3A_457 = arith.andi %get3A_450, %and3A_456 : vector<16xi32>
          %bitcast_convert_type3A_458 = tpu.bitcast %and3A_457 : vector<16xi32> -> vector<16xf32>
          %get3A_459 = arith.constant 1 : i32
          %get3A_460 = arith.index_cast %get3A_459 : i32 to index
          %get3A_461 = arith.index_cast %scan3A_323 : i32 to index
          %get3A_462 = arith.constant 96 : index
          %get3A_463 = tpu.vector_load %arg9[%get3A_460, %get3A_461, %get3A_462] {strides = array<i32>} : memref<2x80x128xf32, #tpu.memory_space<vmem>>, vector<1x1x16xf32>,
          %get3A_464 = vector.shape_cast %get3A_463 : vector<1x1x16xf32> to vector<16xf32>
          %mul3A_465 = arith.mulf %get3A_464, %bitcast_convert_type3A_454 : vector<16xf32>
          %swap3A_466 = arith.constant 1 : i32
          %swap3A_467 = arith.index_cast %swap3A_466 : i32 to index
          %swap3A_468 = arith.index_cast %scan3A_323 : i32 to index
          %swap3A_469 = arith.constant 96 : index
          %swap3A_470 = tpu.vector_load %arg9[%swap3A_467, %swap3A_468, %swap3A_469] {strides = array<i32>} : memref<2x80x128xf32, #tpu.memory_space<vmem>>, vector<1x1x16xf32>,
          %swap3A_471 = vector.shape_cast %swap3A_470 : vector<1x1x16xf32> to vector<16xf32>
          %swap3A_472 = vector.shape_cast %mul3A_465 : vector<16xf32> to vector<1x1x16xf32>
          tpu.vector_store %arg9[%swap3A_467, %swap3A_468, %swap3A_469], %swap3A_472 {strides = array<i32>} : memref<2x80x128xf32, #tpu.memory_space<vmem>>, vector<1x1x16xf32>,
          %get3A_473 = arith.constant 1 : i32
          %get3A_474 = arith.index_cast %get3A_473 : i32 to index
          %get3A_475 = arith.index_cast %scan3A_323 : i32 to index
          %get3A_476 = arith.constant 112 : index
          %get3A_477 = tpu.vector_load %arg9[%get3A_474, %get3A_475, %get3A_476] {strides = array<i32>} : memref<2x80x128xf32, #tpu.memory_space<vmem>>, vector<1x1x16xf32>,
          %get3A_478 = vector.shape_cast %get3A_477 : vector<1x1x16xf32> to vector<16xf32>
          %mul3A_479 = arith.mulf %get3A_478, %bitcast_convert_type3A_458 : vector<16xf32>
          %swap3A_480 = arith.constant 1 : i32
          %swap3A_481 = arith.index_cast %swap3A_480 : i32 to index
          %swap3A_482 = arith.index_cast %scan3A_323 : i32 to index
          %swap3A_483 = arith.constant 112 : index
          %swap3A_484 = tpu.vector_load %arg9[%swap3A_481, %swap3A_482, %swap3A_483] {strides = array<i32>} : memref<2x80x128xf32, #tpu.memory_space<vmem>>, vector<1x1x16xf32>,
          %swap3A_485 = vector.shape_cast %swap3A_484 : vector<1x1x16xf32> to vector<16xf32>
          %swap3A_486 = vector.shape_cast %mul3A_479 : vector<16xf32> to vector<1x1x16xf32>
          tpu.vector_store %arg9[%swap3A_481, %swap3A_482, %swap3A_483], %swap3A_486 {strides = array<i32>} : memref<2x80x128xf32, #tpu.memory_space<vmem>>, vector<1x1x16xf32>,
        }
        %scan3A_314 = arith.constant 80 : i32
        %run_scoped3A = arith.constant 1 : i32
        %run_scoped3A_315 = arith.constant 1 : i32
        "tpu.region"() ({
          %run_scoped3A_323 = tpu.sem_alloc : memref<!tpu.dma_semaphore, #tpu.memory_space<semaphore_mem>>
          %dma_start3A_324 = arith.constant 0 : i32
          %dma_start3A_325 = arith.constant 0 : i32
          %dma_start3A_326 = tpu.memref_slice %arg9[%run_scoped3A, %dma_start3A_324, %dma_start3A_325] : memref<2x80x128xf32, #tpu.memory_space<vmem>> -> memref<1x80x128xf32, #tpu.memory_space<vmem>>
          %dma_start3A_327 = tpu.memref_squeeze %dma_start3A_326 : memref<1x80x128xf32, #tpu.memory_space<vmem>> -> memref<80x128xf32, #tpu.memory_space<vmem>>
          %dma_start3A_328 = arith.constant 0 : i32
          %dma_start3A_329 = tpu.memref_slice %arg8[%run_scoped3A_315, %dma_start3A_328] : memref<2x80xi32, #tpu.memory_space<vmem>> -> memref<1x80xi32, #tpu.memory_space<vmem>>
          %dma_start3A_330 = tpu.memref_squeeze %dma_start3A_329 : memref<1x80xi32, #tpu.memory_space<vmem>> -> memref<80xi32, #tpu.memory_space<vmem>>
          %dma_start3A_331 = arith.constant 0 : i32
          %dma_start3A_332 = arith.constant 0 : i32
          %dma_start3A_333 = tpu.memref_slice %arg12[%dma_start3A_331, %dma_start3A_332] : memref<10240x128xf32, #tpu.memory_space<vmem_shared>> -> memref<10240x128xf32, #tpu.memory_space<vmem_shared>>
          tpu.enqueue_indirect_dma source(%dma_start3A_327 : memref<80x128xf32, #tpu.memory_space<vmem>>) target(%dma_start3A_333 : memref<10240x128xf32, #tpu.memory_space<vmem_shared>>) offsets(%dma_start3A_330 : memref<80xi32, #tpu.memory_space<vmem>>) semaphore(%run_scoped3A_323 : memref<!tpu.dma_semaphore, #tpu.memory_space<semaphore_mem>>) {add = true}
          %dma_wait3A_334 = arith.constant 0 : i32
          %dma_wait3A_335 = arith.constant 0 : i32
          %dma_wait3A_336 = tpu.memref_slice %arg9[%run_scoped3A, %dma_wait3A_334, %dma_wait3A_335] : memref<2x80x128xf32, #tpu.memory_space<vmem>> -> memref<1x80x128xf32, #tpu.memory_space<vmem>>
          %dma_wait3A_337 = tpu.memref_squeeze %dma_wait3A_336 : memref<1x80x128xf32, #tpu.memory_space<vmem>> -> memref<80x128xf32, #tpu.memory_space<vmem>>
          %dma_wait3A_338 = arith.constant 0 : i32
          %dma_wait3A_339 = tpu.memref_slice %arg8[%run_scoped3A_315, %dma_wait3A_338] : memref<2x80xi32, #tpu.memory_space<vmem>> -> memref<1x80xi32, #tpu.memory_space<vmem>>
          %dma_wait3A_340 = tpu.memref_squeeze %dma_wait3A_339 : memref<1x80xi32, #tpu.memory_space<vmem>> -> memref<80xi32, #tpu.memory_space<vmem>>
          %dma_wait3A_341 = arith.constant 0 : i32
          %dma_wait3A_342 = arith.constant 0 : i32
          %dma_wait3A_343 = tpu.memref_slice %arg12[%dma_wait3A_341, %dma_wait3A_342] : memref<10240x128xf32, #tpu.memory_space<vmem_shared>> -> memref<10240x128xf32, #tpu.memory_space<vmem_shared>>
          tpu.wait_indirect_dma semaphore(%run_scoped3A_323 : memref<!tpu.dma_semaphore, #tpu.memory_space<semaphore_mem>>) src(%dma_wait3A_337 : memref<80x128xf32, #tpu.memory_space<vmem>>) dst(%dma_wait3A_343 : memref<10240x128xf32, #tpu.memory_space<vmem_shared>>)
          tpu.yield
        }) : () -> ()
        %add3A_316 = arith.constant 2 : i32
        %add3A_317 = arith.addi %add3A_268, %add3A_316 : i32
        %lt3A_318 = arith.constant 125 : i32
        %lt3A_319 = arith.cmpi slt, %add3A_317, %lt3A_318 : i32
        %convert_element_type3A_320 = arith.extui %lt3A_319 : i1 to i32
        %cond3A_321 = arith.constant 0 : i32
        %cond3A_322 = arith.cmpi ne, %convert_element_type3A_320, %cond3A_321 : i32
        scf.if %cond3A_322 {
          %add3A_323 = arith.constant 2 : i32
          %add3A_324 = arith.addi %add3A_268, %add3A_323 : i32
          %mul3A_325 = arith.constant 80 : i32
          %mul3A_326 = arith.muli %add3A_324, %mul3A_325 : i32
          %add3A_327 = arith.addi %mul3A_2, %mul3A_326 : i32
          %dma_start3A_328 = arith.constant 1 : i32
          %dma_start3A_329 = arith.constant 0 : i32
          %dma_start3A_330 = tpu.memref_slice %arg7[%dma_start3A_328, %dma_start3A_329] : memref<2x80xi32, #tpu.memory_space<vmem>> -> memref<1x80xi32, #tpu.memory_space<vmem>>
          %dma_start3A_331 = tpu.memref_squeeze %dma_start3A_330 : memref<1x80xi32, #tpu.memory_space<vmem>> -> memref<80xi32, #tpu.memory_space<vmem>>
          %dma_start3A_332 = tpu.memref_slice %arg4[%add3A_327] : memref<320000xi32, #tpu.memory_space<hbm>> -> memref<80xi32, #tpu.memory_space<hbm>>
          %dma_start3A_333 = arith.constant 0 : i32
          %dma_start3A_334 = tpu.memref_slice %arg7[%dma_start3A_328, %dma_start3A_333] : memref<2x80xi32, #tpu.memory_space<vmem>> -> memref<1x80xi32, #tpu.memory_space<vmem>>
          %dma_start3A_335 = tpu.memref_squeeze %dma_start3A_334 : memref<1x80xi32, #tpu.memory_space<vmem>> -> memref<80xi32, #tpu.memory_space<vmem>>
          %dma_start3A_336 = tpu.memref_slice %arg4[%add3A_327] : memref<320000xi32, #tpu.memory_space<hbm>> -> memref<80xi32, #tpu.memory_space<hbm>>
          tpu.enqueue_dma source(%dma_start3A_336 : memref<80xi32, #tpu.memory_space<hbm>>) target(%dma_start3A_335 : memref<80xi32, #tpu.memory_space<vmem>>) target_semaphore(%arg14 : memref<!tpu.dma_semaphore, #tpu.memory_space<semaphore_mem>>)
          %dma_start3A_337 = arith.constant 1 : i32
          %dma_start3A_338 = arith.constant 0 : i32
          %dma_start3A_339 = tpu.memref_slice %arg8[%dma_start3A_337, %dma_start3A_338] : memref<2x80xi32, #tpu.memory_space<vmem>> -> memref<1x80xi32, #tpu.memory_space<vmem>>
          %dma_start3A_340 = tpu.memref_squeeze %dma_start3A_339 : memref<1x80xi32, #tpu.memory_space<vmem>> -> memref<80xi32, #tpu.memory_space<vmem>>
          %dma_start3A_341 = tpu.memref_slice %arg5[%add3A_327] : memref<320000xi32, #tpu.memory_space<hbm>> -> memref<80xi32, #tpu.memory_space<hbm>>
          %dma_start3A_342 = arith.constant 0 : i32
          %dma_start3A_343 = tpu.memref_slice %arg8[%dma_start3A_337, %dma_start3A_342] : memref<2x80xi32, #tpu.memory_space<vmem>> -> memref<1x80xi32, #tpu.memory_space<vmem>>
          %dma_start3A_344 = tpu.memref_squeeze %dma_start3A_343 : memref<1x80xi32, #tpu.memory_space<vmem>> -> memref<80xi32, #tpu.memory_space<vmem>>
          %dma_start3A_345 = tpu.memref_slice %arg5[%add3A_327] : memref<320000xi32, #tpu.memory_space<hbm>> -> memref<80xi32, #tpu.memory_space<hbm>>
          tpu.enqueue_dma source(%dma_start3A_345 : memref<80xi32, #tpu.memory_space<hbm>>) target(%dma_start3A_344 : memref<80xi32, #tpu.memory_space<vmem>>) target_semaphore(%arg14 : memref<!tpu.dma_semaphore, #tpu.memory_space<semaphore_mem>>)
        } else {
        }
      } else {
      }
    }
    %scan3A_178 = arith.constant 63 : i32
    %barrier3A_179 = arith.constant 0 : index
    tpu.barrier barrier_id(%barrier3A_179)
    %mul3A_180 = arith.constant 640 : i32
    %mul3A_181 = arith.muli %arg1, %mul3A_180 : i32
    %add3A_182 = arith.constant 0 : i32
    %add3A_183 = arith.addi %mul3A_181, %add3A_182 : i32
    "tpu.region"() ({
      %run_scoped3A = tpu.sem_alloc : memref<!tpu.dma_semaphore, #tpu.memory_space<semaphore_mem>>
      %dma_start3A_260 = arith.constant 0 : i32
      %dma_start3A_261 = tpu.memref_slice %arg6[%arg0, %add3A_183, %dma_start3A_260] : memref<2x10240x128xf32, #tpu.memory_space<hbm>> -> memref<1x32x128xf32, #tpu.memory_space<hbm>>
      %dma_start3A_262 = tpu.memref_squeeze %dma_start3A_261 : memref<1x32x128xf32, #tpu.memory_space<hbm>> -> memref<32x128xf32, #tpu.memory_space<hbm>>
      %dma_start3A_263 = arith.constant 0 : i32
      %dma_start3A_264 = tpu.memref_slice %arg12[%add3A_183, %dma_start3A_263] : memref<10240x128xf32, #tpu.memory_space<vmem_shared>> -> memref<32x128xf32, #tpu.memory_space<vmem_shared>>
      tpu.enqueue_dma source(%dma_start3A_264 : memref<32x128xf32, #tpu.memory_space<vmem_shared>>) target(%dma_start3A_262 : memref<32x128xf32, #tpu.memory_space<hbm>>) target_semaphore(%run_scoped3A : memref<!tpu.dma_semaphore, #tpu.memory_space<semaphore_mem>>)
      %dma_wait3A_265 = arith.constant 0 : i32
      %dma_wait3A_266 = tpu.memref_slice %arg6[%arg0, %add3A_183, %dma_wait3A_265] : memref<2x10240x128xf32, #tpu.memory_space<hbm>> -> memref<1x32x128xf32, #tpu.memory_space<hbm>>
      %dma_wait3A_267 = tpu.memref_squeeze %dma_wait3A_266 : memref<1x32x128xf32, #tpu.memory_space<hbm>> -> memref<32x128xf32, #tpu.memory_space<hbm>>
      %dma_wait3A_268 = arith.constant 0 : i32
      %dma_wait3A_269 = tpu.memref_slice %arg12[%add3A_183, %dma_wait3A_268] : memref<10240x128xf32, #tpu.memory_space<vmem_shared>> -> memref<32x128xf32, #tpu.memory_space<vmem_shared>>
      tpu.wait_dma2 semaphore(%run_scoped3A : memref<!tpu.dma_semaphore, #tpu.memory_space<semaphore_mem>>) src(%dma_wait3A_269 : memref<32x128xf32, #tpu.memory_space<vmem_shared>>) dst(%dma_wait3A_267 : memref<32x128xf32, #tpu.memory_space<hbm>>)
      tpu.yield
    }) : () -> ()
    %mul3A_184 = arith.constant 640 : i32
    %mul3A_185 = arith.muli %arg1, %mul3A_184 : i32
    %add3A_186 = arith.constant 32 : i32
    %add3A_187 = arith.addi %mul3A_185, %add3A_186 : i32
    "tpu.region"() ({
      %run_scoped3A = tpu.sem_alloc : memref<!tpu.dma_semaphore, #tpu.memory_space<semaphore_mem>>
      %dma_start3A_260 = arith.constant 0 : i32
      %dma_start3A_261 = tpu.memref_slice %arg6[%arg0, %add3A_187, %dma_start3A_260] : memref<2x10240x128xf32, #tpu.memory_space<hbm>> -> memref<1x32x128xf32, #tpu.memory_space<hbm>>
      %dma_start3A_262 = tpu.memref_squeeze %dma_start3A_261 : memref<1x32x128xf32, #tpu.memory_space<hbm>> -> memref<32x128xf32, #tpu.memory_space<hbm>>
      %dma_start3A_263 = arith.constant 0 : i32
      %dma_start3A_264 = tpu.memref_slice %arg12[%add3A_187, %dma_start3A_263] : memref<10240x128xf32, #tpu.memory_space<vmem_shared>> -> memref<32x128xf32, #tpu.memory_space<vmem_shared>>
      tpu.enqueue_dma source(%dma_start3A_264 : memref<32x128xf32, #tpu.memory_space<vmem_shared>>) target(%dma_start3A_262 : memref<32x128xf32, #tpu.memory_space<hbm>>) target_semaphore(%run_scoped3A : memref<!tpu.dma_semaphore, #tpu.memory_space<semaphore_mem>>)
      %dma_wait3A_265 = arith.constant 0 : i32
      %dma_wait3A_266 = tpu.memref_slice %arg6[%arg0, %add3A_187, %dma_wait3A_265] : memref<2x10240x128xf32, #tpu.memory_space<hbm>> -> memref<1x32x128xf32, #tpu.memory_space<hbm>>
      %dma_wait3A_267 = tpu.memref_squeeze %dma_wait3A_266 : memref<1x32x128xf32, #tpu.memory_space<hbm>> -> memref<32x128xf32, #tpu.memory_space<hbm>>
      %dma_wait3A_268 = arith.constant 0 : i32
      %dma_wait3A_269 = tpu.memref_slice %arg12[%add3A_187, %dma_wait3A_268] : memref<10240x128xf32, #tpu.memory_space<vmem_shared>> -> memref<32x128xf32, #tpu.memory_space<vmem_shared>>
      tpu.wait_dma2 semaphore(%run_scoped3A : memref<!tpu.dma_semaphore, #tpu.memory_space<semaphore_mem>>) src(%dma_wait3A_269 : memref<32x128xf32, #tpu.memory_space<vmem_shared>>) dst(%dma_wait3A_267 : memref<32x128xf32, #tpu.memory_space<hbm>>)
      tpu.yield
    }) : () -> ()
    %mul3A_188 = arith.constant 640 : i32
    %mul3A_189 = arith.muli %arg1, %mul3A_188 : i32
    %add3A_190 = arith.constant 64 : i32
    %add3A_191 = arith.addi %mul3A_189, %add3A_190 : i32
    "tpu.region"() ({
      %run_scoped3A = tpu.sem_alloc : memref<!tpu.dma_semaphore, #tpu.memory_space<semaphore_mem>>
      %dma_start3A_260 = arith.constant 0 : i32
      %dma_start3A_261 = tpu.memref_slice %arg6[%arg0, %add3A_191, %dma_start3A_260] : memref<2x10240x128xf32, #tpu.memory_space<hbm>> -> memref<1x32x128xf32, #tpu.memory_space<hbm>>
      %dma_start3A_262 = tpu.memref_squeeze %dma_start3A_261 : memref<1x32x128xf32, #tpu.memory_space<hbm>> -> memref<32x128xf32, #tpu.memory_space<hbm>>
      %dma_start3A_263 = arith.constant 0 : i32
      %dma_start3A_264 = tpu.memref_slice %arg12[%add3A_191, %dma_start3A_263] : memref<10240x128xf32, #tpu.memory_space<vmem_shared>> -> memref<32x128xf32, #tpu.memory_space<vmem_shared>>
      tpu.enqueue_dma source(%dma_start3A_264 : memref<32x128xf32, #tpu.memory_space<vmem_shared>>) target(%dma_start3A_262 : memref<32x128xf32, #tpu.memory_space<hbm>>) target_semaphore(%run_scoped3A : memref<!tpu.dma_semaphore, #tpu.memory_space<semaphore_mem>>)
      %dma_wait3A_265 = arith.constant 0 : i32
      %dma_wait3A_266 = tpu.memref_slice %arg6[%arg0, %add3A_191, %dma_wait3A_265] : memref<2x10240x128xf32, #tpu.memory_space<hbm>> -> memref<1x32x128xf32, #tpu.memory_space<hbm>>
      %dma_wait3A_267 = tpu.memref_squeeze %dma_wait3A_266 : memref<1x32x128xf32, #tpu.memory_space<hbm>> -> memref<32x128xf32, #tpu.memory_space<hbm>>
      %dma_wait3A_268 = arith.constant 0 : i32
      %dma_wait3A_269 = tpu.memref_slice %arg12[%add3A_191, %dma_wait3A_268] : memref<10240x128xf32, #tpu.memory_space<vmem_shared>> -> memref<32x128xf32, #tpu.memory_space<vmem_shared>>
      tpu.wait_dma2 semaphore(%run_scoped3A : memref<!tpu.dma_semaphore, #tpu.memory_space<semaphore_mem>>) src(%dma_wait3A_269 : memref<32x128xf32, #tpu.memory_space<vmem_shared>>) dst(%dma_wait3A_267 : memref<32x128xf32, #tpu.memory_space<hbm>>)
      tpu.yield
    }) : () -> ()
    %mul3A_192 = arith.constant 640 : i32
    %mul3A_193 = arith.muli %arg1, %mul3A_192 : i32
    %add3A_194 = arith.constant 96 : i32
    %add3A_195 = arith.addi %mul3A_193, %add3A_194 : i32
    "tpu.region"() ({
      %run_scoped3A = tpu.sem_alloc : memref<!tpu.dma_semaphore, #tpu.memory_space<semaphore_mem>>
      %dma_start3A_260 = arith.constant 0 : i32
      %dma_start3A_261 = tpu.memref_slice %arg6[%arg0, %add3A_195, %dma_start3A_260] : memref<2x10240x128xf32, #tpu.memory_space<hbm>> -> memref<1x32x128xf32, #tpu.memory_space<hbm>>
      %dma_start3A_262 = tpu.memref_squeeze %dma_start3A_261 : memref<1x32x128xf32, #tpu.memory_space<hbm>> -> memref<32x128xf32, #tpu.memory_space<hbm>>
      %dma_start3A_263 = arith.constant 0 : i32
      %dma_start3A_264 = tpu.memref_slice %arg12[%add3A_195, %dma_start3A_263] : memref<10240x128xf32, #tpu.memory_space<vmem_shared>> -> memref<32x128xf32, #tpu.memory_space<vmem_shared>>
      tpu.enqueue_dma source(%dma_start3A_264 : memref<32x128xf32, #tpu.memory_space<vmem_shared>>) target(%dma_start3A_262 : memref<32x128xf32, #tpu.memory_space<hbm>>) target_semaphore(%run_scoped3A : memref<!tpu.dma_semaphore, #tpu.memory_space<semaphore_mem>>)
      %dma_wait3A_265 = arith.constant 0 : i32
      %dma_wait3A_266 = tpu.memref_slice %arg6[%arg0, %add3A_195, %dma_wait3A_265] : memref<2x10240x128xf32, #tpu.memory_space<hbm>> -> memref<1x32x128xf32, #tpu.memory_space<hbm>>
      %dma_wait3A_267 = tpu.memref_squeeze %dma_wait3A_266 : memref<1x32x128xf32, #tpu.memory_space<hbm>> -> memref<32x128xf32, #tpu.memory_space<hbm>>
      %dma_wait3A_268 = arith.constant 0 : i32
      %dma_wait3A_269 = tpu.memref_slice %arg12[%add3A_195, %dma_wait3A_268] : memref<10240x128xf32, #tpu.memory_space<vmem_shared>> -> memref<32x128xf32, #tpu.memory_space<vmem_shared>>
      tpu.wait_dma2 semaphore(%run_scoped3A : memref<!tpu.dma_semaphore, #tpu.memory_space<semaphore_mem>>) src(%dma_wait3A_269 : memref<32x128xf32, #tpu.memory_space<vmem_shared>>) dst(%dma_wait3A_267 : memref<32x128xf32, #tpu.memory_space<hbm>>)
      tpu.yield
    }) : () -> ()
    %mul3A_196 = arith.constant 640 : i32
    %mul3A_197 = arith.muli %arg1, %mul3A_196 : i32
    %add3A_198 = arith.constant 128 : i32
    %add3A_199 = arith.addi %mul3A_197, %add3A_198 : i32
    "tpu.region"() ({
      %run_scoped3A = tpu.sem_alloc : memref<!tpu.dma_semaphore, #tpu.memory_space<semaphore_mem>>
      %dma_start3A_260 = arith.constant 0 : i32
      %dma_start3A_261 = tpu.memref_slice %arg6[%arg0, %add3A_199, %dma_start3A_260] : memref<2x10240x128xf32, #tpu.memory_space<hbm>> -> memref<1x32x128xf32, #tpu.memory_space<hbm>>
      %dma_start3A_262 = tpu.memref_squeeze %dma_start3A_261 : memref<1x32x128xf32, #tpu.memory_space<hbm>> -> memref<32x128xf32, #tpu.memory_space<hbm>>
      %dma_start3A_263 = arith.constant 0 : i32
      %dma_start3A_264 = tpu.memref_slice %arg12[%add3A_199, %dma_start3A_263] : memref<10240x128xf32, #tpu.memory_space<vmem_shared>> -> memref<32x128xf32, #tpu.memory_space<vmem_shared>>
      tpu.enqueue_dma source(%dma_start3A_264 : memref<32x128xf32, #tpu.memory_space<vmem_shared>>) target(%dma_start3A_262 : memref<32x128xf32, #tpu.memory_space<hbm>>) target_semaphore(%run_scoped3A : memref<!tpu.dma_semaphore, #tpu.memory_space<semaphore_mem>>)
      %dma_wait3A_265 = arith.constant 0 : i32
      %dma_wait3A_266 = tpu.memref_slice %arg6[%arg0, %add3A_199, %dma_wait3A_265] : memref<2x10240x128xf32, #tpu.memory_space<hbm>> -> memref<1x32x128xf32, #tpu.memory_space<hbm>>
      %dma_wait3A_267 = tpu.memref_squeeze %dma_wait3A_266 : memref<1x32x128xf32, #tpu.memory_space<hbm>> -> memref<32x128xf32, #tpu.memory_space<hbm>>
      %dma_wait3A_268 = arith.constant 0 : i32
      %dma_wait3A_269 = tpu.memref_slice %arg12[%add3A_199, %dma_wait3A_268] : memref<10240x128xf32, #tpu.memory_space<vmem_shared>> -> memref<32x128xf32, #tpu.memory_space<vmem_shared>>
      tpu.wait_dma2 semaphore(%run_scoped3A : memref<!tpu.dma_semaphore, #tpu.memory_space<semaphore_mem>>) src(%dma_wait3A_269 : memref<32x128xf32, #tpu.memory_space<vmem_shared>>) dst(%dma_wait3A_267 : memref<32x128xf32, #tpu.memory_space<hbm>>)
      tpu.yield
    }) : () -> ()
    %mul3A_200 = arith.constant 640 : i32
    %mul3A_201 = arith.muli %arg1, %mul3A_200 : i32
    %add3A_202 = arith.constant 160 : i32
    %add3A_203 = arith.addi %mul3A_201, %add3A_202 : i32
    "tpu.region"() ({
      %run_scoped3A = tpu.sem_alloc : memref<!tpu.dma_semaphore, #tpu.memory_space<semaphore_mem>>
      %dma_start3A_260 = arith.constant 0 : i32
      %dma_start3A_261 = tpu.memref_slice %arg6[%arg0, %add3A_203, %dma_start3A_260] : memref<2x10240x128xf32, #tpu.memory_space<hbm>> -> memref<1x32x128xf32, #tpu.memory_space<hbm>>
      %dma_start3A_262 = tpu.memref_squeeze %dma_start3A_261 : memref<1x32x128xf32, #tpu.memory_space<hbm>> -> memref<32x128xf32, #tpu.memory_space<hbm>>
      %dma_start3A_263 = arith.constant 0 : i32
      %dma_start3A_264 = tpu.memref_slice %arg12[%add3A_203, %dma_start3A_263] : memref<10240x128xf32, #tpu.memory_space<vmem_shared>> -> memref<32x128xf32, #tpu.memory_space<vmem_shared>>
      tpu.enqueue_dma source(%dma_start3A_264 : memref<32x128xf32, #tpu.memory_space<vmem_shared>>) target(%dma_start3A_262 : memref<32x128xf32, #tpu.memory_space<hbm>>) target_semaphore(%run_scoped3A : memref<!tpu.dma_semaphore, #tpu.memory_space<semaphore_mem>>)
      %dma_wait3A_265 = arith.constant 0 : i32
      %dma_wait3A_266 = tpu.memref_slice %arg6[%arg0, %add3A_203, %dma_wait3A_265] : memref<2x10240x128xf32, #tpu.memory_space<hbm>> -> memref<1x32x128xf32, #tpu.memory_space<hbm>>
      %dma_wait3A_267 = tpu.memref_squeeze %dma_wait3A_266 : memref<1x32x128xf32, #tpu.memory_space<hbm>> -> memref<32x128xf32, #tpu.memory_space<hbm>>
      %dma_wait3A_268 = arith.constant 0 : i32
      %dma_wait3A_269 = tpu.memref_slice %arg12[%add3A_203, %dma_wait3A_268] : memref<10240x128xf32, #tpu.memory_space<vmem_shared>> -> memref<32x128xf32, #tpu.memory_space<vmem_shared>>
      tpu.wait_dma2 semaphore(%run_scoped3A : memref<!tpu.dma_semaphore, #tpu.memory_space<semaphore_mem>>) src(%dma_wait3A_269 : memref<32x128xf32, #tpu.memory_space<vmem_shared>>) dst(%dma_wait3A_267 : memref<32x128xf32, #tpu.memory_space<hbm>>)
      tpu.yield
    }) : () -> ()
    %mul3A_204 = arith.constant 640 : i32
    %mul3A_205 = arith.muli %arg1, %mul3A_204 : i32
    %add3A_206 = arith.constant 192 : i32
    %add3A_207 = arith.addi %mul3A_205, %add3A_206 : i32
    "tpu.region"() ({
      %run_scoped3A = tpu.sem_alloc : memref<!tpu.dma_semaphore, #tpu.memory_space<semaphore_mem>>
      %dma_start3A_260 = arith.constant 0 : i32
      %dma_start3A_261 = tpu.memref_slice %arg6[%arg0, %add3A_207, %dma_start3A_260] : memref<2x10240x128xf32, #tpu.memory_space<hbm>> -> memref<1x32x128xf32, #tpu.memory_space<hbm>>
      %dma_start3A_262 = tpu.memref_squeeze %dma_start3A_261 : memref<1x32x128xf32, #tpu.memory_space<hbm>> -> memref<32x128xf32, #tpu.memory_space<hbm>>
      %dma_start3A_263 = arith.constant 0 : i32
      %dma_start3A_264 = tpu.memref_slice %arg12[%add3A_207, %dma_start3A_263] : memref<10240x128xf32, #tpu.memory_space<vmem_shared>> -> memref<32x128xf32, #tpu.memory_space<vmem_shared>>
      tpu.enqueue_dma source(%dma_start3A_264 : memref<32x128xf32, #tpu.memory_space<vmem_shared>>) target(%dma_start3A_262 : memref<32x128xf32, #tpu.memory_space<hbm>>) target_semaphore(%run_scoped3A : memref<!tpu.dma_semaphore, #tpu.memory_space<semaphore_mem>>)
      %dma_wait3A_265 = arith.constant 0 : i32
      %dma_wait3A_266 = tpu.memref_slice %arg6[%arg0, %add3A_207, %dma_wait3A_265] : memref<2x10240x128xf32, #tpu.memory_space<hbm>> -> memref<1x32x128xf32, #tpu.memory_space<hbm>>
      %dma_wait3A_267 = tpu.memref_squeeze %dma_wait3A_266 : memref<1x32x128xf32, #tpu.memory_space<hbm>> -> memref<32x128xf32, #tpu.memory_space<hbm>>
      %dma_wait3A_268 = arith.constant 0 : i32
      %dma_wait3A_269 = tpu.memref_slice %arg12[%add3A_207, %dma_wait3A_268] : memref<10240x128xf32, #tpu.memory_space<vmem_shared>> -> memref<32x128xf32, #tpu.memory_space<vmem_shared>>
      tpu.wait_dma2 semaphore(%run_scoped3A : memref<!tpu.dma_semaphore, #tpu.memory_space<semaphore_mem>>) src(%dma_wait3A_269 : memref<32x128xf32, #tpu.memory_space<vmem_shared>>) dst(%dma_wait3A_267 : memref<32x128xf32, #tpu.memory_space<hbm>>)
      tpu.yield
    }) : () -> ()
    %mul3A_208 = arith.constant 640 : i32
    %mul3A_209 = arith.muli %arg1, %mul3A_208 : i32
    %add3A_210 = arith.constant 224 : i32
    %add3A_211 = arith.addi %mul3A_209, %add3A_210 : i32
    "tpu.region"() ({
      %run_scoped3A = tpu.sem_alloc : memref<!tpu.dma_semaphore, #tpu.memory_space<semaphore_mem>>
      %dma_start3A_260 = arith.constant 0 : i32
      %dma_start3A_261 = tpu.memref_slice %arg6[%arg0, %add3A_211, %dma_start3A_260] : memref<2x10240x128xf32, #tpu.memory_space<hbm>> -> memref<1x32x128xf32, #tpu.memory_space<hbm>>
      %dma_start3A_262 = tpu.memref_squeeze %dma_start3A_261 : memref<1x32x128xf32, #tpu.memory_space<hbm>> -> memref<32x128xf32, #tpu.memory_space<hbm>>
      %dma_start3A_263 = arith.constant 0 : i32
      %dma_start3A_264 = tpu.memref_slice %arg12[%add3A_211, %dma_start3A_263] : memref<10240x128xf32, #tpu.memory_space<vmem_shared>> -> memref<32x128xf32, #tpu.memory_space<vmem_shared>>
      tpu.enqueue_dma source(%dma_start3A_264 : memref<32x128xf32, #tpu.memory_space<vmem_shared>>) target(%dma_start3A_262 : memref<32x128xf32, #tpu.memory_space<hbm>>) target_semaphore(%run_scoped3A : memref<!tpu.dma_semaphore, #tpu.memory_space<semaphore_mem>>)
      %dma_wait3A_265 = arith.constant 0 : i32
      %dma_wait3A_266 = tpu.memref_slice %arg6[%arg0, %add3A_211, %dma_wait3A_265] : memref<2x10240x128xf32, #tpu.memory_space<hbm>> -> memref<1x32x128xf32, #tpu.memory_space<hbm>>
      %dma_wait3A_267 = tpu.memref_squeeze %dma_wait3A_266 : memref<1x32x128xf32, #tpu.memory_space<hbm>> -> memref<32x128xf32, #tpu.memory_space<hbm>>
      %dma_wait3A_268 = arith.constant 0 : i32
      %dma_wait3A_269 = tpu.memref_slice %arg12[%add3A_211, %dma_wait3A_268] : memref<10240x128xf32, #tpu.memory_space<vmem_shared>> -> memref<32x128xf32, #tpu.memory_space<vmem_shared>>
      tpu.wait_dma2 semaphore(%run_scoped3A : memref<!tpu.dma_semaphore, #tpu.memory_space<semaphore_mem>>) src(%dma_wait3A_269 : memref<32x128xf32, #tpu.memory_space<vmem_shared>>) dst(%dma_wait3A_267 : memref<32x128xf32, #tpu.memory_space<hbm>>)
      tpu.yield
    }) : () -> ()
    %mul3A_212 = arith.constant 640 : i32
    %mul3A_213 = arith.muli %arg1, %mul3A_212 : i32
    %add3A_214 = arith.constant 256 : i32
    %add3A_215 = arith.addi %mul3A_213, %add3A_214 : i32
    "tpu.region"() ({
      %run_scoped3A = tpu.sem_alloc : memref<!tpu.dma_semaphore, #tpu.memory_space<semaphore_mem>>
      %dma_start3A_260 = arith.constant 0 : i32
      %dma_start3A_261 = tpu.memref_slice %arg6[%arg0, %add3A_215, %dma_start3A_260] : memref<2x10240x128xf32, #tpu.memory_space<hbm>> -> memref<1x32x128xf32, #tpu.memory_space<hbm>>
      %dma_start3A_262 = tpu.memref_squeeze %dma_start3A_261 : memref<1x32x128xf32, #tpu.memory_space<hbm>> -> memref<32x128xf32, #tpu.memory_space<hbm>>
      %dma_start3A_263 = arith.constant 0 : i32
      %dma_start3A_264 = tpu.memref_slice %arg12[%add3A_215, %dma_start3A_263] : memref<10240x128xf32, #tpu.memory_space<vmem_shared>> -> memref<32x128xf32, #tpu.memory_space<vmem_shared>>
      tpu.enqueue_dma source(%dma_start3A_264 : memref<32x128xf32, #tpu.memory_space<vmem_shared>>) target(%dma_start3A_262 : memref<32x128xf32, #tpu.memory_space<hbm>>) target_semaphore(%run_scoped3A : memref<!tpu.dma_semaphore, #tpu.memory_space<semaphore_mem>>)
      %dma_wait3A_265 = arith.constant 0 : i32
      %dma_wait3A_266 = tpu.memref_slice %arg6[%arg0, %add3A_215, %dma_wait3A_265] : memref<2x10240x128xf32, #tpu.memory_space<hbm>> -> memref<1x32x128xf32, #tpu.memory_space<hbm>>
      %dma_wait3A_267 = tpu.memref_squeeze %dma_wait3A_266 : memref<1x32x128xf32, #tpu.memory_space<hbm>> -> memref<32x128xf32, #tpu.memory_space<hbm>>
      %dma_wait3A_268 = arith.constant 0 : i32
      %dma_wait3A_269 = tpu.memref_slice %arg12[%add3A_215, %dma_wait3A_268] : memref<10240x128xf32, #tpu.memory_space<vmem_shared>> -> memref<32x128xf32, #tpu.memory_space<vmem_shared>>
      tpu.wait_dma2 semaphore(%run_scoped3A : memref<!tpu.dma_semaphore, #tpu.memory_space<semaphore_mem>>) src(%dma_wait3A_269 : memref<32x128xf32, #tpu.memory_space<vmem_shared>>) dst(%dma_wait3A_267 : memref<32x128xf32, #tpu.memory_space<hbm>>)
      tpu.yield
    }) : () -> ()
    %mul3A_216 = arith.constant 640 : i32
    %mul3A_217 = arith.muli %arg1, %mul3A_216 : i32
    %add3A_218 = arith.constant 288 : i32
    %add3A_219 = arith.addi %mul3A_217, %add3A_218 : i32
    "tpu.region"() ({
      %run_scoped3A = tpu.sem_alloc : memref<!tpu.dma_semaphore, #tpu.memory_space<semaphore_mem>>
      %dma_start3A_260 = arith.constant 0 : i32
      %dma_start3A_261 = tpu.memref_slice %arg6[%arg0, %add3A_219, %dma_start3A_260] : memref<2x10240x128xf32, #tpu.memory_space<hbm>> -> memref<1x32x128xf32, #tpu.memory_space<hbm>>
      %dma_start3A_262 = tpu.memref_squeeze %dma_start3A_261 : memref<1x32x128xf32, #tpu.memory_space<hbm>> -> memref<32x128xf32, #tpu.memory_space<hbm>>
      %dma_start3A_263 = arith.constant 0 : i32
      %dma_start3A_264 = tpu.memref_slice %arg12[%add3A_219, %dma_start3A_263] : memref<10240x128xf32, #tpu.memory_space<vmem_shared>> -> memref<32x128xf32, #tpu.memory_space<vmem_shared>>
      tpu.enqueue_dma source(%dma_start3A_264 : memref<32x128xf32, #tpu.memory_space<vmem_shared>>) target(%dma_start3A_262 : memref<32x128xf32, #tpu.memory_space<hbm>>) target_semaphore(%run_scoped3A : memref<!tpu.dma_semaphore, #tpu.memory_space<semaphore_mem>>)
      %dma_wait3A_265 = arith.constant 0 : i32
      %dma_wait3A_266 = tpu.memref_slice %arg6[%arg0, %add3A_219, %dma_wait3A_265] : memref<2x10240x128xf32, #tpu.memory_space<hbm>> -> memref<1x32x128xf32, #tpu.memory_space<hbm>>
      %dma_wait3A_267 = tpu.memref_squeeze %dma_wait3A_266 : memref<1x32x128xf32, #tpu.memory_space<hbm>> -> memref<32x128xf32, #tpu.memory_space<hbm>>
      %dma_wait3A_268 = arith.constant 0 : i32
      %dma_wait3A_269 = tpu.memref_slice %arg12[%add3A_219, %dma_wait3A_268] : memref<10240x128xf32, #tpu.memory_space<vmem_shared>> -> memref<32x128xf32, #tpu.memory_space<vmem_shared>>
      tpu.wait_dma2 semaphore(%run_scoped3A : memref<!tpu.dma_semaphore, #tpu.memory_space<semaphore_mem>>) src(%dma_wait3A_269 : memref<32x128xf32, #tpu.memory_space<vmem_shared>>) dst(%dma_wait3A_267 : memref<32x128xf32, #tpu.memory_space<hbm>>)
      tpu.yield
    }) : () -> ()
    %mul3A_220 = arith.constant 640 : i32
    %mul3A_221 = arith.muli %arg1, %mul3A_220 : i32
    %add3A_222 = arith.constant 320 : i32
    %add3A_223 = arith.addi %mul3A_221, %add3A_222 : i32
    "tpu.region"() ({
      %run_scoped3A = tpu.sem_alloc : memref<!tpu.dma_semaphore, #tpu.memory_space<semaphore_mem>>
      %dma_start3A_260 = arith.constant 0 : i32
      %dma_start3A_261 = tpu.memref_slice %arg6[%arg0, %add3A_223, %dma_start3A_260] : memref<2x10240x128xf32, #tpu.memory_space<hbm>> -> memref<1x32x128xf32, #tpu.memory_space<hbm>>
      %dma_start3A_262 = tpu.memref_squeeze %dma_start3A_261 : memref<1x32x128xf32, #tpu.memory_space<hbm>> -> memref<32x128xf32, #tpu.memory_space<hbm>>
      %dma_start3A_263 = arith.constant 0 : i32
      %dma_start3A_264 = tpu.memref_slice %arg12[%add3A_223, %dma_start3A_263] : memref<10240x128xf32, #tpu.memory_space<vmem_shared>> -> memref<32x128xf32, #tpu.memory_space<vmem_shared>>
      tpu.enqueue_dma source(%dma_start3A_264 : memref<32x128xf32, #tpu.memory_space<vmem_shared>>) target(%dma_start3A_262 : memref<32x128xf32, #tpu.memory_space<hbm>>) target_semaphore(%run_scoped3A : memref<!tpu.dma_semaphore, #tpu.memory_space<semaphore_mem>>)
      %dma_wait3A_265 = arith.constant 0 : i32
      %dma_wait3A_266 = tpu.memref_slice %arg6[%arg0, %add3A_223, %dma_wait3A_265] : memref<2x10240x128xf32, #tpu.memory_space<hbm>> -> memref<1x32x128xf32, #tpu.memory_space<hbm>>
      %dma_wait3A_267 = tpu.memref_squeeze %dma_wait3A_266 : memref<1x32x128xf32, #tpu.memory_space<hbm>> -> memref<32x128xf32, #tpu.memory_space<hbm>>
      %dma_wait3A_268 = arith.constant 0 : i32
      %dma_wait3A_269 = tpu.memref_slice %arg12[%add3A_223, %dma_wait3A_268] : memref<10240x128xf32, #tpu.memory_space<vmem_shared>> -> memref<32x128xf32, #tpu.memory_space<vmem_shared>>
      tpu.wait_dma2 semaphore(%run_scoped3A : memref<!tpu.dma_semaphore, #tpu.memory_space<semaphore_mem>>) src(%dma_wait3A_269 : memref<32x128xf32, #tpu.memory_space<vmem_shared>>) dst(%dma_wait3A_267 : memref<32x128xf32, #tpu.memory_space<hbm>>)
      tpu.yield
    }) : () -> ()
    %mul3A_224 = arith.constant 640 : i32
    %mul3A_225 = arith.muli %arg1, %mul3A_224 : i32
    %add3A_226 = arith.constant 352 : i32
    %add3A_227 = arith.addi %mul3A_225, %add3A_226 : i32
    "tpu.region"() ({
      %run_scoped3A = tpu.sem_alloc : memref<!tpu.dma_semaphore, #tpu.memory_space<semaphore_mem>>
      %dma_start3A_260 = arith.constant 0 : i32
      %dma_start3A_261 = tpu.memref_slice %arg6[%arg0, %add3A_227, %dma_start3A_260] : memref<2x10240x128xf32, #tpu.memory_space<hbm>> -> memref<1x32x128xf32, #tpu.memory_space<hbm>>
      %dma_start3A_262 = tpu.memref_squeeze %dma_start3A_261 : memref<1x32x128xf32, #tpu.memory_space<hbm>> -> memref<32x128xf32, #tpu.memory_space<hbm>>
      %dma_start3A_263 = arith.constant 0 : i32
      %dma_start3A_264 = tpu.memref_slice %arg12[%add3A_227, %dma_start3A_263] : memref<10240x128xf32, #tpu.memory_space<vmem_shared>> -> memref<32x128xf32, #tpu.memory_space<vmem_shared>>
      tpu.enqueue_dma source(%dma_start3A_264 : memref<32x128xf32, #tpu.memory_space<vmem_shared>>) target(%dma_start3A_262 : memref<32x128xf32, #tpu.memory_space<hbm>>) target_semaphore(%run_scoped3A : memref<!tpu.dma_semaphore, #tpu.memory_space<semaphore_mem>>)
      %dma_wait3A_265 = arith.constant 0 : i32
      %dma_wait3A_266 = tpu.memref_slice %arg6[%arg0, %add3A_227, %dma_wait3A_265] : memref<2x10240x128xf32, #tpu.memory_space<hbm>> -> memref<1x32x128xf32, #tpu.memory_space<hbm>>
      %dma_wait3A_267 = tpu.memref_squeeze %dma_wait3A_266 : memref<1x32x128xf32, #tpu.memory_space<hbm>> -> memref<32x128xf32, #tpu.memory_space<hbm>>
      %dma_wait3A_268 = arith.constant 0 : i32
      %dma_wait3A_269 = tpu.memref_slice %arg12[%add3A_227, %dma_wait3A_268] : memref<10240x128xf32, #tpu.memory_space<vmem_shared>> -> memref<32x128xf32, #tpu.memory_space<vmem_shared>>
      tpu.wait_dma2 semaphore(%run_scoped3A : memref<!tpu.dma_semaphore, #tpu.memory_space<semaphore_mem>>) src(%dma_wait3A_269 : memref<32x128xf32, #tpu.memory_space<vmem_shared>>) dst(%dma_wait3A_267 : memref<32x128xf32, #tpu.memory_space<hbm>>)
      tpu.yield
    }) : () -> ()
    %mul3A_228 = arith.constant 640 : i32
    %mul3A_229 = arith.muli %arg1, %mul3A_228 : i32
    %add3A_230 = arith.constant 384 : i32
    %add3A_231 = arith.addi %mul3A_229, %add3A_230 : i32
    "tpu.region"() ({
      %run_scoped3A = tpu.sem_alloc : memref<!tpu.dma_semaphore, #tpu.memory_space<semaphore_mem>>
      %dma_start3A_260 = arith.constant 0 : i32
      %dma_start3A_261 = tpu.memref_slice %arg6[%arg0, %add3A_231, %dma_start3A_260] : memref<2x10240x128xf32, #tpu.memory_space<hbm>> -> memref<1x32x128xf32, #tpu.memory_space<hbm>>
      %dma_start3A_262 = tpu.memref_squeeze %dma_start3A_261 : memref<1x32x128xf32, #tpu.memory_space<hbm>> -> memref<32x128xf32, #tpu.memory_space<hbm>>
      %dma_start3A_263 = arith.constant 0 : i32
      %dma_start3A_264 = tpu.memref_slice %arg12[%add3A_231, %dma_start3A_263] : memref<10240x128xf32, #tpu.memory_space<vmem_shared>> -> memref<32x128xf32, #tpu.memory_space<vmem_shared>>
      tpu.enqueue_dma source(%dma_start3A_264 : memref<32x128xf32, #tpu.memory_space<vmem_shared>>) target(%dma_start3A_262 : memref<32x128xf32, #tpu.memory_space<hbm>>) target_semaphore(%run_scoped3A : memref<!tpu.dma_semaphore, #tpu.memory_space<semaphore_mem>>)
      %dma_wait3A_265 = arith.constant 0 : i32
      %dma_wait3A_266 = tpu.memref_slice %arg6[%arg0, %add3A_231, %dma_wait3A_265] : memref<2x10240x128xf32, #tpu.memory_space<hbm>> -> memref<1x32x128xf32, #tpu.memory_space<hbm>>
      %dma_wait3A_267 = tpu.memref_squeeze %dma_wait3A_266 : memref<1x32x128xf32, #tpu.memory_space<hbm>> -> memref<32x128xf32, #tpu.memory_space<hbm>>
      %dma_wait3A_268 = arith.constant 0 : i32
      %dma_wait3A_269 = tpu.memref_slice %arg12[%add3A_231, %dma_wait3A_268] : memref<10240x128xf32, #tpu.memory_space<vmem_shared>> -> memref<32x128xf32, #tpu.memory_space<vmem_shared>>
      tpu.wait_dma2 semaphore(%run_scoped3A : memref<!tpu.dma_semaphore, #tpu.memory_space<semaphore_mem>>) src(%dma_wait3A_269 : memref<32x128xf32, #tpu.memory_space<vmem_shared>>) dst(%dma_wait3A_267 : memref<32x128xf32, #tpu.memory_space<hbm>>)
      tpu.yield
    }) : () -> ()
    %mul3A_232 = arith.constant 640 : i32
    %mul3A_233 = arith.muli %arg1, %mul3A_232 : i32
    %add3A_234 = arith.constant 416 : i32
    %add3A_235 = arith.addi %mul3A_233, %add3A_234 : i32
    "tpu.region"() ({
      %run_scoped3A = tpu.sem_alloc : memref<!tpu.dma_semaphore, #tpu.memory_space<semaphore_mem>>
      %dma_start3A_260 = arith.constant 0 : i32
      %dma_start3A_261 = tpu.memref_slice %arg6[%arg0, %add3A_235, %dma_start3A_260] : memref<2x10240x128xf32, #tpu.memory_space<hbm>> -> memref<1x32x128xf32, #tpu.memory_space<hbm>>
      %dma_start3A_262 = tpu.memref_squeeze %dma_start3A_261 : memref<1x32x128xf32, #tpu.memory_space<hbm>> -> memref<32x128xf32, #tpu.memory_space<hbm>>
      %dma_start3A_263 = arith.constant 0 : i32
      %dma_start3A_264 = tpu.memref_slice %arg12[%add3A_235, %dma_start3A_263] : memref<10240x128xf32, #tpu.memory_space<vmem_shared>> -> memref<32x128xf32, #tpu.memory_space<vmem_shared>>
      tpu.enqueue_dma source(%dma_start3A_264 : memref<32x128xf32, #tpu.memory_space<vmem_shared>>) target(%dma_start3A_262 : memref<32x128xf32, #tpu.memory_space<hbm>>) target_semaphore(%run_scoped3A : memref<!tpu.dma_semaphore, #tpu.memory_space<semaphore_mem>>)
      %dma_wait3A_265 = arith.constant 0 : i32
      %dma_wait3A_266 = tpu.memref_slice %arg6[%arg0, %add3A_235, %dma_wait3A_265] : memref<2x10240x128xf32, #tpu.memory_space<hbm>> -> memref<1x32x128xf32, #tpu.memory_space<hbm>>
      %dma_wait3A_267 = tpu.memref_squeeze %dma_wait3A_266 : memref<1x32x128xf32, #tpu.memory_space<hbm>> -> memref<32x128xf32, #tpu.memory_space<hbm>>
      %dma_wait3A_268 = arith.constant 0 : i32
      %dma_wait3A_269 = tpu.memref_slice %arg12[%add3A_235, %dma_wait3A_268] : memref<10240x128xf32, #tpu.memory_space<vmem_shared>> -> memref<32x128xf32, #tpu.memory_space<vmem_shared>>
      tpu.wait_dma2 semaphore(%run_scoped3A : memref<!tpu.dma_semaphore, #tpu.memory_space<semaphore_mem>>) src(%dma_wait3A_269 : memref<32x128xf32, #tpu.memory_space<vmem_shared>>) dst(%dma_wait3A_267 : memref<32x128xf32, #tpu.memory_space<hbm>>)
      tpu.yield
    }) : () -> ()
    %mul3A_236 = arith.constant 640 : i32
    %mul3A_237 = arith.muli %arg1, %mul3A_236 : i32
    %add3A_238 = arith.constant 448 : i32
    %add3A_239 = arith.addi %mul3A_237, %add3A_238 : i32
    "tpu.region"() ({
      %run_scoped3A = tpu.sem_alloc : memref<!tpu.dma_semaphore, #tpu.memory_space<semaphore_mem>>
      %dma_start3A_260 = arith.constant 0 : i32
      %dma_start3A_261 = tpu.memref_slice %arg6[%arg0, %add3A_239, %dma_start3A_260] : memref<2x10240x128xf32, #tpu.memory_space<hbm>> -> memref<1x32x128xf32, #tpu.memory_space<hbm>>
      %dma_start3A_262 = tpu.memref_squeeze %dma_start3A_261 : memref<1x32x128xf32, #tpu.memory_space<hbm>> -> memref<32x128xf32, #tpu.memory_space<hbm>>
      %dma_start3A_263 = arith.constant 0 : i32
      %dma_start3A_264 = tpu.memref_slice %arg12[%add3A_239, %dma_start3A_263] : memref<10240x128xf32, #tpu.memory_space<vmem_shared>> -> memref<32x128xf32, #tpu.memory_space<vmem_shared>>
      tpu.enqueue_dma source(%dma_start3A_264 : memref<32x128xf32, #tpu.memory_space<vmem_shared>>) target(%dma_start3A_262 : memref<32x128xf32, #tpu.memory_space<hbm>>) target_semaphore(%run_scoped3A : memref<!tpu.dma_semaphore, #tpu.memory_space<semaphore_mem>>)
      %dma_wait3A_265 = arith.constant 0 : i32
      %dma_wait3A_266 = tpu.memref_slice %arg6[%arg0, %add3A_239, %dma_wait3A_265] : memref<2x10240x128xf32, #tpu.memory_space<hbm>> -> memref<1x32x128xf32, #tpu.memory_space<hbm>>
      %dma_wait3A_267 = tpu.memref_squeeze %dma_wait3A_266 : memref<1x32x128xf32, #tpu.memory_space<hbm>> -> memref<32x128xf32, #tpu.memory_space<hbm>>
      %dma_wait3A_268 = arith.constant 0 : i32
      %dma_wait3A_269 = tpu.memref_slice %arg12[%add3A_239, %dma_wait3A_268] : memref<10240x128xf32, #tpu.memory_space<vmem_shared>> -> memref<32x128xf32, #tpu.memory_space<vmem_shared>>
      tpu.wait_dma2 semaphore(%run_scoped3A : memref<!tpu.dma_semaphore, #tpu.memory_space<semaphore_mem>>) src(%dma_wait3A_269 : memref<32x128xf32, #tpu.memory_space<vmem_shared>>) dst(%dma_wait3A_267 : memref<32x128xf32, #tpu.memory_space<hbm>>)
      tpu.yield
    }) : () -> ()
    %mul3A_240 = arith.constant 640 : i32
    %mul3A_241 = arith.muli %arg1, %mul3A_240 : i32
    %add3A_242 = arith.constant 480 : i32
    %add3A_243 = arith.addi %mul3A_241, %add3A_242 : i32
    "tpu.region"() ({
      %run_scoped3A = tpu.sem_alloc : memref<!tpu.dma_semaphore, #tpu.memory_space<semaphore_mem>>
      %dma_start3A_260 = arith.constant 0 : i32
      %dma_start3A_261 = tpu.memref_slice %arg6[%arg0, %add3A_243, %dma_start3A_260] : memref<2x10240x128xf32, #tpu.memory_space<hbm>> -> memref<1x32x128xf32, #tpu.memory_space<hbm>>
      %dma_start3A_262 = tpu.memref_squeeze %dma_start3A_261 : memref<1x32x128xf32, #tpu.memory_space<hbm>> -> memref<32x128xf32, #tpu.memory_space<hbm>>
      %dma_start3A_263 = arith.constant 0 : i32
      %dma_start3A_264 = tpu.memref_slice %arg12[%add3A_243, %dma_start3A_263] : memref<10240x128xf32, #tpu.memory_space<vmem_shared>> -> memref<32x128xf32, #tpu.memory_space<vmem_shared>>
      tpu.enqueue_dma source(%dma_start3A_264 : memref<32x128xf32, #tpu.memory_space<vmem_shared>>) target(%dma_start3A_262 : memref<32x128xf32, #tpu.memory_space<hbm>>) target_semaphore(%run_scoped3A : memref<!tpu.dma_semaphore, #tpu.memory_space<semaphore_mem>>)
      %dma_wait3A_265 = arith.constant 0 : i32
      %dma_wait3A_266 = tpu.memref_slice %arg6[%arg0, %add3A_243, %dma_wait3A_265] : memref<2x10240x128xf32, #tpu.memory_space<hbm>> -> memref<1x32x128xf32, #tpu.memory_space<hbm>>
      %dma_wait3A_267 = tpu.memref_squeeze %dma_wait3A_266 : memref<1x32x128xf32, #tpu.memory_space<hbm>> -> memref<32x128xf32, #tpu.memory_space<hbm>>
      %dma_wait3A_268 = arith.constant 0 : i32
      %dma_wait3A_269 = tpu.memref_slice %arg12[%add3A_243, %dma_wait3A_268] : memref<10240x128xf32, #tpu.memory_space<vmem_shared>> -> memref<32x128xf32, #tpu.memory_space<vmem_shared>>
      tpu.wait_dma2 semaphore(%run_scoped3A : memref<!tpu.dma_semaphore, #tpu.memory_space<semaphore_mem>>) src(%dma_wait3A_269 : memref<32x128xf32, #tpu.memory_space<vmem_shared>>) dst(%dma_wait3A_267 : memref<32x128xf32, #tpu.memory_space<hbm>>)
      tpu.yield
    }) : () -> ()
    %mul3A_244 = arith.constant 640 : i32
    %mul3A_245 = arith.muli %arg1, %mul3A_244 : i32
    %add3A_246 = arith.constant 512 : i32
    %add3A_247 = arith.addi %mul3A_245, %add3A_246 : i32
    "tpu.region"() ({
      %run_scoped3A = tpu.sem_alloc : memref<!tpu.dma_semaphore, #tpu.memory_space<semaphore_mem>>
      %dma_start3A_260 = arith.constant 0 : i32
      %dma_start3A_261 = tpu.memref_slice %arg6[%arg0, %add3A_247, %dma_start3A_260] : memref<2x10240x128xf32, #tpu.memory_space<hbm>> -> memref<1x32x128xf32, #tpu.memory_space<hbm>>
      %dma_start3A_262 = tpu.memref_squeeze %dma_start3A_261 : memref<1x32x128xf32, #tpu.memory_space<hbm>> -> memref<32x128xf32, #tpu.memory_space<hbm>>
      %dma_start3A_263 = arith.constant 0 : i32
      %dma_start3A_264 = tpu.memref_slice %arg12[%add3A_247, %dma_start3A_263] : memref<10240x128xf32, #tpu.memory_space<vmem_shared>> -> memref<32x128xf32, #tpu.memory_space<vmem_shared>>
      tpu.enqueue_dma source(%dma_start3A_264 : memref<32x128xf32, #tpu.memory_space<vmem_shared>>) target(%dma_start3A_262 : memref<32x128xf32, #tpu.memory_space<hbm>>) target_semaphore(%run_scoped3A : memref<!tpu.dma_semaphore, #tpu.memory_space<semaphore_mem>>)
      %dma_wait3A_265 = arith.constant 0 : i32
      %dma_wait3A_266 = tpu.memref_slice %arg6[%arg0, %add3A_247, %dma_wait3A_265] : memref<2x10240x128xf32, #tpu.memory_space<hbm>> -> memref<1x32x128xf32, #tpu.memory_space<hbm>>
      %dma_wait3A_267 = tpu.memref_squeeze %dma_wait3A_266 : memref<1x32x128xf32, #tpu.memory_space<hbm>> -> memref<32x128xf32, #tpu.memory_space<hbm>>
      %dma_wait3A_268 = arith.constant 0 : i32
      %dma_wait3A_269 = tpu.memref_slice %arg12[%add3A_247, %dma_wait3A_268] : memref<10240x128xf32, #tpu.memory_space<vmem_shared>> -> memref<32x128xf32, #tpu.memory_space<vmem_shared>>
      tpu.wait_dma2 semaphore(%run_scoped3A : memref<!tpu.dma_semaphore, #tpu.memory_space<semaphore_mem>>) src(%dma_wait3A_269 : memref<32x128xf32, #tpu.memory_space<vmem_shared>>) dst(%dma_wait3A_267 : memref<32x128xf32, #tpu.memory_space<hbm>>)
      tpu.yield
    }) : () -> ()
    %mul3A_248 = arith.constant 640 : i32
    %mul3A_249 = arith.muli %arg1, %mul3A_248 : i32
    %add3A_250 = arith.constant 544 : i32
    %add3A_251 = arith.addi %mul3A_249, %add3A_250 : i32
    "tpu.region"() ({
      %run_scoped3A = tpu.sem_alloc : memref<!tpu.dma_semaphore, #tpu.memory_space<semaphore_mem>>
      %dma_start3A_260 = arith.constant 0 : i32
      %dma_start3A_261 = tpu.memref_slice %arg6[%arg0, %add3A_251, %dma_start3A_260] : memref<2x10240x128xf32, #tpu.memory_space<hbm>> -> memref<1x32x128xf32, #tpu.memory_space<hbm>>
      %dma_start3A_262 = tpu.memref_squeeze %dma_start3A_261 : memref<1x32x128xf32, #tpu.memory_space<hbm>> -> memref<32x128xf32, #tpu.memory_space<hbm>>
      %dma_start3A_263 = arith.constant 0 : i32
      %dma_start3A_264 = tpu.memref_slice %arg12[%add3A_251, %dma_start3A_263] : memref<10240x128xf32, #tpu.memory_space<vmem_shared>> -> memref<32x128xf32, #tpu.memory_space<vmem_shared>>
      tpu.enqueue_dma source(%dma_start3A_264 : memref<32x128xf32, #tpu.memory_space<vmem_shared>>) target(%dma_start3A_262 : memref<32x128xf32, #tpu.memory_space<hbm>>) target_semaphore(%run_scoped3A : memref<!tpu.dma_semaphore, #tpu.memory_space<semaphore_mem>>)
      %dma_wait3A_265 = arith.constant 0 : i32
      %dma_wait3A_266 = tpu.memref_slice %arg6[%arg0, %add3A_251, %dma_wait3A_265] : memref<2x10240x128xf32, #tpu.memory_space<hbm>> -> memref<1x32x128xf32, #tpu.memory_space<hbm>>
      %dma_wait3A_267 = tpu.memref_squeeze %dma_wait3A_266 : memref<1x32x128xf32, #tpu.memory_space<hbm>> -> memref<32x128xf32, #tpu.memory_space<hbm>>
      %dma_wait3A_268 = arith.constant 0 : i32
      %dma_wait3A_269 = tpu.memref_slice %arg12[%add3A_251, %dma_wait3A_268] : memref<10240x128xf32, #tpu.memory_space<vmem_shared>> -> memref<32x128xf32, #tpu.memory_space<vmem_shared>>
      tpu.wait_dma2 semaphore(%run_scoped3A : memref<!tpu.dma_semaphore, #tpu.memory_space<semaphore_mem>>) src(%dma_wait3A_269 : memref<32x128xf32, #tpu.memory_space<vmem_shared>>) dst(%dma_wait3A_267 : memref<32x128xf32, #tpu.memory_space<hbm>>)
      tpu.yield
    }) : () -> ()
    %mul3A_252 = arith.constant 640 : i32
    %mul3A_253 = arith.muli %arg1, %mul3A_252 : i32
    %add3A_254 = arith.constant 576 : i32
    %add3A_255 = arith.addi %mul3A_253, %add3A_254 : i32
    "tpu.region"() ({
      %run_scoped3A = tpu.sem_alloc : memref<!tpu.dma_semaphore, #tpu.memory_space<semaphore_mem>>
      %dma_start3A_260 = arith.constant 0 : i32
      %dma_start3A_261 = tpu.memref_slice %arg6[%arg0, %add3A_255, %dma_start3A_260] : memref<2x10240x128xf32, #tpu.memory_space<hbm>> -> memref<1x32x128xf32, #tpu.memory_space<hbm>>
      %dma_start3A_262 = tpu.memref_squeeze %dma_start3A_261 : memref<1x32x128xf32, #tpu.memory_space<hbm>> -> memref<32x128xf32, #tpu.memory_space<hbm>>
      %dma_start3A_263 = arith.constant 0 : i32
      %dma_start3A_264 = tpu.memref_slice %arg12[%add3A_255, %dma_start3A_263] : memref<10240x128xf32, #tpu.memory_space<vmem_shared>> -> memref<32x128xf32, #tpu.memory_space<vmem_shared>>
      tpu.enqueue_dma source(%dma_start3A_264 : memref<32x128xf32, #tpu.memory_space<vmem_shared>>) target(%dma_start3A_262 : memref<32x128xf32, #tpu.memory_space<hbm>>) target_semaphore(%run_scoped3A : memref<!tpu.dma_semaphore, #tpu.memory_space<semaphore_mem>>)
      %dma_wait3A_265 = arith.constant 0 : i32
      %dma_wait3A_266 = tpu.memref_slice %arg6[%arg0, %add3A_255, %dma_wait3A_265] : memref<2x10240x128xf32, #tpu.memory_space<hbm>> -> memref<1x32x128xf32, #tpu.memory_space<hbm>>
      %dma_wait3A_267 = tpu.memref_squeeze %dma_wait3A_266 : memref<1x32x128xf32, #tpu.memory_space<hbm>> -> memref<32x128xf32, #tpu.memory_space<hbm>>
      %dma_wait3A_268 = arith.constant 0 : i32
      %dma_wait3A_269 = tpu.memref_slice %arg12[%add3A_255, %dma_wait3A_268] : memref<10240x128xf32, #tpu.memory_space<vmem_shared>> -> memref<32x128xf32, #tpu.memory_space<vmem_shared>>
      tpu.wait_dma2 semaphore(%run_scoped3A : memref<!tpu.dma_semaphore, #tpu.memory_space<semaphore_mem>>) src(%dma_wait3A_269 : memref<32x128xf32, #tpu.memory_space<vmem_shared>>) dst(%dma_wait3A_267 : memref<32x128xf32, #tpu.memory_space<hbm>>)
      tpu.yield
    }) : () -> ()
    %mul3A_256 = arith.constant 640 : i32
    %mul3A_257 = arith.muli %arg1, %mul3A_256 : i32
    %add3A_258 = arith.constant 608 : i32
    %add3A_259 = arith.addi %mul3A_257, %add3A_258 : i32
    "tpu.region"() ({
      %run_scoped3A = tpu.sem_alloc : memref<!tpu.dma_semaphore, #tpu.memory_space<semaphore_mem>>
      %dma_start3A_260 = arith.constant 0 : i32
      %dma_start3A_261 = tpu.memref_slice %arg6[%arg0, %add3A_259, %dma_start3A_260] : memref<2x10240x128xf32, #tpu.memory_space<hbm>> -> memref<1x32x128xf32, #tpu.memory_space<hbm>>
      %dma_start3A_262 = tpu.memref_squeeze %dma_start3A_261 : memref<1x32x128xf32, #tpu.memory_space<hbm>> -> memref<32x128xf32, #tpu.memory_space<hbm>>
      %dma_start3A_263 = arith.constant 0 : i32
      %dma_start3A_264 = tpu.memref_slice %arg12[%add3A_259, %dma_start3A_263] : memref<10240x128xf32, #tpu.memory_space<vmem_shared>> -> memref<32x128xf32, #tpu.memory_space<vmem_shared>>
      tpu.enqueue_dma source(%dma_start3A_264 : memref<32x128xf32, #tpu.memory_space<vmem_shared>>) target(%dma_start3A_262 : memref<32x128xf32, #tpu.memory_space<hbm>>) target_semaphore(%run_scoped3A : memref<!tpu.dma_semaphore, #tpu.memory_space<semaphore_mem>>)
      %dma_wait3A_265 = arith.constant 0 : i32
      %dma_wait3A_266 = tpu.memref_slice %arg6[%arg0, %add3A_259, %dma_wait3A_265] : memref<2x10240x128xf32, #tpu.memory_space<hbm>> -> memref<1x32x128xf32, #tpu.memory_space<hbm>>
      %dma_wait3A_267 = tpu.memref_squeeze %dma_wait3A_266 : memref<1x32x128xf32, #tpu.memory_space<hbm>> -> memref<32x128xf32, #tpu.memory_space<hbm>>
      %dma_wait3A_268 = arith.constant 0 : i32
      %dma_wait3A_269 = tpu.memref_slice %arg12[%add3A_259, %dma_wait3A_268] : memref<10240x128xf32, #tpu.memory_space<vmem_shared>> -> memref<32x128xf32, #tpu.memory_space<vmem_shared>>
      tpu.wait_dma2 semaphore(%run_scoped3A : memref<!tpu.dma_semaphore, #tpu.memory_space<semaphore_mem>>) src(%dma_wait3A_269 : memref<32x128xf32, #tpu.memory_space<vmem_shared>>) dst(%dma_wait3A_267 : memref<32x128xf32, #tpu.memory_space<hbm>>)
      tpu.yield
    }) : () -> ()
    return
  }
}

module attributes {stable_mosaic.version = 14 : i64} {
  func.func @_coef_body(%arg0: i32, %arg1: memref<4000x16xf32, #tpu.memory_space<vmem>>, %arg2: memref<4000x1xf32, #tpu.memory_space<vmem>>, %arg3: memref<16x128xf32, #tpu.memory_space<vmem>>, %arg4: memref<128x128xf32, #tpu.memory_space<vmem>>, %arg5: memref<4000x64xi32, #tpu.memory_space<vmem>>) attributes {dimension_semantics = [#tpu.dimension_semantics<arbitrary>], iteration_bounds = array<i64: 80>, scalar_prefetch = 0 : i64, scratch_operands = 0 : i64, tpu.core_type = #tpu.core_type<tc>, window_params = [{transform_indices = @transform_0, window_bounds = array<i64: 4000, 16>}, {transform_indices = @transform_1, window_bounds = array<i64: 4000, 1>}, {pipeline_mode = #tpu.pipeline_mode<synchronous>, transform_indices = @transform_2, window_bounds = array<i64: 16, 128>}, {pipeline_mode = #tpu.pipeline_mode<synchronous>, transform_indices = @transform_3, window_bounds = array<i64: 128, 128>}, {transform_indices = @transform_4, window_bounds = array<i64: 4000, 64>}]} {
    %get3A = arith.constant 0 : index
    %get3A_0 = arith.constant 0 : index
    %get3A_1 = vector.load %arg1[%get3A, %get3A_0] : memref<4000x16xf32, #tpu.memory_space<vmem>>, vector<4000x16xf32>
    %get3A_2 = arith.constant 0 : index
    %get3A_3 = arith.constant 0 : index
    %get3A_4 = vector.load %arg3[%get3A_2, %get3A_3] : memref<16x128xf32, #tpu.memory_space<vmem>>, vector<16x128xf32>
    %dot_general3A = arith.constant dense<0.000000e+00> : vector<4000x128xf32>
    %dot_general3A_5 = tpu.matmul %get3A_1, %get3A_4, %dot_general3A {dimension_numbers = #tpu.dot_dimension_numbers<[1], [0], [0], [1], [0, 0, 1, 1], [], []>, transpose_lhs_hint = false} : vector<4000x16xf32>, vector<16x128xf32>, vector<4000x128xf32> -> vector<4000x128xf32>
    %get3A_6 = arith.constant 0 : index
    %get3A_7 = arith.constant 0 : index
    %get3A_8 = vector.load %arg2[%get3A_6, %get3A_7] : memref<4000x1xf32, #tpu.memory_space<vmem>>, vector<4000x1xf32>
    %mul3A = arith.constant 2.500000e-01 : f32
    %mul3A_9 = vector.broadcast %mul3A : f32 to vector<4000x1xf32>
    %mul3A_10 = arith.mulf %get3A_8, %mul3A_9 : vector<4000x1xf32>
    %mul3A_11 = vector.broadcast %mul3A_10 : vector<4000x1xf32> to vector<4000x128xf32>
    %mul3A_12 = arith.mulf %dot_general3A_5, %mul3A_11 : vector<4000x128xf32>
    %get3A_13 = arith.constant 0 : index
    %get3A_14 = arith.constant 0 : index
    %get3A_15 = vector.load %arg4[%get3A_13, %get3A_14] : memref<128x128xf32, #tpu.memory_space<vmem>>, vector<128x128xf32>
    %dot_general3A_16 = arith.constant dense<0.000000e+00> : vector<4000x128xf32>
    %dot_general3A_17 = tpu.matmul %mul3A_12, %get3A_15, %dot_general3A_16 {dimension_numbers = #tpu.dot_dimension_numbers<[1], [0], [0], [1], [0, 0, 1, 1], [], []>, transpose_lhs_hint = false} : vector<4000x128xf32>, vector<128x128xf32>, vector<4000x128xf32> -> vector<4000x128xf32>
    %bitcast_convert_type3A = tpu.bitcast %dot_general3A_17 : vector<4000x128xf32> -> vector<4000x128xi32>
    %add3A = arith.constant 32767 : i32
    %add3A_18 = vector.broadcast %add3A : i32 to vector<4000x128xi32>
    %add3A_19 = arith.addi %bitcast_convert_type3A, %add3A_18 : vector<4000x128xi32>
    %shift_right_logical3A = arith.constant 16 : i32
    %shift_right_logical3A_20 = vector.broadcast %shift_right_logical3A : i32 to vector<4000x128xi32>
    %shift_right_logical3A_21 = arith.shrui %bitcast_convert_type3A, %shift_right_logical3A_20 : vector<4000x128xi32>
    %and3A = arith.constant 1 : i32
    %and3A_22 = vector.broadcast %and3A : i32 to vector<4000x128xi32>
    %and3A_23 = arith.andi %shift_right_logical3A_21, %and3A_22 : vector<4000x128xi32>
    %add3A_24 = arith.addi %add3A_19, %and3A_23 : vector<4000x128xi32>
    %shift_right_logical3A_25 = arith.constant 16 : i32
    %shift_right_logical3A_26 = vector.broadcast %shift_right_logical3A_25 : i32 to vector<4000x128xi32>
    %shift_right_logical3A_27 = arith.shrui %add3A_24, %shift_right_logical3A_26 : vector<4000x128xi32>
    %slice3A = vector.extract_strided_slice %shift_right_logical3A_27 {offsets = [0, 0], sizes = [4000, 64], strides = [1, 1]} : vector<4000x128xi32> to vector<4000x64xi32>
    %slice3A_28 = vector.extract_strided_slice %shift_right_logical3A_27 {offsets = [0, 64], sizes = [4000, 64], strides = [1, 1]} : vector<4000x128xi32> to vector<4000x64xi32>
    %shift_left3A = arith.constant 16 : i32
    %shift_left3A_29 = vector.broadcast %shift_left3A : i32 to vector<4000x64xi32>
    %shift_left3A_30 = arith.shli %slice3A_28, %shift_left3A_29 : vector<4000x64xi32>
    %or3A = arith.ori %slice3A, %shift_left3A_30 : vector<4000x64xi32>
    %swap3A = arith.constant 0 : index
    %swap3A_31 = arith.constant 0 : index
    %swap3A_32 = vector.load %arg5[%swap3A, %swap3A_31] : memref<4000x64xi32, #tpu.memory_space<vmem>>, vector<4000x64xi32>
    tpu.vector_store %arg5[%swap3A, %swap3A_31], %or3A {strides = array<i32>} : memref<4000x64xi32, #tpu.memory_space<vmem>>, vector<4000x64xi32>,
    return
  }
  func.func @transform_0(%arg0: i32) -> (i32, i32) {
    %c0_i32 = arith.constant 0 : i32
    %c0_i32_0 = arith.constant 0 : i32
    return %arg0, %c0_i32 : i32, i32
  }
  func.func @transform_1(%arg0: i32) -> (i32, i32) {
    %c0_i32 = arith.constant 0 : i32
    %c0_i32_0 = arith.constant 0 : i32
    return %arg0, %c0_i32 : i32, i32
  }
  func.func @transform_2(%arg0: i32) -> (i32, i32) {
    %c0_i32 = arith.constant 0 : i32
    %c0_i32_0 = arith.constant 0 : i32
    %c0_i32_1 = arith.constant 0 : i32
    return %c0_i32, %c0_i32_0 : i32, i32
  }
  func.func @transform_3(%arg0: i32) -> (i32, i32) {
    %c0_i32 = arith.constant 0 : i32
    %c0_i32_0 = arith.constant 0 : i32
    %c0_i32_1 = arith.constant 0 : i32
    return %c0_i32, %c0_i32_0 : i32, i32
  }
  func.func @transform_4(%arg0: i32) -> (i32, i32) {
    %c0_i32 = arith.constant 0 : i32
    %c0_i32_0 = arith.constant 0 : i32
    return %arg0, %c0_i32 : i32, i32
  }
}

module attributes {stable_mosaic.version = 14 : i64} {
  func.func @_final_body(%arg0: i32, %arg1: memref<2x2000x128xf32, #tpu.memory_space<vmem>>, %arg2: memref<2000x16xf32, #tpu.memory_space<vmem>>, %arg3: memref<128x128xf32, #tpu.memory_space<vmem>>, %arg4: memref<16x128x128xf32, #tpu.memory_space<vmem>>, %arg5: memref<2000x128xf32, #tpu.memory_space<vmem>>) attributes {dimension_semantics = [#tpu.dimension_semantics<arbitrary>], iteration_bounds = array<i64: 5>, scalar_prefetch = 0 : i64, scratch_operands = 0 : i64, tpu.core_type = #tpu.core_type<tc>, window_params = [{transform_indices = @transform_0, window_bounds = array<i64: 2, 2000, 128>}, {transform_indices = @transform_1, window_bounds = array<i64: 2000, 16>}, {pipeline_mode = #tpu.pipeline_mode<synchronous>, transform_indices = @transform_2, window_bounds = array<i64: 128, 128>}, {pipeline_mode = #tpu.pipeline_mode<synchronous>, transform_indices = @transform_3, window_bounds = array<i64: 16, 128, 128>}, {transform_indices = @transform_4, window_bounds = array<i64: 2000, 128>}]} {
    %get3A = arith.constant 0 : index
    %get3A_0 = arith.constant 0 : index
    %get3A_1 = arith.constant 0 : index
    %get3A_2 = vector.load %arg1[%get3A, %get3A_0, %get3A_1] : memref<2x2000x128xf32, #tpu.memory_space<vmem>>, vector<1x2000x128xf32>
    %get3A_3 = vector.shape_cast %get3A_2 : vector<1x2000x128xf32> to vector<2000x128xf32>
    %get3A_4 = arith.constant 1 : index
    %get3A_5 = arith.constant 0 : index
    %get3A_6 = arith.constant 0 : index
    %get3A_7 = vector.load %arg1[%get3A_4, %get3A_5, %get3A_6] : memref<2x2000x128xf32, #tpu.memory_space<vmem>>, vector<1x2000x128xf32>
    %get3A_8 = vector.shape_cast %get3A_7 : vector<1x2000x128xf32> to vector<2000x128xf32>
    %add3A = arith.addf %get3A_3, %get3A_8 : vector<2000x128xf32>
    %get3A_9 = arith.constant 0 : index
    %get3A_10 = arith.constant 0 : index
    %get3A_11 = vector.load %arg3[%get3A_9, %get3A_10] : memref<128x128xf32, #tpu.memory_space<vmem>>, vector<128x128xf32>
    %dot_general3A = arith.constant dense<0.000000e+00> : vector<2000x128xf32>
    %dot_general3A_12 = tpu.matmul %add3A, %get3A_11, %dot_general3A {dimension_numbers = #tpu.dot_dimension_numbers<[1], [0], [0], [1], [0, 0, 1, 1], [], []>, transpose_lhs_hint = false} : vector<2000x128xf32>, vector<128x128xf32>, vector<2000x128xf32> -> vector<2000x128xf32>
    %mul3A = arith.constant 0.0883883461 : f32
    %mul3A_13 = vector.broadcast %mul3A : f32 to vector<2000x128xf32>
    %mul3A_14 = arith.mulf %dot_general3A_12, %mul3A_13 : vector<2000x128xf32>
    %broadcast_in_dim3A = arith.constant 0.000000e+00 : f32
    %broadcast_in_dim3A_15 = vector.broadcast %broadcast_in_dim3A : f32 to vector<2000x128xf32>
    %get3A_16 = arith.constant 0 : index
    %get3A_17 = arith.constant 0 : index
    %get3A_18 = vector.load %arg2[%get3A_16, %get3A_17] : memref<2000x16xf32, #tpu.memory_space<vmem>>, vector<2000x1xf32>
    %get3A_19 = arith.constant 0 : index
    %get3A_20 = arith.constant 0 : index
    %get3A_21 = arith.constant 0 : index
    %get3A_22 = vector.load %arg4[%get3A_19, %get3A_20, %get3A_21] : memref<16x128x128xf32, #tpu.memory_space<vmem>>, vector<1x128x128xf32>
    %get3A_23 = vector.shape_cast %get3A_22 : vector<1x128x128xf32> to vector<128x128xf32>
    %dot_general3A_24 = arith.constant dense<0.000000e+00> : vector<2000x128xf32>
    %dot_general3A_25 = tpu.matmul %mul3A_14, %get3A_23, %dot_general3A_24 {dimension_numbers = #tpu.dot_dimension_numbers<[1], [0], [0], [1], [0, 0, 1, 1], [], []>, transpose_lhs_hint = false} : vector<2000x128xf32>, vector<128x128xf32>, vector<2000x128xf32> -> vector<2000x128xf32>
    %mul3A_26 = vector.broadcast %get3A_18 : vector<2000x1xf32> to vector<2000x128xf32>
    %mul3A_27 = arith.mulf %mul3A_26, %dot_general3A_25 : vector<2000x128xf32>
    %add3A_28 = arith.addf %broadcast_in_dim3A_15, %mul3A_27 : vector<2000x128xf32>
    %get3A_29 = arith.constant 0 : index
    %get3A_30 = arith.constant 1 : index
    %get3A_31 = vector.load %arg2[%get3A_29, %get3A_30] : memref<2000x16xf32, #tpu.memory_space<vmem>>, vector<2000x1xf32>
    %get3A_32 = arith.constant 1 : index
    %get3A_33 = arith.constant 0 : index
    %get3A_34 = arith.constant 0 : index
    %get3A_35 = vector.load %arg4[%get3A_32, %get3A_33, %get3A_34] : memref<16x128x128xf32, #tpu.memory_space<vmem>>, vector<1x128x128xf32>
    %get3A_36 = vector.shape_cast %get3A_35 : vector<1x128x128xf32> to vector<128x128xf32>
    %dot_general3A_37 = arith.constant dense<0.000000e+00> : vector<2000x128xf32>
    %dot_general3A_38 = tpu.matmul %mul3A_14, %get3A_36, %dot_general3A_37 {dimension_numbers = #tpu.dot_dimension_numbers<[1], [0], [0], [1], [0, 0, 1, 1], [], []>, transpose_lhs_hint = false} : vector<2000x128xf32>, vector<128x128xf32>, vector<2000x128xf32> -> vector<2000x128xf32>
    %mul3A_39 = vector.broadcast %get3A_31 : vector<2000x1xf32> to vector<2000x128xf32>
    %mul3A_40 = arith.mulf %mul3A_39, %dot_general3A_38 : vector<2000x128xf32>
    %add3A_41 = arith.addf %add3A_28, %mul3A_40 : vector<2000x128xf32>
    %get3A_42 = arith.constant 0 : index
    %get3A_43 = arith.constant 2 : index
    %get3A_44 = vector.load %arg2[%get3A_42, %get3A_43] : memref<2000x16xf32, #tpu.memory_space<vmem>>, vector<2000x1xf32>
    %get3A_45 = arith.constant 2 : index
    %get3A_46 = arith.constant 0 : index
    %get3A_47 = arith.constant 0 : index
    %get3A_48 = vector.load %arg4[%get3A_45, %get3A_46, %get3A_47] : memref<16x128x128xf32, #tpu.memory_space<vmem>>, vector<1x128x128xf32>
    %get3A_49 = vector.shape_cast %get3A_48 : vector<1x128x128xf32> to vector<128x128xf32>
    %dot_general3A_50 = arith.constant dense<0.000000e+00> : vector<2000x128xf32>
    %dot_general3A_51 = tpu.matmul %mul3A_14, %get3A_49, %dot_general3A_50 {dimension_numbers = #tpu.dot_dimension_numbers<[1], [0], [0], [1], [0, 0, 1, 1], [], []>, transpose_lhs_hint = false} : vector<2000x128xf32>, vector<128x128xf32>, vector<2000x128xf32> -> vector<2000x128xf32>
    %mul3A_52 = vector.broadcast %get3A_44 : vector<2000x1xf32> to vector<2000x128xf32>
    %mul3A_53 = arith.mulf %mul3A_52, %dot_general3A_51 : vector<2000x128xf32>
    %add3A_54 = arith.addf %add3A_41, %mul3A_53 : vector<2000x128xf32>
    %get3A_55 = arith.constant 0 : index
    %get3A_56 = arith.constant 3 : index
    %get3A_57 = vector.load %arg2[%get3A_55, %get3A_56] : memref<2000x16xf32, #tpu.memory_space<vmem>>, vector<2000x1xf32>
    %get3A_58 = arith.constant 3 : index
    %get3A_59 = arith.constant 0 : index
    %get3A_60 = arith.constant 0 : index
    %get3A_61 = vector.load %arg4[%get3A_58, %get3A_59, %get3A_60] : memref<16x128x128xf32, #tpu.memory_space<vmem>>, vector<1x128x128xf32>
    %get3A_62 = vector.shape_cast %get3A_61 : vector<1x128x128xf32> to vector<128x128xf32>
    %dot_general3A_63 = arith.constant dense<0.000000e+00> : vector<2000x128xf32>
    %dot_general3A_64 = tpu.matmul %mul3A_14, %get3A_62, %dot_general3A_63 {dimension_numbers = #tpu.dot_dimension_numbers<[1], [0], [0], [1], [0, 0, 1, 1], [], []>, transpose_lhs_hint = false} : vector<2000x128xf32>, vector<128x128xf32>, vector<2000x128xf32> -> vector<2000x128xf32>
    %mul3A_65 = vector.broadcast %get3A_57 : vector<2000x1xf32> to vector<2000x128xf32>
    %mul3A_66 = arith.mulf %mul3A_65, %dot_general3A_64 : vector<2000x128xf32>
    %add3A_67 = arith.addf %add3A_54, %mul3A_66 : vector<2000x128xf32>
    %get3A_68 = arith.constant 0 : index
    %get3A_69 = arith.constant 4 : index
    %get3A_70 = vector.load %arg2[%get3A_68, %get3A_69] : memref<2000x16xf32, #tpu.memory_space<vmem>>, vector<2000x1xf32>
    %get3A_71 = arith.constant 4 : index
    %get3A_72 = arith.constant 0 : index
    %get3A_73 = arith.constant 0 : index
    %get3A_74 = vector.load %arg4[%get3A_71, %get3A_72, %get3A_73] : memref<16x128x128xf32, #tpu.memory_space<vmem>>, vector<1x128x128xf32>
    %get3A_75 = vector.shape_cast %get3A_74 : vector<1x128x128xf32> to vector<128x128xf32>
    %dot_general3A_76 = arith.constant dense<0.000000e+00> : vector<2000x128xf32>
    %dot_general3A_77 = tpu.matmul %mul3A_14, %get3A_75, %dot_general3A_76 {dimension_numbers = #tpu.dot_dimension_numbers<[1], [0], [0], [1], [0, 0, 1, 1], [], []>, transpose_lhs_hint = false} : vector<2000x128xf32>, vector<128x128xf32>, vector<2000x128xf32> -> vector<2000x128xf32>
    %mul3A_78 = vector.broadcast %get3A_70 : vector<2000x1xf32> to vector<2000x128xf32>
    %mul3A_79 = arith.mulf %mul3A_78, %dot_general3A_77 : vector<2000x128xf32>
    %add3A_80 = arith.addf %add3A_67, %mul3A_79 : vector<2000x128xf32>
    %get3A_81 = arith.constant 0 : index
    %get3A_82 = arith.constant 5 : index
    %get3A_83 = vector.load %arg2[%get3A_81, %get3A_82] : memref<2000x16xf32, #tpu.memory_space<vmem>>, vector<2000x1xf32>
    %get3A_84 = arith.constant 5 : index
    %get3A_85 = arith.constant 0 : index
    %get3A_86 = arith.constant 0 : index
    %get3A_87 = vector.load %arg4[%get3A_84, %get3A_85, %get3A_86] : memref<16x128x128xf32, #tpu.memory_space<vmem>>, vector<1x128x128xf32>
    %get3A_88 = vector.shape_cast %get3A_87 : vector<1x128x128xf32> to vector<128x128xf32>
    %dot_general3A_89 = arith.constant dense<0.000000e+00> : vector<2000x128xf32>
    %dot_general3A_90 = tpu.matmul %mul3A_14, %get3A_88, %dot_general3A_89 {dimension_numbers = #tpu.dot_dimension_numbers<[1], [0], [0], [1], [0, 0, 1, 1], [], []>, transpose_lhs_hint = false} : vector<2000x128xf32>, vector<128x128xf32>, vector<2000x128xf32> -> vector<2000x128xf32>
    %mul3A_91 = vector.broadcast %get3A_83 : vector<2000x1xf32> to vector<2000x128xf32>
    %mul3A_92 = arith.mulf %mul3A_91, %dot_general3A_90 : vector<2000x128xf32>
    %add3A_93 = arith.addf %add3A_80, %mul3A_92 : vector<2000x128xf32>
    %get3A_94 = arith.constant 0 : index
    %get3A_95 = arith.constant 6 : index
    %get3A_96 = vector.load %arg2[%get3A_94, %get3A_95] : memref<2000x16xf32, #tpu.memory_space<vmem>>, vector<2000x1xf32>
    %get3A_97 = arith.constant 6 : index
    %get3A_98 = arith.constant 0 : index
    %get3A_99 = arith.constant 0 : index
    %get3A_100 = vector.load %arg4[%get3A_97, %get3A_98, %get3A_99] : memref<16x128x128xf32, #tpu.memory_space<vmem>>, vector<1x128x128xf32>
    %get3A_101 = vector.shape_cast %get3A_100 : vector<1x128x128xf32> to vector<128x128xf32>
    %dot_general3A_102 = arith.constant dense<0.000000e+00> : vector<2000x128xf32>
    %dot_general3A_103 = tpu.matmul %mul3A_14, %get3A_101, %dot_general3A_102 {dimension_numbers = #tpu.dot_dimension_numbers<[1], [0], [0], [1], [0, 0, 1, 1], [], []>, transpose_lhs_hint = false} : vector<2000x128xf32>, vector<128x128xf32>, vector<2000x128xf32> -> vector<2000x128xf32>
    %mul3A_104 = vector.broadcast %get3A_96 : vector<2000x1xf32> to vector<2000x128xf32>
    %mul3A_105 = arith.mulf %mul3A_104, %dot_general3A_103 : vector<2000x128xf32>
    %add3A_106 = arith.addf %add3A_93, %mul3A_105 : vector<2000x128xf32>
    %get3A_107 = arith.constant 0 : index
    %get3A_108 = arith.constant 7 : index
    %get3A_109 = vector.load %arg2[%get3A_107, %get3A_108] : memref<2000x16xf32, #tpu.memory_space<vmem>>, vector<2000x1xf32>
    %get3A_110 = arith.constant 7 : index
    %get3A_111 = arith.constant 0 : index
    %get3A_112 = arith.constant 0 : index
    %get3A_113 = vector.load %arg4[%get3A_110, %get3A_111, %get3A_112] : memref<16x128x128xf32, #tpu.memory_space<vmem>>, vector<1x128x128xf32>
    %get3A_114 = vector.shape_cast %get3A_113 : vector<1x128x128xf32> to vector<128x128xf32>
    %dot_general3A_115 = arith.constant dense<0.000000e+00> : vector<2000x128xf32>
    %dot_general3A_116 = tpu.matmul %mul3A_14, %get3A_114, %dot_general3A_115 {dimension_numbers = #tpu.dot_dimension_numbers<[1], [0], [0], [1], [0, 0, 1, 1], [], []>, transpose_lhs_hint = false} : vector<2000x128xf32>, vector<128x128xf32>, vector<2000x128xf32> -> vector<2000x128xf32>
    %mul3A_117 = vector.broadcast %get3A_109 : vector<2000x1xf32> to vector<2000x128xf32>
    %mul3A_118 = arith.mulf %mul3A_117, %dot_general3A_116 : vector<2000x128xf32>
    %add3A_119 = arith.addf %add3A_106, %mul3A_118 : vector<2000x128xf32>
    %get3A_120 = arith.constant 0 : index
    %get3A_121 = arith.constant 8 : index
    %get3A_122 = vector.load %arg2[%get3A_120, %get3A_121] : memref<2000x16xf32, #tpu.memory_space<vmem>>, vector<2000x1xf32>
    %get3A_123 = arith.constant 8 : index
    %get3A_124 = arith.constant 0 : index
    %get3A_125 = arith.constant 0 : index
    %get3A_126 = vector.load %arg4[%get3A_123, %get3A_124, %get3A_125] : memref<16x128x128xf32, #tpu.memory_space<vmem>>, vector<1x128x128xf32>
    %get3A_127 = vector.shape_cast %get3A_126 : vector<1x128x128xf32> to vector<128x128xf32>
    %dot_general3A_128 = arith.constant dense<0.000000e+00> : vector<2000x128xf32>
    %dot_general3A_129 = tpu.matmul %mul3A_14, %get3A_127, %dot_general3A_128 {dimension_numbers = #tpu.dot_dimension_numbers<[1], [0], [0], [1], [0, 0, 1, 1], [], []>, transpose_lhs_hint = false} : vector<2000x128xf32>, vector<128x128xf32>, vector<2000x128xf32> -> vector<2000x128xf32>
    %mul3A_130 = vector.broadcast %get3A_122 : vector<2000x1xf32> to vector<2000x128xf32>
    %mul3A_131 = arith.mulf %mul3A_130, %dot_general3A_129 : vector<2000x128xf32>
    %add3A_132 = arith.addf %add3A_119, %mul3A_131 : vector<2000x128xf32>
    %get3A_133 = arith.constant 0 : index
    %get3A_134 = arith.constant 9 : index
    %get3A_135 = vector.load %arg2[%get3A_133, %get3A_134] : memref<2000x16xf32, #tpu.memory_space<vmem>>, vector<2000x1xf32>
    %get3A_136 = arith.constant 9 : index
    %get3A_137 = arith.constant 0 : index
    %get3A_138 = arith.constant 0 : index
    %get3A_139 = vector.load %arg4[%get3A_136, %get3A_137, %get3A_138] : memref<16x128x128xf32, #tpu.memory_space<vmem>>, vector<1x128x128xf32>
    %get3A_140 = vector.shape_cast %get3A_139 : vector<1x128x128xf32> to vector<128x128xf32>
    %dot_general3A_141 = arith.constant dense<0.000000e+00> : vector<2000x128xf32>
    %dot_general3A_142 = tpu.matmul %mul3A_14, %get3A_140, %dot_general3A_141 {dimension_numbers = #tpu.dot_dimension_numbers<[1], [0], [0], [1], [0, 0, 1, 1], [], []>, transpose_lhs_hint = false} : vector<2000x128xf32>, vector<128x128xf32>, vector<2000x128xf32> -> vector<2000x128xf32>
    %mul3A_143 = vector.broadcast %get3A_135 : vector<2000x1xf32> to vector<2000x128xf32>
    %mul3A_144 = arith.mulf %mul3A_143, %dot_general3A_142 : vector<2000x128xf32>
    %add3A_145 = arith.addf %add3A_132, %mul3A_144 : vector<2000x128xf32>
    %get3A_146 = arith.constant 0 : index
    %get3A_147 = arith.constant 10 : index
    %get3A_148 = vector.load %arg2[%get3A_146, %get3A_147] : memref<2000x16xf32, #tpu.memory_space<vmem>>, vector<2000x1xf32>
    %get3A_149 = arith.constant 10 : index
    %get3A_150 = arith.constant 0 : index
    %get3A_151 = arith.constant 0 : index
    %get3A_152 = vector.load %arg4[%get3A_149, %get3A_150, %get3A_151] : memref<16x128x128xf32, #tpu.memory_space<vmem>>, vector<1x128x128xf32>
    %get3A_153 = vector.shape_cast %get3A_152 : vector<1x128x128xf32> to vector<128x128xf32>
    %dot_general3A_154 = arith.constant dense<0.000000e+00> : vector<2000x128xf32>
    %dot_general3A_155 = tpu.matmul %mul3A_14, %get3A_153, %dot_general3A_154 {dimension_numbers = #tpu.dot_dimension_numbers<[1], [0], [0], [1], [0, 0, 1, 1], [], []>, transpose_lhs_hint = false} : vector<2000x128xf32>, vector<128x128xf32>, vector<2000x128xf32> -> vector<2000x128xf32>
    %mul3A_156 = vector.broadcast %get3A_148 : vector<2000x1xf32> to vector<2000x128xf32>
    %mul3A_157 = arith.mulf %mul3A_156, %dot_general3A_155 : vector<2000x128xf32>
    %add3A_158 = arith.addf %add3A_145, %mul3A_157 : vector<2000x128xf32>
    %get3A_159 = arith.constant 0 : index
    %get3A_160 = arith.constant 11 : index
    %get3A_161 = vector.load %arg2[%get3A_159, %get3A_160] : memref<2000x16xf32, #tpu.memory_space<vmem>>, vector<2000x1xf32>
    %get3A_162 = arith.constant 11 : index
    %get3A_163 = arith.constant 0 : index
    %get3A_164 = arith.constant 0 : index
    %get3A_165 = vector.load %arg4[%get3A_162, %get3A_163, %get3A_164] : memref<16x128x128xf32, #tpu.memory_space<vmem>>, vector<1x128x128xf32>
    %get3A_166 = vector.shape_cast %get3A_165 : vector<1x128x128xf32> to vector<128x128xf32>
    %dot_general3A_167 = arith.constant dense<0.000000e+00> : vector<2000x128xf32>
    %dot_general3A_168 = tpu.matmul %mul3A_14, %get3A_166, %dot_general3A_167 {dimension_numbers = #tpu.dot_dimension_numbers<[1], [0], [0], [1], [0, 0, 1, 1], [], []>, transpose_lhs_hint = false} : vector<2000x128xf32>, vector<128x128xf32>, vector<2000x128xf32> -> vector<2000x128xf32>
    %mul3A_169 = vector.broadcast %get3A_161 : vector<2000x1xf32> to vector<2000x128xf32>
    %mul3A_170 = arith.mulf %mul3A_169, %dot_general3A_168 : vector<2000x128xf32>
    %add3A_171 = arith.addf %add3A_158, %mul3A_170 : vector<2000x128xf32>
    %get3A_172 = arith.constant 0 : index
    %get3A_173 = arith.constant 12 : index
    %get3A_174 = vector.load %arg2[%get3A_172, %get3A_173] : memref<2000x16xf32, #tpu.memory_space<vmem>>, vector<2000x1xf32>
    %get3A_175 = arith.constant 12 : index
    %get3A_176 = arith.constant 0 : index
    %get3A_177 = arith.constant 0 : index
    %get3A_178 = vector.load %arg4[%get3A_175, %get3A_176, %get3A_177] : memref<16x128x128xf32, #tpu.memory_space<vmem>>, vector<1x128x128xf32>
    %get3A_179 = vector.shape_cast %get3A_178 : vector<1x128x128xf32> to vector<128x128xf32>
    %dot_general3A_180 = arith.constant dense<0.000000e+00> : vector<2000x128xf32>
    %dot_general3A_181 = tpu.matmul %mul3A_14, %get3A_179, %dot_general3A_180 {dimension_numbers = #tpu.dot_dimension_numbers<[1], [0], [0], [1], [0, 0, 1, 1], [], []>, transpose_lhs_hint = false} : vector<2000x128xf32>, vector<128x128xf32>, vector<2000x128xf32> -> vector<2000x128xf32>
    %mul3A_182 = vector.broadcast %get3A_174 : vector<2000x1xf32> to vector<2000x128xf32>
    %mul3A_183 = arith.mulf %mul3A_182, %dot_general3A_181 : vector<2000x128xf32>
    %add3A_184 = arith.addf %add3A_171, %mul3A_183 : vector<2000x128xf32>
    %get3A_185 = arith.constant 0 : index
    %get3A_186 = arith.constant 13 : index
    %get3A_187 = vector.load %arg2[%get3A_185, %get3A_186] : memref<2000x16xf32, #tpu.memory_space<vmem>>, vector<2000x1xf32>
    %get3A_188 = arith.constant 13 : index
    %get3A_189 = arith.constant 0 : index
    %get3A_190 = arith.constant 0 : index
    %get3A_191 = vector.load %arg4[%get3A_188, %get3A_189, %get3A_190] : memref<16x128x128xf32, #tpu.memory_space<vmem>>, vector<1x128x128xf32>
    %get3A_192 = vector.shape_cast %get3A_191 : vector<1x128x128xf32> to vector<128x128xf32>
    %dot_general3A_193 = arith.constant dense<0.000000e+00> : vector<2000x128xf32>
    %dot_general3A_194 = tpu.matmul %mul3A_14, %get3A_192, %dot_general3A_193 {dimension_numbers = #tpu.dot_dimension_numbers<[1], [0], [0], [1], [0, 0, 1, 1], [], []>, transpose_lhs_hint = false} : vector<2000x128xf32>, vector<128x128xf32>, vector<2000x128xf32> -> vector<2000x128xf32>
    %mul3A_195 = vector.broadcast %get3A_187 : vector<2000x1xf32> to vector<2000x128xf32>
    %mul3A_196 = arith.mulf %mul3A_195, %dot_general3A_194 : vector<2000x128xf32>
    %add3A_197 = arith.addf %add3A_184, %mul3A_196 : vector<2000x128xf32>
    %get3A_198 = arith.constant 0 : index
    %get3A_199 = arith.constant 14 : index
    %get3A_200 = vector.load %arg2[%get3A_198, %get3A_199] : memref<2000x16xf32, #tpu.memory_space<vmem>>, vector<2000x1xf32>
    %get3A_201 = arith.constant 14 : index
    %get3A_202 = arith.constant 0 : index
    %get3A_203 = arith.constant 0 : index
    %get3A_204 = vector.load %arg4[%get3A_201, %get3A_202, %get3A_203] : memref<16x128x128xf32, #tpu.memory_space<vmem>>, vector<1x128x128xf32>
    %get3A_205 = vector.shape_cast %get3A_204 : vector<1x128x128xf32> to vector<128x128xf32>
    %dot_general3A_206 = arith.constant dense<0.000000e+00> : vector<2000x128xf32>
    %dot_general3A_207 = tpu.matmul %mul3A_14, %get3A_205, %dot_general3A_206 {dimension_numbers = #tpu.dot_dimension_numbers<[1], [0], [0], [1], [0, 0, 1, 1], [], []>, transpose_lhs_hint = false} : vector<2000x128xf32>, vector<128x128xf32>, vector<2000x128xf32> -> vector<2000x128xf32>
    %mul3A_208 = vector.broadcast %get3A_200 : vector<2000x1xf32> to vector<2000x128xf32>
    %mul3A_209 = arith.mulf %mul3A_208, %dot_general3A_207 : vector<2000x128xf32>
    %add3A_210 = arith.addf %add3A_197, %mul3A_209 : vector<2000x128xf32>
    %get3A_211 = arith.constant 0 : index
    %get3A_212 = arith.constant 15 : index
    %get3A_213 = vector.load %arg2[%get3A_211, %get3A_212] : memref<2000x16xf32, #tpu.memory_space<vmem>>, vector<2000x1xf32>
    %get3A_214 = arith.constant 15 : index
    %get3A_215 = arith.constant 0 : index
    %get3A_216 = arith.constant 0 : index
    %get3A_217 = vector.load %arg4[%get3A_214, %get3A_215, %get3A_216] : memref<16x128x128xf32, #tpu.memory_space<vmem>>, vector<1x128x128xf32>
    %get3A_218 = vector.shape_cast %get3A_217 : vector<1x128x128xf32> to vector<128x128xf32>
    %dot_general3A_219 = arith.constant dense<0.000000e+00> : vector<2000x128xf32>
    %dot_general3A_220 = tpu.matmul %mul3A_14, %get3A_218, %dot_general3A_219 {dimension_numbers = #tpu.dot_dimension_numbers<[1], [0], [0], [1], [0, 0, 1, 1], [], []>, transpose_lhs_hint = false} : vector<2000x128xf32>, vector<128x128xf32>, vector<2000x128xf32> -> vector<2000x128xf32>
    %mul3A_221 = vector.broadcast %get3A_213 : vector<2000x1xf32> to vector<2000x128xf32>
    %mul3A_222 = arith.mulf %mul3A_221, %dot_general3A_220 : vector<2000x128xf32>
    %add3A_223 = arith.addf %add3A_210, %mul3A_222 : vector<2000x128xf32>
    %mul3A_224 = arith.constant 0.0220970865 : f32
    %mul3A_225 = vector.broadcast %mul3A_224 : f32 to vector<2000x128xf32>
    %mul3A_226 = arith.mulf %add3A_223, %mul3A_225 : vector<2000x128xf32>
    %swap3A = arith.constant 0 : index
    %swap3A_227 = arith.constant 0 : index
    %swap3A_228 = vector.load %arg5[%swap3A, %swap3A_227] : memref<2000x128xf32, #tpu.memory_space<vmem>>, vector<2000x128xf32>
    tpu.vector_store %arg5[%swap3A, %swap3A_227], %mul3A_226 {strides = array<i32>} : memref<2000x128xf32, #tpu.memory_space<vmem>>, vector<2000x128xf32>,
    return
  }
  func.func @transform_0(%arg0: i32) -> (i32, i32, i32) {
    %c0_i32 = arith.constant 0 : i32
    %c0_i32_0 = arith.constant 0 : i32
    %c0_i32_1 = arith.constant 0 : i32
    return %c0_i32, %arg0, %c0_i32_0 : i32, i32, i32
  }
  func.func @transform_1(%arg0: i32) -> (i32, i32) {
    %c0_i32 = arith.constant 0 : i32
    %c0_i32_0 = arith.constant 0 : i32
    return %arg0, %c0_i32 : i32, i32
  }
  func.func @transform_2(%arg0: i32) -> (i32, i32) {
    %c0_i32 = arith.constant 0 : i32
    %c0_i32_0 = arith.constant 0 : i32
    %c0_i32_1 = arith.constant 0 : i32
    return %c0_i32, %c0_i32_0 : i32, i32
  }
  func.func @transform_3(%arg0: i32) -> (i32, i32, i32) {
    %c0_i32 = arith.constant 0 : i32
    %c0_i32_0 = arith.constant 0 : i32
    %c0_i32_1 = arith.constant 0 : i32
    %c0_i32_2 = arith.constant 0 : i32
    return %c0_i32, %c0_i32_0, %c0_i32_1 : i32, i32, i32
  }
  func.func @transform_4(%arg0: i32) -> (i32, i32) {
    %c0_i32 = arith.constant 0 : i32
    %c0_i32_0 = arith.constant 0 : i32
    return %arg0, %c0_i32 : i32, i32
  }
}

</mosaic_0001>

<sc_bundles>
// kernel: kernel.5.cloned.1.call-start
scs
__scs_entry_jumppad:
0x0: {  	(pc) =	sbr.rel $0x88, $3  }
0x1: {  	(tag) =	ssettag $0x0;
	lr =	simm.s32 $0x1  }
0x2: {  	[smem:$0x3F99] =	sst lr;
	_ =	strace $0xD0000000  }
0x3: {  	_ = 	snop  }
0x4: {  	_ = 	snop  }
0x5: {  	_ = 	snop  }
0x6: {  	_ = 	snop  }
0x7: {  	_ = 	snop  }
__scs_overlays_trampoline_lowered:
0x8: {  	[smem:$0x3FA8] =	sst s0  }
0x9: {  	[smem:$0x3FA9] =	sst s1  }
0xa: {  	[smem:$0x3FAA] =	sst s2  }
0xb: {  	[smem:$0x3FAB] =	sst s3  }
0xc: {  	[smem:$0x3FAC] =	sst s4  }
0xd: {  	[smem:$0x3FAD] =	sst s5  }
0xe: {  	[smem:$0x3FAE] =	sst s6  }
0xf: {  	[smem:$0x3FAF] =	sst s7  }
0x10: {  	[smem:$0x3FB0] =	sst s8  }
0x11: {  	[smem:$0x3FB1] =	sst s9;
	s0 =	simm.s32 @!p0 $0x0  }
0x12: {  	s1 =	sld [smem:$0x3F97];
	s0 =	simm.s32 @p0 $0x1  }
0x13: {  	[smem:$0x3FB2] =	sst s0;
	s0 =	simm.s32 @!p1 $0x0  }
0x14: {  	s2 =	sld [smem:$0x3F96];
	s0 =	simm.s32 @p1 $0x1  }
0x15: {  	[smem:$0x3FB3] =	sst s0;
	s0 =	simm.s32 @!p2 $0x0  }
0x16: {  	s3 =	sld [smem:$0x3FDB];
	s0 =	simm.s32 @p2 $0x1  }
0x17: {  	s4 =	simm.s32 $0x1BF5;
	[smem:$0x3FB5] =	sst s0  }
0x18: {  	s0 =	sld [smem:$0x3F98];
	_ =	swait.ge [sflag:s4], $0x0  }
0x19: {  	s7 =	sld [smem:$0x3F99]  }
0x1a: {  	s8 =	sadd.s32 $0xFFFFE003, lr  }
0x1b: {  	s9 =	sadd.s32 $0xFFFFFEF7, lr;
	s5 =	simm.s32 $0xFFFFFFFF;
	p2 =	slt.u32 s8, $0xFFFFF086  }
0x1c: {  	p1 =	slt.u32 s9, $0xF7A;
	s5 =	simm.s32 @!p2 $0x0  }
0x1d: {  	s5 =	simm.s32 @p1 $0x1;
	p0 =	seq.s32 s7, s2  }
0x1e: {  	s7 =	smul.u32 @!p0 $0xF7A, s2;
	p2 =	seq.s32 @!p0 s5, $0x0  }
0x1f: {  	s9 =	smul.u32 $0xF7A, s1;
	s8 =	simm.s32 @!p0 $0x1BF5;
	p2 =	por !p2, p0  }
0x20: {  	[sflag:s8] =	ssyncset.s32 @!p0 $0xFFFFF086;
	s6 =	sadd.s32 @!p0 s3, s7;
	s7 =	simm.s32 @!p0 $0x108  }
0x21: {  	s3 =	sadd.s32 s3, s9;
	s6 =	sadd.s32 @!p0 $0x88, s6;
	s7 =	simm.s32 @p2 $0x1082  }
0x22: {  	[simem:s7], [sflag:s8] =	dma.local @!p0 [hbm:s6], $0xF7A  }
0x23: {  	s9 =	sor.u32 $0xD0000000, s2;
	s6 =	simm.s32 $0x108;
	_ =	swait.ge @!p0 [sflag:s8], $0x0  }
0x24: {  	s3 =	sadd.s32 $0x88, s3;
	s6 =	simm.s32 @!p1 $0x1082;
	[sflag:s4] =	ssyncset.s32 $0xFFFFF086  }
0x25: {  	[simem:s6], [sflag:s4] =	dma.local [hbm:s3], $0xF7A  }
0x26: {  	[smem:$0x3F99] =	sst s1;
	(tag) =	ssettag s2;
	_ =	strace s9  }
0x27: {  	s1 =	sld [smem:$0x3FA9]  }
0x28: {  	s2 =	sld [smem:$0x3FAA]  }
0x29: {  	s4 =	sld [smem:$0x3FAC]  }
0x2a: {  	p0 =	seq.s32 s5, $0x0;
	s5 =	sld [smem:$0x3FAD]  }
0x2b: {  	s6 =	sld [smem:$0x3FAE]  }
0x2c: {  	s7 =	sld [smem:$0x3FAF]  }
0x2d: {  	s3 =	simm.s32 $0x108;
	s8 =	sld [smem:$0x3FB0]  }
0x2e: {  	s3 =	simm.s32 @!p0 $0x1082;
	s9 =	sld [smem:$0x3FB1]  }
0x2f: {  	lr =	sadd.s32 s0, s3;
	s0 =	sld [smem:$0x3FA8]  }
0x30: {  	s3 =	sld [smem:$0x3FAB]  }
0x31: {  	[smem:$0x3FB4] =	sst s10  }
0x32: {  	s10 =	sld [smem:$0x3FB2];
	_ =	sdelay $0x3  }
0x33: {  	p0 =	seq.s32 s10, $0x1;
	s10 =	sld [smem:$0x3FB4];
	_ =	sdelay $0x3  }
0x34: {  	[smem:$0x3FB4] =	sst s10  }
0x35: {  	s10 =	sld [smem:$0x3FB3];
	_ =	sdelay $0x3  }
0x36: {  	p1 =	seq.s32 s10, $0x1;
	s10 =	sld [smem:$0x3FB4];
	_ =	sdelay $0x3  }
0x37: {  	[smem:$0x3FB4] =	sst s10  }
0x38: {  	s10 =	sld [smem:$0x3FB5]  }
0x39: {  	_ = 	snop;
	(pc) =	sbr.ind lr, $3  }
0x3a: {  	_ = 	snop  }
0x3b: {  	_ = 	snop  }
0x3c: {  	p2 =	seq.s32 s10, $0x1;
	s10 =	sld [smem:$0x3FB4]  }
0x3d: {  	_ =	shalt  }
0x3e: {  	_ =	shalt  }
0x3f: {  	_ =	shalt  }
0x40: {  	_ =	shalt  }
0x41: {  	_ =	shalt  }
0x42: {  	_ =	shalt  }
0x43: {  	_ =	shalt  }
0x44: {  	_ =	shalt  }
0x45: {  	_ =	shalt  }
0x46: {  	_ =	shalt  }
0x47: {  	_ =	shalt  }
0x48: {  	_ =	shalt  }
0x49: {  	_ =	shalt  }
0x4a: {  	_ =	shalt  }
0x4b: {  	_ =	shalt  }
0x4c: {  	_ =	shalt  }
0x4d: {  	_ =	shalt  }
0x4e: {  	_ =	shalt  }
0x4f: {  	_ =	shalt  }
0x50: {  	_ =	shalt  }
0x51: {  	_ =	shalt  }
0x52: {  	_ =	shalt  }
0x53: {  	_ =	shalt  }
0x54: {  	_ =	shalt  }
0x55: {  	_ =	shalt  }
0x56: {  	_ =	shalt  }
0x57: {  	_ =	shalt  }
0x58: {  	_ =	shalt  }
0x59: {  	_ =	shalt  }
0x5a: {  	_ =	shalt  }
0x5b: {  	_ =	shalt  }
0x5c: {  	_ =	shalt  }
0x5d: {  	_ =	shalt  }
0x5e: {  	_ =	shalt  }
0x5f: {  	_ =	shalt  }
0x60: {  	_ =	shalt  }
0x61: {  	_ =	shalt  }
0x62: {  	_ =	shalt  }
0x63: {  	_ =	shalt  }
0x64: {  	_ =	shalt  }
0x65: {  	_ =	shalt  }
0x66: {  	_ =	shalt  }
0x67: {  	_ =	shalt  }
0x68: {  	_ =	shalt  }
0x69: {  	_ =	shalt  }
0x6a: {  	_ =	shalt  }
0x6b: {  	_ =	shalt  }
0x6c: {  	_ =	shalt  }
0x6d: {  	_ =	shalt  }
0x6e: {  	_ =	shalt  }
0x6f: {  	_ =	shalt  }
0x70: {  	_ =	shalt  }
0x71: {  	_ =	shalt  }
0x72: {  	_ =	shalt  }
0x73: {  	_ =	shalt  }
0x74: {  	_ =	shalt  }
0x75: {  	_ =	shalt  }
0x76: {  	_ =	shalt  }
0x77: {  	_ =	shalt  }
0x78: {  	_ =	shalt  }
0x79: {  	_ =	shalt  }
0x7a: {  	_ =	shalt  }
0x7b: {  	_ =	shalt  }
0x7c: {  	_ =	shalt  }
0x7d: {  	_ =	shalt  }
0x7e: {  	_ =	shalt  }
0x7f: {  	_ =	shalt  }
0x80: {  	_ =	shalt  }
0x81: {  	_ =	shalt  }
0x82: {  	_ =	shalt  }
0x83: {  	_ =	shalt  }
0x84: {  	_ =	shalt  }
0x85: {  	_ =	shalt  }
0x86: {  	_ =	shalt  }
0x87: {  	_ =	shalt  }
.Lfunc_end0:
.L_simem_size_0:
called_computation_lowered:
.L_overlay_start_0:
0x88: {  	s2 =	sld [smem:$0x3FD9]  }
0x89: {  	s3 =	sld [smem:$0x3FFE];
	_ =	sdelay $0x1  }
0x8a: {  	s1 =	srdreg.scid  }
0x8b: {  	s0 =	sand.u32 $0x1, s1  }
0x8c: {  	s17 =	sshll.u32 s0, $0xA;
	s2 =	sadd.s32 s3, s2  }
0x8d: {  	s2 =	sadd.s32 s2, s17  }
0x8e: {  	[smem:$0x3FC0] =	sst s2  }
0x8f: {  	_ = 	snop  }
0x90: {  	s2 =	sld [smem:$0x3FC8]  }
0x91: {  	s18 =	sld [smem:$0x3FD0];
	(tm) =	ssettm $0x1  }
0x92: {  	s4 =	sld [smem:$0x3FFB];
	_ =	sdelay $0x3  }
0x93: {  	_ =	strace s4  }
0x94: {  	s4 =	sld [smem:$0x3FFC];
	_ =	sdelay $0x3  }
0x95: {  	_ =	strace s4  }
0x96: {  	s4 =	sld [smem:$0x3FFD];
	_ =	sdelay $0x3  }
0x97: {  	_ =	strace s4  }
0x98: {  	_ =	strace $0x8FFFFFFF  }
0x99: {  	s19 =	sld [smem:$0x3FDB];
	_ =	sdelay $0x1  }
0x9a: {  	s5 =	simm.s32 $_scs_section_size  }
0x9b: {  	s6 =	simm.s32 $_size__tile_overlayer_lowered;
	s7 =	simm.s32 $_tile_overlayer_lowered  }
0x9c: {  	s22 =	simm.s32 $0x1BFF;
	s21 =	sshll.u32 s7, $0x1;
	s4 =	sadd.s32 s5, s19  }
0x9d: {  	s8 =	simm.s32 $0x0;
	s20 =	sshll.u32 s6, $0x1;
	s6 =	sadd.s32 s21, s4  }
0x9e: {  	[timem:s8], [sflag:s22] =	dma.local [hbm:s6], s20  }
0x9f: {  	_ =	swait.ge [sflag:s22], s20  }
0xa0: {  	s5 =	ssub.s32 $0x0, s20;
	[sflag:s22] =	ssyncset.done $0x0  }
0xa1: {  	[sflag:s22] =	ssyncadd.s32 s5;
	_ =	sdelay $0x1  }
0xa2: {  	s23 =	simm.s32 $0x1B8B  }
0xa3: {  	_ =	swait.ge [sflag:s23], $0x1  }
0xa4: {  	[sflag:s23] =	ssyncset.done $0x0  }
0xa5: {  	s25 =	simm.s32 $0x1B8E;
	s24 =	sld [smem:$0x3FFE];
	[sflag:s23] =	ssyncadd.s32 $0xFFFFFFFF  }
0xa6: {  	s26 =	simm.s32 $execute0_lowered;
	[smem:$0x3FD2] =	sst s25  }
0xa7: {  	s6 =	sshll.u32 s26, $0x1;
	_ =	strace $0x80000046;
	[dreg:$0x1] =	wrdreg $0xFFFFFFFF  }
0xa8: {  	s28 =	simm.s32 $_size_execute0_lowered;
	s4 =	sadd.s32 s4, s6;
	[dreg:$0x0] =	wrdreg $0x0  }
0xa9: {  	s6 =	sshll.u32 s28, $0x1;
	[dreg:$0x2] =	wrdreg s4  }
0xaa: {  	[dreg:$0x3] =	wrdreg s6  }
0xab: {  	[dreg:$0x4] =	wrdreg $0xC0  }
0xac: {  	_ =	task [dreg:s8], $0x5FFFF  }
0xad: {  	[dreg:$0x1] =	wrdreg $0xFFFFFFFF  }
0xae: {  	[dreg:$0x0] =	wrdreg $0x60  }
0xaf: {  	[dreg:$0x2] =	wrdreg s2  }
0xb0: {  	[dreg:$0x3] =	wrdreg s24  }
0xb1: {  	[dreg:$0x4] =	wrdreg s18  }
0xb2: {  	[dreg:$0x5] =	wrdreg $0xB2000  }
0xb3: {  	[dreg:$0x6] =	wrdreg $0x9  }
0xb4: {  	_ =	task.clear_ibuf [dreg:s8], $0x7FFFF;
	_ =	strace $0x90000046  }
0xb5: {  	s29 =	simm.s32 $0x9;
	_ =	strace $0x80000048  }
0xb6: {  	_ =	swait.ge [sflag:s29], $0x1  }
0xb7: {  	[sflag:s29] =	ssyncadd.s32 $0xFFFFFFFF  }
0xb8: {  	_ =	strace $0x90000048  }
0xb9: {  	_ =	sfence  }
0xba: {  	s30 =	sld [smem:$0x0];
	_ =	sdelay $0x2  }
0xbb: {  	s31 =	sshll.u32 s1, $0xD;
	s1 =	sshrl.u32 s1, $0x2  }
0xbc: {  	s3 =	sand.u32 $0x4000, s31;
	s1 =	sadd.s32 s1, s30  }
0xbd: {  	s0 =	sor.u32 s3, s0;
	s1 =	sshll.u32 s1, $0x11  }
0xbe: {  	s0 =	sor.u32 s1, s0  }
0xbf: {  	s0 =	sadd.s32 $0x8F2B, s0  }
0xc0: {  	[sflag:s0] =	ssyncadd.remote.s32 $0x1  }
0xc1: {  	_ =	sfence.sel $0xFFFF  }
0xc2: {  	[dreg:$0x0] =	wrdreg $0xFFFFFFFF;
	(pc) =	sbr.abs _section_cstart, $3  }
0xc3: {  	[dreg:$0x1] =	wrdreg $0xFFFFFFFF  }
0xc4: {  	_ =	task.clear_ibuf [dreg:s8], $0x2FFFF;
	_ =	strace $0x9FFFFFFF  }
0xc5: {  	(tm) =	ssettm $0x7FFFFFFF  }
tec
execute0_lowered:
.L_overlay_start_1:
0x0: {  	(tag) =	ssettag $0x1  }
0x1: {  	s1 =	rddreg [dreg:$0x0]  }
0x2: {  	s4 =	rddreg [dreg:$0x1]  }
0x3: {  	s2 =	rddreg [dreg:$0x2]  }
0x4: {  	s3 =	rddreg [dreg:$0x3]  }
0x5: {  	s0 =	srdreg.scid;
	s5 =	simm.s32 $0x0;
	s31 =	stileid.u32  }
0x6: {  	s20 =	sand.u32 $0x1, s0;
	[smem:$0x7FF] =	sst s5;
	s7 =	sshll.u32 s31, $0x1  }
0x7: {  	s25 =	smul.u32 $0x14000, s31;
	s28 =	sadd.s32 $0xC00, s4;
	s0 =	ssub.s32 $0x2, s20  }
0x8: {  	_ =	strace $0x80000047;
	s21 =	sor.u32 s20, s7;
	s22 =	smul.u32 $0x140000, s20  }
0x9: {  	s6 =	sshrl.u32 s0, $0x1;
	s7 =	sor.u32 $0x2000, s25;
	s8 =	sor.u32 $0x3000, s25  }
0xa: {  	s9 =	sadd.s32 $0x4000, s25;
	s10 =	sadd.s32 $0x5000, s25;
	s11 =	sadd.s32 $0x6000, s25  }
0xb: {  	s12 =	sadd.s32 $0x7000, s25;
	s13 =	sadd.s32 $0x8000, s25;
	s14 =	sadd.s32 $0x9000, s25  }
0xc: {  	s15 =	sadd.s32 $0xA000, s25;
	s16 =	sadd.s32 $0xB000, s25;
	s17 =	sadd.s32 $0xC000, s25  }
0xd: {  	s18 =	sadd.s32 $0xD000, s25;
	s19 =	sadd.s32 $0xE000, s25;
	s20 =	sadd.s32 $0xF000, s25  }
0xe: {  	s23 =	sadd.s32 $0x10000, s25;
	s24 =	sadd.s32 $0x11000, s25;
	s26 =	sadd.s32 $0x12000, s25  }
0xf: {  	s30 =	sadd.s32 $0x13000, s25;
	s0 =	ssub.s32 s0, s6;
	s6 =	sor.u32 $0x1000, s25  }
0x10: {  	s25 =	sadd.s32 s25, s22;
	s29 =	sadd.s32 s22, s6;
	s6 =	sadd.s32 s6, s3  }
0x11: {  	s25 =	sshrl.u32 s25, $0x3;
	s0 =	smax.u32 s0, $0x1;
	[dreg:$0x1e] =	wrdreg s6  }
0x12: {  	s25 =	sadd.s32 s28, s25;
	[smem:$0x7FD] =	sst s0  }
0x13: {  	[dreg:$0x5] =	wrdreg s25  }
0x14: {  	s25 =	sshrl.u32 s29, $0x3;
	s29 =	sadd.s32 s22, s7;
	s7 =	sadd.s32 s7, s3  }
0x15: {  	s25 =	sadd.s32 s28, s25;
	[dreg:$0x1f] =	wrdreg s7  }
0x16: {  	[dreg:$0x6] =	wrdreg s25  }
0x17: {  	s25 =	sshrl.u32 s29, $0x3;
	s29 =	sadd.s32 s22, s8;
	s8 =	sadd.s32 s8, s3  }
0x18: {  	s25 =	sadd.s32 s28, s25;
	[smem:$0x7EE] =	sst s8  }
0x19: {  	[dreg:$0x7] =	wrdreg s25  }
0x1a: {  	s25 =	sshrl.u32 s29, $0x3;
	s29 =	sadd.s32 s22, s9;
	s9 =	sadd.s32 s9, s3  }
0x1b: {  	s25 =	sadd.s32 s28, s25;
	[smem:$0x7EF] =	sst s9  }
0x1c: {  	[dreg:$0x8] =	wrdreg s25  }
0x1d: {  	s25 =	sshrl.u32 s29, $0x3;
	s29 =	sadd.s32 s22, s10;
	s10 =	sadd.s32 s10, s3  }
0x1e: {  	s25 =	sadd.s32 s28, s25;
	[smem:$0x7F0] =	sst s10  }
0x1f: {  	s6 =	simm.s32 $0x100;
	[dreg:$0x9] =	wrdreg s25  }
0x20: {  	s25 =	sshrl.u32 s29, $0x3;
	s29 =	sadd.s32 s22, s11;
	s11 =	sadd.s32 s11, s3  }
0x21: {  	s7 =	simm.s32 $0x50;
	s25 =	sadd.s32 s28, s25;
	[smem:$0x7F1] =	sst s11  }
0x22: {  	s8 =	simm.s32 $0x200;
	s9 =	simm.s32 $0x5200;
	[dreg:$0xa] =	wrdreg s25  }
0x23: {  	s25 =	sshrl.u32 s29, $0x3;
	s29 =	sadd.s32 s22, s12;
	s12 =	sadd.s32 s12, s3  }
0x24: {  	s10 =	simm.s32 $0x180;
	s25 =	sadd.s32 s28, s25;
	[smem:$0x7F2] =	sst s12  }
0x25: {  	s11 =	simm.s32 $0xA200;
	[dreg:$0xb] =	wrdreg s25;
	s25 =	sshrl.u32 s29, $0x3  }
0x26: {  	s12 =	simm.s32 $0x7;
	s29 =	sadd.s32 s22, s13;
	s25 =	sadd.s32 s28, s25  }
0x27: {  	s13 =	sadd.s32 s13, s3;
	[dreg:$0xc] =	wrdreg s25;
	s25 =	sshrl.u32 s29, $0x3  }
0x28: {  	[smem:$0x7F3] =	sst s13;
	s29 =	sadd.s32 s22, s14;
	s25 =	sadd.s32 s28, s25  }
0x29: {  	s14 =	sadd.s32 s14, s3;
	[dreg:$0xd] =	wrdreg s25;
	s25 =	sshrl.u32 s29, $0x3  }
0x2a: {  	[smem:$0x7F4] =	sst s14;
	s29 =	sadd.s32 s22, s15;
	s25 =	sadd.s32 s28, s25  }
0x2b: {  	s13 =	simm.s32 $0x3;
	[dreg:$0xe] =	wrdreg s25;
	s25 =	sshrl.u32 s29, $0x3  }
0x2c: {  	s14 =	simm.s32 $0x5;
	s29 =	sadd.s32 s22, s16;
	s25 =	sadd.s32 s28, s25  }
0x2d: {  	s15 =	sadd.s32 s15, s3;
	[dreg:$0xf] =	wrdreg s25;
	s25 =	sshrl.u32 s29, $0x3  }
0x2e: {  	[smem:$0x7F5] =	sst s15;
	s29 =	sadd.s32 s22, s17;
	s25 =	sadd.s32 s28, s25  }
0x2f: {  	s16 =	sadd.s32 s16, s3;
	[dreg:$0x10] =	wrdreg s25;
	s25 =	sshrl.u32 s29, $0x3  }
0x30: {  	[smem:$0x7F6] =	sst s16;
	s29 =	sadd.s32 s22, s18;
	s25 =	sadd.s32 s28, s25  }
0x31: {  	s15 =	simm.s32 $0x4;
	[dreg:$0x11] =	wrdreg s25;
	s25 =	sshrl.u32 s29, $0x3  }
0x32: {  	s16 =	simm.s32 $0x6;
	s29 =	sadd.s32 s22, s19;
	s25 =	sadd.s32 s28, s25  }
0x33: {  	s17 =	sadd.s32 s17, s3;
	[dreg:$0x12] =	wrdreg s25;
	s25 =	sshrl.u32 s29, $0x3  }
0x34: {  	[smem:$0x7F7] =	sst s17;
	s29 =	sadd.s32 s22, s20;
	s25 =	sadd.s32 s28, s25  }
0x35: {  	s18 =	sadd.s32 s18, s3;
	[dreg:$0x13] =	wrdreg s25;
	s25 =	sshrl.u32 s29, $0x3  }
0x36: {  	[smem:$0x7F8] =	sst s18;
	s29 =	sadd.s32 s22, s23;
	s25 =	sadd.s32 s28, s25  }
0x37: {  	s17 =	simm.s32 $0x2A00;
	[dreg:$0x14] =	wrdreg s25;
	s25 =	sshrl.u32 s29, $0x3  }
0x38: {  	s18 =	simm.s32 $0x0;
	s29 =	sadd.s32 s22, s24;
	s25 =	sadd.s32 s28, s25  }
0x39: {  	s19 =	sadd.s32 s19, s3;
	[dreg:$0x15] =	wrdreg s25;
	s25 =	sshrl.u32 s29, $0x3  }
0x3a: {  	[smem:$0x7F9] =	sst s19;
	s29 =	sadd.s32 s22, s26;
	s25 =	sadd.s32 s28, s25  }
0x3b: {  	s24 =	sadd.s32 s24, s3;
	[dreg:$0x16] =	wrdreg s25;
	s25 =	sshrl.u32 s29, $0x3  }
0x3c: {  	[smem:$0x7FB] =	sst s24;
	s22 =	sadd.s32 s22, s30;
	s25 =	sadd.s32 s28, s25  }
0x3d: {  	s26 =	sadd.s32 s26, s3;
	[dreg:$0x17] =	wrdreg s25;
	s25 =	smul.u32 $0x2710, s21  }
0x3e: {  	s22 =	sshrl.u32 s22, $0x3;
	[smem:$0x7FC] =	sst s26;
	s21 =	smul.u32 $0x27100, s21  }
0x3f: {  	s22 =	sadd.s32 s28, s22;
	s29 =	sadd.s32 $0x9C4C00, s4;
	s28 =	sadd.s32 $0x9CEA00, s4  }
0x40: {  	[dreg:$0x18] =	wrdreg s22;
	s4 =	sshrl.u32 s25, $0x3;
	s21 =	sadd.s32 s28, s21  }
0x41: {  	s22 =	smul.u32 $0x50000, s31;
	s31 =	sadd.s32 s29, s4;
	[dreg:$0x1b] =	wrdreg s21  }
0x42: {  	s23 =	sadd.s32 s23, s3;
	s30 =	sadd.s32 s30, s3;
	[dreg:$0x19] =	wrdreg s31  }
.Ltmp0:
0x43: {  	s31 =	sadd.s32 s2, s4;
	s4 =	sadd.s32 $0xA, s4;
	(pc) =	sbr.rel .LBB2_1-.Ltmp0, $4  }
0x44: {  	s21 =	sshrl.u32 s22, $0x2;
	[dreg:$0x1a] =	wrdreg s31;
	s22 =	sadd.s32 s29, s4  }
0x45: {  	s0 =	sadd.s32 $0xA0, s25;
	s4 =	sadd.s32 s2, s4;
	[dreg:$0x1c] =	wrdreg s22  }
0x46: {  	[dreg:$0x1d] =	wrdreg s4;
	s22 =	sadd.s32 s21, s3;
	s21 =	sadd.s32 s20, s3  }
0x47: {  	v0 =	vimm.f32 $0.0e+00;
	s31 =	simm.s32 $0x1;
	s4 =	sadd.s32 $0xF0, s25;
	[smem:$0x7FA] =	sst s21  }
.LBB2_12:
0x48: {  	s19 =	stileid.u32  }
0x49: {  	[bflag:$0x0] =	sbarrier.arrive $0xFFFF;
	s19 =	sshll.u32 s19, $0x6  }
0x4a: {  	s20 =	sshrl.u32 s24, $0x3;
	s21 =	rddreg [dreg:$0x5];
	s19 =	sor.u32 $0x1C07, s19  }
0x4b: {  	[hbm:s21], [sflag:s19] =	dma.local [spmem:s20], $0x200  }
0x4c: {  	_ =	swait.ge [sflag:s12], $0x200  }
0x4d: {  	s22 =	smov.u32 s24;
	[sflag:s12] =	ssyncset.done $0x0;
	s23 =	rddreg [dreg:$0x1e]  }
0x4e: {  	s24 =	rddreg [dreg:$0x6];
	[sflag:s12] =	ssyncadd.s32 $0xFFFFFE00;
	s20 =	sshrl.u32 s23, $0x3  }
0x4f: {  	[hbm:s24], [sflag:s19] =	dma.local [spmem:s20], $0x200  }
0x50: {  	_ =	swait.ge [sflag:s12], $0x200  }
0x51: {  	[sflag:s12] =	ssyncset.done $0x0;
	s23 =	rddreg [dreg:$0x1f]  }
0x52: {  	s24 =	rddreg [dreg:$0x7];
	[sflag:s12] =	ssyncadd.s32 $0xFFFFFE00;
	s20 =	sshrl.u32 s23, $0x3  }
0x53: {  	[hbm:s24], [sflag:s19] =	dma.local [spmem:s20], $0x200  }
0x54: {  	_ =	swait.ge [sflag:s12], $0x200  }
0x55: {  	s23 =	sld [smem:$0x7EE];
	_ =	sdelay $0x1  }
0x56: {  	[sflag:s12] =	ssyncset.done $0x0  }
0x57: {  	s24 =	rddreg [dreg:$0x8];
	[sflag:s12] =	ssyncadd.s32 $0xFFFFFE00;
	s20 =	sshrl.u32 s23, $0x3  }
0x58: {  	[hbm:s24], [sflag:s19] =	dma.local [spmem:s20], $0x200  }
0x59: {  	_ =	swait.ge [sflag:s12], $0x200  }
0x5a: {  	s23 =	sld [smem:$0x7EF];
	_ =	sdelay $0x1  }
0x5b: {  	[sflag:s12] =	ssyncset.done $0x0  }
0x5c: {  	s24 =	rddreg [dreg:$0x9];
	[sflag:s12] =	ssyncadd.s32 $0xFFFFFE00;
	s20 =	sshrl.u32 s23, $0x3  }
0x5d: {  	[hbm:s24], [sflag:s19] =	dma.local [spmem:s20], $0x200  }
0x5e: {  	_ =	swait.ge [sflag:s12], $0x200  }
0x5f: {  	s23 =	sld [smem:$0x7F0];
	_ =	sdelay $0x1  }
0x60: {  	[sflag:s12] =	ssyncset.done $0x0  }
0x61: {  	s24 =	rddreg [dreg:$0xa];
	[sflag:s12] =	ssyncadd.s32 $0xFFFFFE00;
	s20 =	sshrl.u32 s23, $0x3  }
0x62: {  	[hbm:s24], [sflag:s19] =	dma.local [spmem:s20], $0x200  }
0x63: {  	_ =	swait.ge [sflag:s12], $0x200  }
0x64: {  	s23 =	sld [smem:$0x7F1];
	_ =	sdelay $0x1  }
0x65: {  	[sflag:s12] =	ssyncset.done $0x0  }
0x66: {  	s24 =	rddreg [dreg:$0xb];
	[sflag:s12] =	ssyncadd.s32 $0xFFFFFE00;
	s20 =	sshrl.u32 s23, $0x3  }
0x67: {  	[hbm:s24], [sflag:s19] =	dma.local [spmem:s20], $0x200  }
0x68: {  	_ =	swait.ge [sflag:s12], $0x200  }
0x69: {  	s23 =	sld [smem:$0x7F2];
	_ =	sdelay $0x1  }
0x6a: {  	[sflag:s12] =	ssyncset.done $0x0  }
0x6b: {  	s24 =	rddreg [dreg:$0xc];
	[sflag:s12] =	ssyncadd.s32 $0xFFFFFE00;
	s20 =	sshrl.u32 s23, $0x3  }
0x6c: {  	[hbm:s24], [sflag:s19] =	dma.local [spmem:s20], $0x200  }
0x6d: {  	_ =	swait.ge [sflag:s12], $0x200  }
0x6e: {  	s23 =	sld [smem:$0x7F3];
	_ =	sdelay $0x1  }
0x6f: {  	[sflag:s12] =	ssyncset.done $0x0  }
0x70: {  	s24 =	rddreg [dreg:$0xd];
	[sflag:s12] =	ssyncadd.s32 $0xFFFFFE00;
	s20 =	sshrl.u32 s23, $0x3  }
0x71: {  	[hbm:s24], [sflag:s19] =	dma.local [spmem:s20], $0x200  }
0x72: {  	_ =	swait.ge [sflag:s12], $0x200  }
0x73: {  	s23 =	sld [smem:$0x7F4];
	_ =	sdelay $0x1  }
0x74: {  	[sflag:s12] =	ssyncset.done $0x0  }
0x75: {  	s24 =	rddreg [dreg:$0xe];
	[sflag:s12] =	ssyncadd.s32 $0xFFFFFE00;
	s20 =	sshrl.u32 s23, $0x3  }
0x76: {  	[hbm:s24], [sflag:s19] =	dma.local [spmem:s20], $0x200  }
0x77: {  	_ =	swait.ge [sflag:s12], $0x200  }
0x78: {  	s23 =	sld [smem:$0x7F5];
	_ =	sdelay $0x1  }
0x79: {  	[sflag:s12] =	ssyncset.done $0x0  }
0x7a: {  	s24 =	rddreg [dreg:$0xf];
	[sflag:s12] =	ssyncadd.s32 $0xFFFFFE00;
	s20 =	sshrl.u32 s23, $0x3  }
0x7b: {  	[hbm:s24], [sflag:s19] =	dma.local [spmem:s20], $0x200  }
0x7c: {  	_ =	swait.ge [sflag:s12], $0x200  }
0x7d: {  	s23 =	sld [smem:$0x7F6];
	_ =	sdelay $0x1  }
0x7e: {  	[sflag:s12] =	ssyncset.done $0x0  }
0x7f: {  	s24 =	rddreg [dreg:$0x10];
	[sflag:s12] =	ssyncadd.s32 $0xFFFFFE00;
	s20 =	sshrl.u32 s23, $0x3  }
0x80: {  	[hbm:s24], [sflag:s19] =	dma.local [spmem:s20], $0x200  }
0x81: {  	_ =	swait.ge [sflag:s12], $0x200  }
0x82: {  	s23 =	sld [smem:$0x7F7];
	_ =	sdelay $0x1  }
0x83: {  	[sflag:s12] =	ssyncset.done $0x0  }
0x84: {  	s24 =	rddreg [dreg:$0x11];
	[sflag:s12] =	ssyncadd.s32 $0xFFFFFE00;
	s20 =	sshrl.u32 s23, $0x3  }
0x85: {  	[hbm:s24], [sflag:s19] =	dma.local [spmem:s20], $0x200  }
0x86: {  	_ =	swait.ge [sflag:s12], $0x200  }
0x87: {  	s23 =	sld [smem:$0x7F8];
	_ =	sdelay $0x1  }
0x88: {  	[sflag:s12] =	ssyncset.done $0x0  }
0x89: {  	s24 =	rddreg [dreg:$0x12];
	[sflag:s12] =	ssyncadd.s32 $0xFFFFFE00;
	s20 =	sshrl.u32 s23, $0x3  }
0x8a: {  	[hbm:s24], [sflag:s19] =	dma.local [spmem:s20], $0x200  }
0x8b: {  	_ =	swait.ge [sflag:s12], $0x200  }
0x8c: {  	s23 =	sld [smem:$0x7F9];
	_ =	sdelay $0x1  }
0x8d: {  	[sflag:s12] =	ssyncset.done $0x0  }
0x8e: {  	s24 =	rddreg [dreg:$0x13];
	[sflag:s12] =	ssyncadd.s32 $0xFFFFFE00;
	s20 =	sshrl.u32 s23, $0x3  }
0x8f: {  	[hbm:s24], [sflag:s19] =	dma.local [spmem:s20], $0x200  }
0x90: {  	_ =	swait.ge [sflag:s12], $0x200  }
0x91: {  	s21 =	sld [smem:$0x7FA];
	_ =	sdelay $0x1  }
0x92: {  	[sflag:s12] =	ssyncset.done $0x0  }
0x93: {  	s23 =	rddreg [dreg:$0x14];
	[sflag:s12] =	ssyncadd.s32 $0xFFFFFE00;
	s20 =	sshrl.u32 s21, $0x3  }
0x94: {  	[hbm:s23], [sflag:s19] =	dma.local [spmem:s20], $0x200  }
0x95: {  	_ =	swait.ge [sflag:s12], $0x200  }
0x96: {  	s24 =	sshrl.u32 s26, $0x3;
	[sflag:s12] =	ssyncset.done $0x0  }
0x97: {  	s23 =	smov.u32 s26;
	s26 =	rddreg [dreg:$0x15];
	[sflag:s12] =	ssyncadd.s32 $0xFFFFFE00  }
0x98: {  	[hbm:s26], [sflag:s19] =	dma.local [spmem:s24], $0x200  }
0x99: {  	_ =	swait.ge [sflag:s12], $0x200  }
0x9a: {  	s24 =	sld [smem:$0x7FB];
	_ =	sdelay $0x1  }
0x9b: {  	[sflag:s12] =	ssyncset.done $0x0  }
0x9c: {  	s26 =	rddreg [dreg:$0x16];
	[sflag:s12] =	ssyncadd.s32 $0xFFFFFE00;
	s20 =	sshrl.u32 s24, $0x3  }
0x9d: {  	[hbm:s26], [sflag:s19] =	dma.local [spmem:s20], $0x200  }
0x9e: {  	_ =	swait.ge [sflag:s12], $0x200  }
0x9f: {  	s24 =	sld [smem:$0x7FC];
	_ =	sdelay $0x1  }
0xa0: {  	[sflag:s12] =	ssyncset.done $0x0  }
0xa1: {  	s26 =	rddreg [dreg:$0x17];
	[sflag:s12] =	ssyncadd.s32 $0xFFFFFE00;
	s20 =	sshrl.u32 s24, $0x3  }
0xa2: {  	[hbm:s26], [sflag:s19] =	dma.local [spmem:s20], $0x200  }
0xa3: {  	_ =	swait.ge [sflag:s12], $0x200  }
0xa4: {  	[sflag:s12] =	ssyncset.done $0x0  }
0xa5: {  	s21 =	sshrl.u32 s30, $0x3;
	s24 =	rddreg [dreg:$0x18];
	[sflag:s12] =	ssyncadd.s32 $0xFFFFFE00  }
0xa6: {  	[hbm:s24], [sflag:s19] =	dma.local [spmem:s21], $0x200  }
0xa7: {  	_ =	swait.ge [sflag:s12], $0x200  }
0xa8: {  	s26 =	sld [smem:$0x7FD];
	_ =	sdelay $0x1  }
0xa9: {  	s18 =	sadd.s32 $0x1, s18  }
0xaa: {  	p0 =	sne.s32 s18, s26  }
.Ltmp1:
0xab: {  	_ = 	snop;
	(pc) =	sbr.rel @!p0 .LBB2_13-.Ltmp1, $3  }
0xac: {  	_ =	sdelay $0x1  }
0xad: {  	[sflag:s12] =	ssyncset.done $0x0  }
0xae: {  	[sflag:s12] =	ssyncadd.s32 $0xFFFFFE00  }
.LBB2_1:
0xaf: {  	s19 =	rddreg [dreg:$0x19]  }
0xb0: {  	[tilespmem:s5], [sflag:$0x1] =	stream.linear.gather [hbm4b:s19+s5], $0x50, $0x38;
	[tilespmem:$0x1F200] =	vst v63  }
0xb1: {  	s20 =	rddreg [dreg:$0x1a]  }
0xb2: {  	[tilespmem:s6], [sflag:$0x1] =	stream.linear.gather [hbm4b:s20+s5], $0x50, $0x38;
	[tilespmem:$0x1F200] =	vst v63  }
0xb3: {  	_ =	swait.ge [sflag:s31], $0x50  }
0xb4: {  	[sflag:s31] =	ssyncset.done $0x0  }
0xb5: {  	[sflag:s31] =	ssyncadd.s32 $0xFFFFFFB0  }
0xb6: {  	_ =	swait.ge [sflag:s31], $0x50  }
0xb7: {  	[sflag:s31] =	ssyncset.done $0x0  }
0xb8: {  	[sflag:s31] =	ssyncadd.s32 $0xFFFFFFB0  }
0xb9: {  	[tilespmem:s8], [sflag:$0x3] =	stream.indirect.gather [hbm4b:s1+s7], $0x80, s5, s7, $0xb8;
	[tilespmem:$0x1F200] =	vst v63  }
0xba: {  	s21 =	rddreg [dreg:$0x1b]  }
0xbb: {  	[tilespmem:s9], [sflag:$0x5] =	stream.linear.gather [hbm4b:s21+s5], $0x2800, $0x38;
	[tilespmem:$0x1F200] =	vst v63  }
0xbc: {  	s20 =	simm.s32 $0x80;
	s24 =	rddreg [dreg:$0x1c]  }
0xbd: {  	[tilespmem:s20], [sflag:$0x2] =	stream.linear.gather [hbm4b:s24+s5], $0x50, $0x38;
	[tilespmem:$0x1F200] =	vst v63  }
0xbe: {  	s19 =	simm.s32 $0x0;
	s26 =	rddreg [dreg:$0x1d];
	s20 =	simm.s32 $0x200  }
0xbf: {  	[tilespmem:s10], [sflag:$0x2] =	stream.linear.gather [hbm4b:s26+s5], $0x50, $0x38;
	[tilespmem:$0x1F200] =	vst v63  }
.LBB2_2:
0xc0: {  	p0 =	sne.s32 s20, $0x3E00;
	[tilespmem:s19+$0xA270] =	vst v0  }
0xc1: {  	[tilespmem:s19+$0xA200] =	vst v0  }
0xc2: {  	[tilespmem:s19+$0xA210] =	vst v0  }
.Ltmp2:
0xc3: {  	[tilespmem:s19+$0xA220] =	vst v0;
	(pc) =	sbr.rel @p0 .LBB2_2-.Ltmp2, $4  }
0xc4: {  	[tilespmem:s19+$0xA230] =	vst v0  }
0xc5: {  	[tilespmem:s19+$0xA240] =	vst v0  }
0xc6: {  	[tilespmem:s19+$0xA250] =	vst v0  }
0xc7: {  	[tilespmem:s19+$0xA260] =	vst v0;
	s19 =	sshra.s32 s20, $0x2;
	s20 =	sadd.s32 $0x200, s20  }
0xc8: {  	[tilespmem:s19+$0xA270] =	vst v0  }
0xc9: {  	[tilespmem:s19+$0xA200] =	vst v0  }
0xca: {  	[tilespmem:s19+$0xA210] =	vst v0  }
0xcb: {  	[tilespmem:s19+$0xA220] =	vst v0  }
0xcc: {  	[tilespmem:s19+$0xA230] =	vst v0  }
0xcd: {  	[tilespmem:s19+$0xA240] =	vst v0  }
0xce: {  	[tilespmem:s19+$0xA250] =	vst v0  }
0xcf: {  	[tilespmem:s19+$0xA260] =	vst v0  }
0xd0: {  	[spmem:s22] =	stream.linear.scatter [tilespmem:s11], [sflag:$0x7], $0x1000, $0x38;
	[tilespmem:$0x1F200] =	vst v63  }
0xd1: {  	_ =	swait.ge [sflag:s12], $0x1000  }
0xd2: {  	[sflag:s12] =	ssyncset.done $0x0  }
0xd3: {  	s26 =	rddreg [dreg:$0x1e];
	[sflag:s12] =	ssyncadd.s32 $0xFFFFF000  }
0xd4: {  	[spmem:s26] =	stream.linear.scatter [tilespmem:s11], [sflag:$0x7], $0x1000, $0x38;
	[tilespmem:$0x1F200] =	vst v63  }
0xd5: {  	_ =	swait.ge [sflag:s12], $0x1000  }
0xd6: {  	[sflag:s12] =	ssyncset.done $0x0  }
0xd7: {  	s20 =	rddreg [dreg:$0x1f];
	[sflag:s12] =	ssyncadd.s32 $0xFFFFF000  }
0xd8: {  	[spmem:s20] =	stream.linear.scatter [tilespmem:s11], [sflag:$0x7], $0x1000, $0x38;
	[tilespmem:$0x1F200] =	vst v63  }
0xd9: {  	_ =	swait.ge [sflag:s12], $0x1000  }
0xda: {  	s21 =	sld [smem:$0x7EE]  }
0xdb: {  	[sflag:s12] =	ssyncset.done $0x0  }
0xdc: {  	[sflag:s12] =	ssyncadd.s32 $0xFFFFF000  }
0xdd: {  	[spmem:s21] =	stream.linear.scatter [tilespmem:s11], [sflag:$0x7], $0x1000, $0x38;
	[tilespmem:$0x1F200] =	vst v63  }
0xde: {  	_ =	swait.ge [sflag:s12], $0x1000  }
0xdf: {  	s24 =	smov.u32 s22;
	s22 =	sld [smem:$0x7EF]  }
0xe0: {  	[sflag:s12] =	ssyncset.done $0x0  }
0xe1: {  	[sflag:s12] =	ssyncadd.s32 $0xFFFFF000  }
0xe2: {  	[spmem:s22] =	stream.linear.scatter [tilespmem:s11], [sflag:$0x7], $0x1000, $0x38;
	[tilespmem:$0x1F200] =	vst v63  }
0xe3: {  	_ =	swait.ge [sflag:s12], $0x1000  }
0xe4: {  	s26 =	sld [smem:$0x7F0]  }
0xe5: {  	[sflag:s12] =	ssyncset.done $0x0  }
0xe6: {  	[sflag:s12] =	ssyncadd.s32 $0xFFFFF000  }
0xe7: {  	[spmem:s26] =	stream.linear.scatter [tilespmem:s11], [sflag:$0x7], $0x1000, $0x38;
	[tilespmem:$0x1F200] =	vst v63  }
0xe8: {  	_ =	swait.ge [sflag:s12], $0x1000  }
0xe9: {  	s20 =	sld [smem:$0x7F1]  }
0xea: {  	[sflag:s12] =	ssyncset.done $0x0  }
0xeb: {  	[sflag:s12] =	ssyncadd.s32 $0xFFFFF000  }
0xec: {  	[spmem:s20] =	stream.linear.scatter [tilespmem:s11], [sflag:$0x7], $0x1000, $0x38;
	[tilespmem:$0x1F200] =	vst v63  }
0xed: {  	_ =	swait.ge [sflag:s12], $0x1000  }
0xee: {  	s21 =	sld [smem:$0x7F2]  }
0xef: {  	[sflag:s12] =	ssyncset.done $0x0  }
0xf0: {  	[sflag:s12] =	ssyncadd.s32 $0xFFFFF000  }
0xf1: {  	[spmem:s21] =	stream.linear.scatter [tilespmem:s11], [sflag:$0x7], $0x1000, $0x38;
	[tilespmem:$0x1F200] =	vst v63  }
0xf2: {  	_ =	swait.ge [sflag:s12], $0x1000  }
0xf3: {  	s22 =	sld [smem:$0x7F3]  }
0xf4: {  	[sflag:s12] =	ssyncset.done $0x0  }
0xf5: {  	[sflag:s12] =	ssyncadd.s32 $0xFFFFF000  }
0xf6: {  	[spmem:s22] =	stream.linear.scatter [tilespmem:s11], [sflag:$0x7], $0x1000, $0x38;
	[tilespmem:$0x1F200] =	vst v63  }
0xf7: {  	_ =	swait.ge [sflag:s12], $0x1000  }
0xf8: {  	s26 =	sld [smem:$0x7F4]  }
0xf9: {  	[sflag:s12] =	ssyncset.done $0x0  }
0xfa: {  	[sflag:s12] =	ssyncadd.s32 $0xFFFFF000  }
0xfb: {  	[spmem:s26] =	stream.linear.scatter [tilespmem:s11], [sflag:$0x7], $0x1000, $0x38;
	[tilespmem:$0x1F200] =	vst v63  }
0xfc: {  	_ =	swait.ge [sflag:s12], $0x1000  }
0xfd: {  	s20 =	sld [smem:$0x7F5]  }
0xfe: {  	[sflag:s12] =	ssyncset.done $0x0  }
0xff: {  	[sflag:s12] =	ssyncadd.s32 $0xFFFFF000  }
0x100: {  	[spmem:s20] =	stream.linear.scatter [tilespmem:s11], [sflag:$0x7], $0x1000, $0x38;
	[tilespmem:$0x1F200] =	vst v63  }
0x101: {  	_ =	swait.ge [sflag:s12], $0x1000  }
0x102: {  	s21 =	sld [smem:$0x7F6]  }
0x103: {  	[sflag:s12] =	ssyncset.done $0x0  }
0x104: {  	[sflag:s12] =	ssyncadd.s32 $0xFFFFF000  }
0x105: {  	[spmem:s21] =	stream.linear.scatter [tilespmem:s11], [sflag:$0x7], $0x1000, $0x38;
	[tilespmem:$0x1F200] =	vst v63  }
0x106: {  	_ =	swait.ge [sflag:s12], $0x1000  }
0x107: {  	s22 =	sld [smem:$0x7F7]  }
0x108: {  	[sflag:s12] =	ssyncset.done $0x0  }
0x109: {  	[sflag:s12] =	ssyncadd.s32 $0xFFFFF000  }
0x10a: {  	[spmem:s22] =	stream.linear.scatter [tilespmem:s11], [sflag:$0x7], $0x1000, $0x38;
	[tilespmem:$0x1F200] =	vst v63  }
0x10b: {  	_ =	swait.ge [sflag:s12], $0x1000  }
0x10c: {  	s26 =	sld [smem:$0x7F8]  }
0x10d: {  	[sflag:s12] =	ssyncset.done $0x0  }
0x10e: {  	[sflag:s12] =	ssyncadd.s32 $0xFFFFF000  }
0x10f: {  	[spmem:s26] =	stream.linear.scatter [tilespmem:s11], [sflag:$0x7], $0x1000, $0x38;
	[tilespmem:$0x1F200] =	vst v63  }
0x110: {  	_ =	swait.ge [sflag:s12], $0x1000  }
0x111: {  	s20 =	sld [smem:$0x7F9]  }
0x112: {  	[sflag:s12] =	ssyncset.done $0x0  }
0x113: {  	[sflag:s12] =	ssyncadd.s32 $0xFFFFF000  }
0x114: {  	[spmem:s20] =	stream.linear.scatter [tilespmem:s11], [sflag:$0x7], $0x1000, $0x38;
	[tilespmem:$0x1F200] =	vst v63  }
0x115: {  	_ =	swait.ge [sflag:s12], $0x1000  }
0x116: {  	s21 =	sld [smem:$0x7FA]  }
0x117: {  	[sflag:s12] =	ssyncset.done $0x0  }
0x118: {  	[sflag:s12] =	ssyncadd.s32 $0xFFFFF000  }
0x119: {  	[spmem:s21] =	stream.linear.scatter [tilespmem:s11], [sflag:$0x7], $0x1000, $0x38;
	[tilespmem:$0x1F200] =	vst v63  }
0x11a: {  	_ =	swait.ge [sflag:s12], $0x1000  }
0x11b: {  	[sflag:s12] =	ssyncset.done $0x0  }
0x11c: {  	[sflag:s12] =	ssyncadd.s32 $0xFFFFF000  }
0x11d: {  	[spmem:s23] =	stream.linear.scatter [tilespmem:s11], [sflag:$0x7], $0x1000, $0x38;
	[tilespmem:$0x1F200] =	vst v63  }
0x11e: {  	_ =	swait.ge [sflag:s12], $0x1000  }
0x11f: {  	s22 =	sld [smem:$0x7FB]  }
0x120: {  	[sflag:s12] =	ssyncset.done $0x0  }
0x121: {  	[sflag:s12] =	ssyncadd.s32 $0xFFFFF000  }
0x122: {  	[spmem:s22] =	stream.linear.scatter [tilespmem:s11], [sflag:$0x7], $0x1000, $0x38;
	[tilespmem:$0x1F200] =	vst v63  }
0x123: {  	_ =	swait.ge [sflag:s12], $0x1000  }
0x124: {  	s26 =	smov.u32 s23;
	s23 =	sld [smem:$0x7FC]  }
0x125: {  	[sflag:s12] =	ssyncset.done $0x0  }
0x126: {  	[sflag:s12] =	ssyncadd.s32 $0xFFFFF000  }
0x127: {  	[spmem:s23] =	stream.linear.scatter [tilespmem:s11], [sflag:$0x7], $0x1000, $0x38;
	[tilespmem:$0x1F200] =	vst v63  }
0x128: {  	_ =	swait.ge [sflag:s12], $0x1000  }
0x129: {  	[sflag:s12] =	ssyncset.done $0x0  }
0x12a: {  	[sflag:s12] =	ssyncadd.s32 $0xFFFFF000  }
0x12b: {  	[spmem:s30] =	stream.linear.scatter [tilespmem:s11], [sflag:$0x7], $0x1000, $0x38;
	[tilespmem:$0x1F200] =	vst v63  }
.Ltmp3:
0x12c: {  	_ =	swait.ge [sflag:s12], $0x1000;
	(pc) =	sbr.rel .LBB2_4-.Ltmp3, $4  }
0x12d: {  	[sflag:s12] =	ssyncset.done $0x0  }
0x12e: {  	[sflag:s12] =	ssyncadd.s32 $0xFFFFF000  }
0x12f: {  	[bflag:$0x0] =	sbarrier.arrive $0xFFFF  }
0x130: {  	s19 =	simm.s32 $0x0  }
.LBB2_11:
0x131: {  	s19 =	sadd.s32 $0x1, s19  }
0x132: {  	p0 =	sne.s32 s19, $0x3F  }
.Ltmp4:
0x133: {  	_ = 	snop;
	(pc) =	sbr.rel @!p0 .LBB2_12-.Ltmp4, $1  }
0x134: {  	_ =	sdelay $0x3  }
.LBB2_4:
0x135: {  	s20 =	sshllo.u32 s19, $0x1  }
0x136: {  	p0 =	sgt.u32 s20, $0x7C  }
0x137: {  	s21 =	simm.s32 @!p0 $0x2  }
0x138: {  	_ =	swait.ge @!p0 [sflag:s21], $0x50  }
0x139: {  	[sflag:s21] =	ssyncset.done @!p0 $0x0  }
0x13a: {  	s20 =	smul.u32 @!p0 $0x50, s20;
	[sflag:s21] =	ssyncadd.s32 @!p0 $0xFFFFFFB0  }
0x13b: {  	s22 =	simm.s32 @!p0 $0x80;
	_ =	swait.ge @!p0 [sflag:s21], $0x50  }
0x13c: {  	s23 =	simm.s32 @!p0 $0x2A00;
	s20 =	sadd.s32 @!p0 s25, s20;
	[sflag:s21] =	ssyncset.done @!p0 $0x0  }
0x13d: {  	s20 =	sshll.u32 @!p0 s20, $0x4;
	[sflag:s21] =	ssyncadd.s32 @!p0 $0xFFFFFFB0;
	s21 =	simm.s32 @!p0 $0x50  }
0x13e: {  	[tilespmem:s23], [sflag:$0x4] =	stream.indirect.gather @!p0 [hbm4b:s1+s21], $0x80, s22, s21, $0xb8;
	[tilespmem:$0x1F200] =	vst v63  }
0x13f: {  	s20 =	sadd.s32 @!p0 s28, s20;
	s21 =	simm.s32 @!p0 $0x0;
	s22 =	simm.s32 @!p0 $0x7A00  }
0x140: {  	[tilespmem:s22], [sflag:$0x6] =	stream.linear.gather @!p0 [hbm4b:s20+s21], $0x2800, $0x38;
	[tilespmem:$0x1F200] =	vst v63  }
0x141: {  	_ =	swait.ge [sflag:s13], $0x2800  }
0x142: {  	[sflag:s13] =	ssyncset.done $0x0  }
0x143: {  	[sflag:s13] =	ssyncadd.s32 $0xFFFFD800  }
0x144: {  	_ =	swait.ge [sflag:s14], $0x2800  }
0x145: {  	[sflag:s14] =	ssyncset.done $0x0  }
0x146: {  	s20 =	simm.s32 $0x0;
	[sflag:s14] =	ssyncadd.s32 $0xFFFFD800  }
0x147: {  	v5 =	vld [tilespmem:s20+$0x5200]  }
0x148: {  	v3 =	vld [tilespmem:s20+$0x5210]  }
0x149: {  	v2 =	vld [tilespmem:s20+$0x5220]  }
0x14a: {  	v1 =	vld [tilespmem:s20+$0x5230]  }
0x14b: {  	v9 =	vld [tilespmem:s20+$0x200]  }
0x14c: {  	v8 =	vld [tilespmem:s20+$0x210]  }
0x14d: {  	v7 =	vld [tilespmem:s20+$0x220]  }
0x14e: {  	v6 =	vld [tilespmem:s20+$0x230]  }
0x14f: {  	v4 =	vld [tilespmem:s20+$0x240];
	v11 =	vshll.u32 v5, $0x10  }
0x150: {  	s21 =	simm.s32 $0x200;
	v10 =	vand.u32 $0xFFFF0000, v5;
	v5 =	vld [tilespmem:s20+$0x250];
	v9 =	vmul.f32 v11, v9  }
.LBB2_5:
0x151: {  	p1 =	sne.s32 s21, $0x9E00;
	v8 =	vmul.f32 v10, v8;
	v10 =	vshll.u32 v3, $0x10;
	v11 =	vld [tilespmem:s20+$0x260]  }
0x152: {  	s22 =	sshra.s32 s21, $0x2;
	v3 =	vand.u32 $0xFFFF0000, v3;
	[tilespmem:s20+$0x200] =	vst v9;
	v7 =	vmul.f32 v10, v7;
	v9 =	vld [tilespmem:s20+$0x270]  }
0x153: {  	v10 =	vld [tilespmem:s22+$0x5200];
	[tilespmem:s20+$0x210] =	vst v8;
	v6 =	vmul.f32 v3, v6;
	v8 =	vshll.u32 v2, $0x10  }
0x154: {  	v3 =	vld [tilespmem:s22+$0x5210];
	[tilespmem:s20+$0x220] =	vst v7;
	v7 =	vand.u32 $0xFFFF0000, v2;
	v4 =	vmul.f32 v8, v4  }
0x155: {  	v2 =	vld [tilespmem:s22+$0x5220];
	[tilespmem:s20+$0x230] =	vst v6;
	v5 =	vmul.f32 v7, v5;
	v6 =	vshll.u32 v1, $0x10  }
0x156: {  	[tilespmem:s20+$0x240] =	vst v4;
	v4 =	vand.u32 $0xFFFF0000, v1;
	v1 =	vld [tilespmem:s22+$0x5230];
	v6 =	vmul.f32 v6, v11  }
0x157: {  	v11 =	vld [tilespmem:s22+$0x200];
	[tilespmem:s20+$0x250] =	vst v5;
	v4 =	vmul.f32 v4, v9  }
.Ltmp5:
0x158: {  	v8 =	vld [tilespmem:s22+$0x210];
	[tilespmem:s20+$0x260] =	vst v6;
	(pc) =	sbr.rel @p1 .LBB2_5-.Ltmp5, $4  }
0x159: {  	v7 =	vld [tilespmem:s22+$0x220];
	[tilespmem:s20+$0x270] =	vst v4;
	s20 =	smov.u32 s22  }
0x15a: {  	v6 =	vld [tilespmem:s20+$0x230]  }
0x15b: {  	v5 =	vshll.u32 v10, $0x10;
	v4 =	vld [tilespmem:s20+$0x240]  }
0x15c: {  	s21 =	sadd.s32 $0x200, s21;
	v10 =	vand.u32 $0xFFFF0000, v10;
	v9 =	vmul.f32 v5, v11;
	v5 =	vld [tilespmem:s20+$0x250]  }
0x15d: {  	v11 =	vld [tilespmem:s20+$0x260];
	v8 =	vmul.f32 v10, v8;
	v61 =	vshll.u32 v3, $0x10  }
0x15e: {  	v3 =	vand.u32 $0xFFFF0000, v3;
	v62 =	vld [tilespmem:s20+$0x270];
	[tilespmem:s20+$0x200] =	vst v9;
	v7 =	vmul.f32 v61, v7  }
0x15f: {  	v63 =	vshll.u32 v2, $0x10;
	[tilespmem:s20+$0x210] =	vst v8;
	v3 =	vmul.f32 v3, v6  }
0x160: {  	v2 =	vand.u32 $0xFFFF0000, v2;
	[tilespmem:s20+$0x220] =	vst v7;
	v4 =	vmul.f32 v63, v4  }
0x161: {  	[tilespmem:s20+$0x230] =	vst v3;
	v2 =	vmul.f32 v2, v5;
	v3 =	vshll.u32 v1, $0x10  }
0x162: {  	v1 =	vand.u32 $0xFFFF0000, v1;
	[tilespmem:s20+$0x240] =	vst v4;
	v3 =	vmul.f32 v3, v11  }
0x163: {  	v1 =	vmul.f32 v1, v62;
	[tilespmem:s20+$0x250] =	vst v2  }
0x164: {  	p1 =	seq.s32 s19, $0x3E;
	[tilespmem:s20+$0x260] =	vst v3  }
.Ltmp6:
0x165: {  	[tilespmem:s20+$0x270] =	vst v1;
	(pc) =	sbr.rel @p1 .LBB2_12-.Ltmp6, $4  }
0x166: {  	[spmem:s3] =	stream.indirect.scatter.add.f32 [tilespmem:s8], [sflag:$0x7], $0x80, s6, s7, $0xb8;
	[tilespmem:$0x1F200] =	vst v63  }
0x167: {  	_ =	swait.ge [sflag:s12], $0x2800  }
0x168: {  	[sflag:s12] =	ssyncset.done $0x0  }
0x169: {  	[sflag:s12] =	ssyncadd.s32 $0xFFFFD800  }
0x16a: {  	s20 =	smul.u32 $0xA0, s19;
	_ =	sdelay $0x1  }
0x16b: {  	s21 =	sadd.s32 s20, s0  }
.Ltmp7:
0x16c: {  	s22 =	sshrl.u32 s21, $0x3;
	(pc) =	sbr.rel @p0 .LBB2_11-.Ltmp7, $4  }
0x16d: {  	s23 =	sadd.s32 s29, s22  }
0x16e: {  	[tilespmem:s5], [sflag:$0x1] =	stream.linear.gather [hbm4b:s23+s5], $0x50, $0x38;
	[tilespmem:$0x1F200] =	vst v63  }
0x16f: {  	s22 =	sadd.s32 s2, s22  }
0x170: {  	[tilespmem:s6], [sflag:$0x1] =	stream.linear.gather [hbm4b:s22+s5], $0x50, $0x38;
	[tilespmem:$0x1F200] =	vst v63  }
0x171: {  	_ =	swait.ge [sflag:s31], $0x50  }
0x172: {  	[sflag:s31] =	ssyncset.done $0x0  }
0x173: {  	[sflag:s31] =	ssyncadd.s32 $0xFFFFFFB0  }
0x174: {  	_ =	swait.ge [sflag:s31], $0x50  }
0x175: {  	[sflag:s31] =	ssyncset.done $0x0  }
0x176: {  	s22 =	simm.s32 $0x0;
	s21 =	sshll.u32 s21, $0x4;
	[sflag:s31] =	ssyncadd.s32 $0xFFFFFFB0  }
0x177: {  	[tilespmem:s8], [sflag:$0x3] =	stream.indirect.gather [hbm4b:s1+s7], $0x80, s22, s7, $0xb8;
	[tilespmem:$0x1F200] =	vst v63  }
0x178: {  	s21 =	sadd.s32 s28, s21  }
0x179: {  	[tilespmem:s9], [sflag:$0x5] =	stream.linear.gather [hbm4b:s21+s22], $0x2800, $0x38;
	[tilespmem:$0x1F200] =	vst v63  }
0x17a: {  	_ =	swait.ge [sflag:s15], $0x2800  }
0x17b: {  	[sflag:s15] =	ssyncset.done $0x0  }
0x17c: {  	[sflag:s15] =	ssyncadd.s32 $0xFFFFD800  }
0x17d: {  	_ =	swait.ge [sflag:s16], $0x2800  }
0x17e: {  	[sflag:s16] =	ssyncset.done $0x0  }
0x17f: {  	s21 =	simm.s32 $0x0;
	[sflag:s16] =	ssyncadd.s32 $0xFFFFD800  }
0x180: {  	v5 =	vld [tilespmem:s21+$0x7A00]  }
0x181: {  	v3 =	vld [tilespmem:s21+$0x7A10]  }
0x182: {  	v2 =	vld [tilespmem:s21+$0x7A20]  }
0x183: {  	v1 =	vld [tilespmem:s21+$0x7A30]  }
0x184: {  	v9 =	vld [tilespmem:s21+$0x2A00]  }
0x185: {  	v8 =	vld [tilespmem:s21+$0x2A10]  }
0x186: {  	v7 =	vld [tilespmem:s21+$0x2A20]  }
0x187: {  	v6 =	vld [tilespmem:s21+$0x2A30]  }
0x188: {  	v4 =	vld [tilespmem:s21+$0x2A40];
	v11 =	vshll.u32 v5, $0x10  }
0x189: {  	s22 =	simm.s32 $0x200;
	v10 =	vand.u32 $0xFFFF0000, v5;
	v5 =	vld [tilespmem:s21+$0x2A50];
	v9 =	vmul.f32 v11, v9  }
.LBB2_9:
0x18a: {  	p0 =	sne.s32 s22, $0x9E00;
	v8 =	vmul.f32 v10, v8;
	v10 =	vshll.u32 v3, $0x10;
	v11 =	vld [tilespmem:s21+$0x2A60]  }
0x18b: {  	s23 =	sshra.s32 s22, $0x2;
	v3 =	vand.u32 $0xFFFF0000, v3;
	[tilespmem:s21+$0x2A00] =	vst v9;
	v7 =	vmul.f32 v10, v7;
	v9 =	vld [tilespmem:s21+$0x2A70]  }
0x18c: {  	v10 =	vld [tilespmem:s23+$0x7A00];
	[tilespmem:s21+$0x2A10] =	vst v8;
	v6 =	vmul.f32 v3, v6;
	v8 =	vshll.u32 v2, $0x10  }
0x18d: {  	v3 =	vld [tilespmem:s23+$0x7A10];
	[tilespmem:s21+$0x2A20] =	vst v7;
	v7 =	vand.u32 $0xFFFF0000, v2;
	v4 =	vmul.f32 v8, v4  }
0x18e: {  	v2 =	vld [tilespmem:s23+$0x7A20];
	[tilespmem:s21+$0x2A30] =	vst v6;
	v5 =	vmul.f32 v7, v5;
	v6 =	vshll.u32 v1, $0x10  }
0x18f: {  	[tilespmem:s21+$0x2A40] =	vst v4;
	v4 =	vand.u32 $0xFFFF0000, v1;
	v1 =	vld [tilespmem:s23+$0x7A30];
	v6 =	vmul.f32 v6, v11  }
0x190: {  	v11 =	vld [tilespmem:s23+$0x2A00];
	[tilespmem:s21+$0x2A50] =	vst v5;
	v4 =	vmul.f32 v4, v9  }
.Ltmp8:
0x191: {  	v8 =	vld [tilespmem:s23+$0x2A10];
	[tilespmem:s21+$0x2A60] =	vst v6;
	(pc) =	sbr.rel @p0 .LBB2_9-.Ltmp8, $4  }
0x192: {  	v7 =	vld [tilespmem:s23+$0x2A20];
	[tilespmem:s21+$0x2A70] =	vst v4;
	s21 =	smov.u32 s23  }
0x193: {  	v6 =	vld [tilespmem:s21+$0x2A30]  }
0x194: {  	v5 =	vshll.u32 v10, $0x10;
	v4 =	vld [tilespmem:s21+$0x2A40]  }
0x195: {  	s22 =	sadd.s32 $0x200, s22;
	v10 =	vand.u32 $0xFFFF0000, v10;
	v9 =	vmul.f32 v5, v11;
	v5 =	vld [tilespmem:s21+$0x2A50]  }
0x196: {  	v11 =	vld [tilespmem:s21+$0x2A60];
	v8 =	vmul.f32 v10, v8;
	v61 =	vshll.u32 v3, $0x10  }
0x197: {  	v3 =	vand.u32 $0xFFFF0000, v3;
	v62 =	vld [tilespmem:s21+$0x2A70];
	[tilespmem:s21+$0x2A00] =	vst v9;
	v7 =	vmul.f32 v61, v7  }
0x198: {  	v63 =	vshll.u32 v2, $0x10;
	[tilespmem:s21+$0x2A10] =	vst v8;
	v3 =	vmul.f32 v3, v6  }
0x199: {  	v2 =	vand.u32 $0xFFFF0000, v2;
	[tilespmem:s21+$0x2A20] =	vst v7;
	v4 =	vmul.f32 v63, v4  }
0x19a: {  	[tilespmem:s21+$0x2A30] =	vst v3;
	v2 =	vmul.f32 v2, v5;
	v3 =	vshll.u32 v1, $0x10  }
0x19b: {  	v1 =	vand.u32 $0xFFFF0000, v1;
	[tilespmem:s21+$0x2A40] =	vst v4;
	v3 =	vmul.f32 v3, v11  }
0x19c: {  	v1 =	vmul.f32 v1, v62;
	[tilespmem:s21+$0x2A50] =	vst v2  }
0x19d: {  	[tilespmem:s21+$0x2A60] =	vst v3  }
0x19e: {  	p0 =	sgt.u32 s19, $0x3C;
	[tilespmem:s21+$0x2A70] =	vst v1  }
0x19f: {  	[spmem:s3] =	stream.indirect.scatter.add.f32 [tilespmem:s17], [sflag:$0x7], $0x80, s10, s7, $0xb8;
	[tilespmem:$0x1F200] =	vst v63  }
0x1a0: {  	s20 =	sadd.s32 @!p0 s20, s4;
	s22 =	simm.s32 @!p0 $0x0;
	_ =	swait.ge [sflag:s12], $0x2800  }
.Ltmp9:
0x1a1: {  	s20 =	sshrl.u32 @!p0 s20, $0x3;
	[sflag:s12] =	ssyncset.done $0x0;
	(pc) =	sbr.rel .LBB2_11-.Ltmp9, $4  }
0x1a2: {  	s23 =	simm.s32 @!p0 $0x80;
	s21 =	sadd.s32 @!p0 s29, s20;
	[sflag:s12] =	ssyncadd.s32 $0xFFFFD800  }
0x1a3: {  	[tilespmem:s23], [sflag:$0x2] =	stream.linear.gather @!p0 [hbm4b:s21+s22], $0x50, $0x38;
	[tilespmem:$0x1F200] =	vst v63  }
0x1a4: {  	s20 =	sadd.s32 @!p0 s2, s20;
	s21 =	simm.s32 @!p0 $0x180  }
0x1a5: {  	[tilespmem:s21], [sflag:$0x2] =	stream.linear.gather @!p0 [hbm4b:s20+s22], $0x50, $0x38;
	[tilespmem:$0x1F200] =	vst v63  }
.LBB2_13:
0x1a6: {  	_ =	sfence.sel $0x180000  }
0x1a7: {  	[bflag:$0x0] =	sbarrier.arrive $0xFFFF  }
0x1a8: {  	_ =	strace $0x90000047  }
0x1a9: {  	s0 =	stileid.u32;
	[bflag:$0x2] =	sbarrier.arrive $0xFFFF  }
0x1aa: {  	p0 =	sne.s32 s0, $0x0;
	s0 =	rddreg [dreg:$0x4]  }
0x1ab: {  	s0 =	sadd.s32 @!p0 $0x100000, s0  }
0x1ac: {  	[sflag:s0] =	ssyncadd.tile.s32 @!p0 $0x1;
	_ =	shalt  }
.Lfunc_end2:
_tile_overlayer_lowered:
.L_overlay_start_2:
0x1ad: {  	(tag) =	ssettag $0x2  }
0x1ae: {  	s0 =	rddreg [dreg:$0x0];
	s2 =	stileid.u32  }
0x1af: {  	s1 =	rddreg [dreg:$0x1];
	p0 =	sne.s32 s2, $0x0  }
0x1b0: {  	s3 =	rddreg [dreg:$0x2];
	[bflag:$0x3] =	sbarrier.arrive $0xFFFF;
	s2 =	simm.s32 @!p0 $0x1C07  }
0x1b1: {  	[timem:s3], [sflag:s2] =	dma.local @!p0 [hbm:s0], s1  }
0x1b2: {  	s0 =	simm.s32 @!p0 $0x7  }
0x1b3: {  	_ =	swait.ge @!p0 [sflag:s0], s1  }
0x1b4: {  	s1 =	ssub.s32 @!p0 $0x0, s1;
	[sflag:s0] =	ssyncset.done @!p0 $0x0  }
0x1b5: {  	[sflag:s0] =	ssyncadd.s32 @!p0 s1  }
0x1b6: {  	[bflag:$0x3] =	sbarrier.arrive $0xFFFF  }
0x1b7: {  	_ =	shalt  }

</sc_bundles>
